<compile_context>
chip_gen: v7x
topology: tpu7x:2x2x1
jax: 0.10.2.dev20260603
libtpu: 0.0.44.dev20260713+nightly
codegen_flags: <defaults>
</compile_context>

<pallas_src>
import functools

import jax
import jax.numpy as jnp
import numpy as np
from jax import lax
from jax.experimental import pallas as pl
from jax.experimental.pallas import tpu as pltpu
from jax.experimental.pallas import tpu_sc as plsc



def _qkv_body(h_ref, wq_ref, wk_ref, wv_ref, webt_ref, wrbft_ref, wef_ref,
              web_ref, q_ref, k_ref, v_ref, wrbt_ref, wfb_ref):
    h = h_ref[...]
    q_ref[...] = jnp.dot(h, wq_ref[...], preferred_element_type=jnp.float32)
    k_ref[...] = jnp.dot(h, wk_ref[...], preferred_element_type=jnp.float32)
    v_ref[...] = jnp.dot(h, wv_ref[...], preferred_element_type=jnp.float32)
    wrbt_ref[...] = jnp.dot(webt_ref[...], wrbft_ref[...],
                            preferred_element_type=jnp.float32)
    wfb = jnp.dot(wef_ref[...], web_ref[...],
                  preferred_element_type=jnp.float32)
    wfb_ref[...] = jnp.pad(wfb, ((0, 0), (0, 12)))


def _qkv(H, Wq, Wk, Wv, W_ebT, W_rbfT, W_ef, W_eb, bn):
    n, d = H.shape
    grid = (n // bn,)
    full = pl.BlockSpec((d, d), lambda i: (0, 0))
    row = pl.BlockSpec((bn, d), lambda i: (i, 0))

    def wspec(shp):
        return pl.BlockSpec(shp, lambda i: (0, 0))

    return pl.pallas_call(
        _qkv_body,
        grid=grid,
        in_specs=[row, full, full, full,
                  wspec(W_ebT.shape), wspec(W_rbfT.shape),
                  wspec(W_ef.shape), wspec(W_eb.shape)],
        out_specs=[row, row, row, wspec((4, 16)), wspec((2, 16))],
        out_shape=[jax.ShapeDtypeStruct((n, d), jnp.float32)] * 3
        + [jax.ShapeDtypeStruct((4, 16), jnp.float32),
           jax.ShapeDtypeStruct((2, 16), jnp.float32)],
    )(H, Wq, Wk, Wv, W_ebT, W_rbfT, W_ef, W_eb)


def _efb_body(ef_ref, wfb_ref, out_ref):
    out_ref[...] = jnp.dot(ef_ref[...], wfb_ref[...],
                           preferred_element_type=jnp.float32)


def _efb(Ef, Wfb, be):
    e = Ef.shape[0]
    return pl.pallas_call(
        _efb_body,
        grid=(e // be,),
        in_specs=[pl.BlockSpec((be, 2), lambda i: (i, 0)),
                  pl.BlockSpec((2, 16), lambda i: (0, 0))],
        out_specs=pl.BlockSpec((be, 16), lambda i: (i, 0)),
        out_shape=jax.ShapeDtypeStruct((e, 16), jnp.float32),
    )(Ef, Wfb)



def _vsqrt(a):
    i = plsc.bitcast(a, jnp.int32)
    x = plsc.bitcast((i >> 1) + jnp.int32(0x1FBD1DF5), jnp.float32)
    x = 0.5 * (x + a / x)
    x = 0.5 * (x + a / x)
    x = 0.5 * (x + a / x)
    return x


def _sc_fused(Q, K, V, Xp, dstI, srcI, Efb, WrbT, Zeros):
    n, d = Q.shape
    dd = 144
    e = dstI.shape[0]
    nw = 32
    per_w = e // nw
    C = 40
    pairs = per_w // (2 * C)
    rpt = n // 16
    inv_s = 1.0 / np.sqrt(32.0)
    mesh = plsc.VectorSubcoreMesh(core_axis_name="c", subcore_axis_name="s")

    @functools.partial(
        pl.kernel,
        mesh=mesh,
        out_type=jax.ShapeDtypeStruct((2, n, dd), jnp.float32),
        scratch_types=[
            pltpu.VMEM_SHARED((n, dd), jnp.float32),
            pltpu.VMEM((C,), jnp.int32),
            pltpu.VMEM((C,), jnp.int32),
            pltpu.VMEM((C,), jnp.int32),
            pltpu.VMEM((C,), jnp.int32),
            pltpu.VMEM((C, d), jnp.float32),
            pltpu.VMEM((C, d), jnp.float32),
            pltpu.VMEM((C, 16), jnp.float32),
            pltpu.VMEM((C, 16), jnp.float32),
            pltpu.VMEM((C, d), jnp.float32),
            pltpu.VMEM((C, d), jnp.float32),
            pltpu.VMEM((C, d), jnp.float32),
            pltpu.VMEM((C, d), jnp.float32),
            pltpu.VMEM((C, 16), jnp.float32),
            pltpu.VMEM((C, 16), jnp.float32),
            pltpu.VMEM((C, 16), jnp.float32),
            pltpu.VMEM((C, 16), jnp.float32),
            pltpu.VMEM((C, dd), jnp.float32),
            pltpu.VMEM((4, 16), jnp.float32),
        ] + [pltpu.SemaphoreType.DMA] * 12,
        compiler_params=pltpu.CompilerParams(use_tc_tiling_on_sc=False,
                                             needs_layout_passes=False),
    )
    def k(q_hbm, k_hbm, v_hbm, x_hbm, dst_hbm, src_hbm, efb_hbm, wrbt_hbm,
          zero_hbm, out_hbm, shared, idxda, idxsa, idxdb, idxsb,
          qda, qdb, xda, xdb, ka, kb, va, vb, xsa, xsb, efa, efb, outb, wb,
          sqa, sxa, ska, sva, sxsa, sea, sqb, sxb, skb, svb, sxsb, seb):
        c = lax.axis_index("c")
        s = lax.axis_index("s")
        nb = s * rpt
        pltpu.sync_copy(zero_hbm.at[pl.ds(nb, rpt)],
                        shared.at[pl.ds(nb, rpt)])
        pltpu.sync_copy(wrbt_hbm, wb)
        plsc.subcore_barrier()

        lanes = lax.iota(jnp.int32, 16)
        lanesf = lanes.astype(jnp.float32)
        centers = lanesf * (10.0 / 15.0)
        eps16 = (lanes == 0).astype(jnp.float32) * 1e-8
        oh = [(lanes == h).astype(jnp.float32) for h in range(4)]
        oh0 = oh[0]
        wcol = [wb[h, :] for h in range(4)]

        def vsum(x):
            r = lax.rev(plsc.cumsum(x), (0,))
            return plsc.cumsum(r * oh0)

        base0 = (s * 2 + c) * per_w

        def fetch(base, idxd, idxs, qd, xdt, kt, vt, xst, ef,
                  s1, s2, s3, s4, s5, s6):
            pltpu.sync_copy(dst_hbm.at[pl.ds(base, C)], idxd)
            pltpu.sync_copy(src_hbm.at[pl.ds(base, C)], idxs)
            return (pltpu.async_copy(q_hbm.at[idxd], qd, s1),
                    pltpu.async_copy(x_hbm.at[idxd], xdt, s2),
                    pltpu.async_copy(k_hbm.at[idxs], kt, s3),
                    pltpu.async_copy(v_hbm.at[idxs], vt, s4),
                    pltpu.async_copy(x_hbm.at[idxs], xst, s5),
                    pltpu.async_copy(efb_hbm.at[pl.ds(base, C)], ef, s6))

        def compute(idxd, qd, xdt, kt, vt, xst, ef):
            @plsc.parallel_loop(0, C, 1, unroll=2)
            def edge(j):
                qv = [qd[j, pl.ds(t * 16, 16)] for t in range(8)]
                kvv = [kt[j, pl.ds(t * 16, 16)] for t in range(8)]
                vv = [vt[j, pl.ds(t * 16, 16)] for t in range(8)]
                xd = xdt[j, :]
                xs = xst[j, :]

                dx = xd - xs
                d2 = vsum(dx * dx + eps16)
                dist = _vsqrt(d2)
                dc = dist - centers
                rbf = jnp.exp(-10.0 * dc * dc)

                lvec = ef[j, :]
                for h in range(4):
                    yh = ((qv[2 * h] * kvv[2 * h]
                           + qv[2 * h + 1] * kvv[2 * h + 1]) * inv_s
                          + rbf * wcol[h])
                    lvec = lvec + vsum(yh) * oh[h]
                p = jnp.exp(lvec)

                ph0 = plsc.cumsum(p * oh0)
                c1 = plsc.cumsum(p * oh[1])
                ph1 = c1 + lax.rev(c1, (0,)) * oh0
                ph = [ph0, ph1, vsum(p * oh[2]), vsum(p * oh[3])]
                for t in range(8):
                    outb[j, pl.ds(t * 16, 16)] = vv[t] * ph[t // 2]
                outb[j, pl.ds(128, 16)] = p

            pltpu.sync_copy(outb, shared.at[idxd], add=True)

        def pair(i, carry):
            base = base0 + i * 2 * C
            ca = fetch(base, idxda, idxsa, qda, xda, ka, va, xsa, efa,
                       sqa, sxa, ska, sva, sxsa, sea)
            cb = fetch(base + C, idxdb, idxsb, qdb, xdb, kb, vb, xsb, efb,
                       sqb, sxb, skb, svb, sxsb, seb)
            for h in ca:
                h.wait()
            compute(idxda, qda, xda, ka, va, xsa, efa)
            for h in cb:
                h.wait()
            compute(idxdb, qdb, xdb, kb, vb, xsb, efb)
            return carry

        lax.fori_loop(0, pairs, pair, 0)
        plsc.subcore_barrier()
        pltpu.sync_copy(shared.at[pl.ds(nb, rpt)],
                        out_hbm.at[c].at[pl.ds(nb, rpt)])

    return k(Q, K, V, Xp, dstI, srcI, Efb, WrbT, Zeros)



def _final_body(p0_ref, p1_ref, h_ref, wo_ref, w1_ref, w2_ref,
                g1_ref, b1_ref, g2_ref, b2_ref, out_ref):
    acc = p0_ref[...] + p1_ref[...]
    num = acc[:, 0:128]
    den = acc[:, 128:132] + 1e-9

    lane = lax.broadcasted_iota(jnp.int32, (128, 4), 0)
    head = lax.broadcasted_iota(jnp.int32, (128, 4), 1)
    hmask = (lane // 32 == head).astype(jnp.float32)
    denb = jnp.dot(den, hmask.T, preferred_element_type=jnp.float32)
    agg = num / denb

    u = h_ref[...] + jnp.dot(agg, wo_ref[...], preferred_element_type=jnp.float32)
    mu = jnp.mean(u, axis=1, keepdims=True)
    var = jnp.mean((u - mu) * (u - mu), axis=1, keepdims=True)
    h1 = (u - mu) / jnp.sqrt(var + 1e-5) * g1_ref[...] + b1_ref[...]

    f = jax.nn.gelu(jnp.dot(h1, w1_ref[...], preferred_element_type=jnp.float32))
    u2 = h1 + jnp.dot(f, w2_ref[...], preferred_element_type=jnp.float32)
    mu2 = jnp.mean(u2, axis=1, keepdims=True)
    var2 = jnp.mean((u2 - mu2) * (u2 - mu2), axis=1, keepdims=True)
    out_ref[...] = (u2 - mu2) / jnp.sqrt(var2 + 1e-5) * g2_ref[...] + b2_ref[...]


def _final(P, H, Wo, W1, W2, g1, b1, g2, b2, bn):
    n, d = H.shape
    grid = (n // bn,)
    row144 = pl.BlockSpec((bn, 144), lambda i: (i, 0))
    return pl.pallas_call(
        _final_body,
        grid=grid,
        in_specs=[
            row144, row144,
            pl.BlockSpec((bn, d), lambda i: (i, 0)),
            pl.BlockSpec((d, d), lambda i: (0, 0)),
            pl.BlockSpec(W1.shape, lambda i: (0, 0)),
            pl.BlockSpec(W2.shape, lambda i: (0, 0)),
            pl.BlockSpec((1, d), lambda i: (0, 0)),
            pl.BlockSpec((1, d), lambda i: (0, 0)),
            pl.BlockSpec((1, d), lambda i: (0, 0)),
            pl.BlockSpec((1, d), lambda i: (0, 0)),
        ],
        out_specs=pl.BlockSpec((bn, d), lambda i: (i, 0)),
        out_shape=jax.ShapeDtypeStruct((n, d), jnp.float32),
    )(P[0], P[1], H, Wo, W1, W2, g1, b1, g2, b2)



def kernel(H, X, G, Efeats, Wq, Wk, Wv, Wo, W_rbf, W_ef, W_eb,
           W1, W2, g1, b1, g2, b2):
    n, d = H.shape
    e = G.shape[1]

    Q, K, V, WrbT, Wfb = _qkv(H, Wq, Wk, Wv, W_eb.T, W_rbf.T, W_ef, W_eb,
                              bn=1000)
    Efb = _efb(Efeats.astype(jnp.float32), Wfb, be=8000)

    Xf = X.reshape(n, X.shape[1] * 3).astype(jnp.float32)
    Xp = jnp.pad(Xf, ((0, 0), (0, 16 - Xf.shape[1])))

    dst = G[1].astype(jnp.int32)
    src = G[0].astype(jnp.int32)
    Zeros = jnp.zeros((n, 144), jnp.float32)
    P = _sc_fused(Q, K, V, Xp, dst, src, Efb, WrbT, Zeros)

    return _final(P, H, Wo, W1, W2,
                  g1.reshape(1, d), b1.reshape(1, d),
                  g2.reshape(1, d), b2.reshape(1, d), bn=1000)

# --- scband reference (transcript-rebuilt; emitter-appended) ---
"""Pipeline reference for scband-getmodel-runner-23055384445183 (READ-ONLY COPY).

The authoritative reference and input builder live on the scoring server;
editing this copy changes nothing except your own understanding.
"""

import jax, jax.numpy as jnp
import numpy as np

N = 10000
E = 320000
D = 128
DR = 16
NRBF = 16
NH = 4
DE = 2
NC = 1
HD = D // NH
DFF = 256


def _scaled(k, shp):
    return jax.random.normal(k, shp, jnp.float32) * (1.0 / np.sqrt(shp[0]))


def setup_inputs(seed: int = 0) -> dict:
    key = jax.random.key(seed)
    ks = jax.random.split(key, 16)
    H = jax.random.normal(ks[0], (N, D), jnp.float32)
    X = jax.random.normal(ks[1], (N, NC, 3), jnp.float32)
    G = jax.random.randint(ks[2], (2, E), 0, N)
    Efeats = jax.random.normal(ks[3], (E, DE), jnp.float32)
    return {
        'H': H, 'X': X, 'G': G, 'Efeats': Efeats,
        'Wq': _scaled(ks[4], (D, D)), 'Wk': _scaled(ks[5], (D, D)),
        'Wv': _scaled(ks[6], (D, D)), 'Wo': _scaled(ks[7], (D, D)),
        'W_rbf': _scaled(ks[8], (NC * NRBF, DR)), 'W_ef': _scaled(ks[9], (DE, DR)),
        'W_eb': _scaled(ks[10], (DR, NH)),
        'W1': _scaled(ks[11], (D, DFF)), 'W2': _scaled(ks[12], (DFF, D)),
        'g1': jnp.ones((D,), jnp.float32), 'b1': jnp.zeros((D,), jnp.float32),
        'g2': jnp.ones((D,), jnp.float32), 'b2': jnp.zeros((D,), jnp.float32),
    }


def _layer_norm(x, g, b):
    mu = jnp.mean(x, axis=-1, keepdims=True)
    var = jnp.var(x, axis=-1, keepdims=True)
    return (x - mu) / jnp.sqrt(var + 1e-5) * g + b


def reference(H, X, G, Efeats, Wq, Wk, Wv, Wo, W_rbf, W_ef, W_eb, W1, W2, g1, b1, g2, b2):
    src = G[0]
    dst = G[1]
    # radial (equivariant-invariant) edge features from coordinates
    rel = X[dst] - X[src]                                   # [E, NC, 3] gather
    dist = jnp.sqrt(jnp.sum(rel * rel, axis=-1) + 1e-8)     # [E, NC]
    centers = jnp.linspace(0.0, 10.0, NRBF)
    rbf = jnp.exp(-10.0 * (dist[..., None] - centers) ** 2).reshape(E, NC * NRBF)
    edge_emb = rbf @ W_rbf + Efeats @ W_ef                  # [E, DR]
    # multi-head edge attention (GET-style message passing)
    q = (H @ Wq)[dst].reshape(E, NH, HD)
    k = (H @ Wk)[src].reshape(E, NH, HD)
    v = (H @ Wv)[src].reshape(E, NH, HD)
    logits = jnp.sum(q * k, axis=-1) / np.sqrt(HD) + edge_emb @ W_eb  # [E, NH]
    seg_max = jax.ops.segment_max(logits, dst, num_segments=N)
    seg_max = jnp.where(jnp.isfinite(seg_max), seg_max, 0.0)
    alpha = jnp.exp(logits - seg_max[dst])
    denom = jax.ops.segment_sum(alpha, dst, num_segments=N)
    alpha = alpha / (denom[dst] + 1e-9)
    msg = (alpha[..., None] * v).reshape(E, D)
    agg = jax.ops.segment_sum(msg, dst, num_segments=N)     # scatter-add
    h = _layer_norm(H + agg @ Wo, g1, b1)
    h = _layer_norm(h + jax.nn.gelu(h @ W1) @ W2, g2, b2)
    return h

if __name__ == "__main__":
    import jax
    _d = setup_inputs()
    print(jax.jit(kernel)(*tuple(_d.values())))

</pallas_src>

<mosaic_0001>
#map = affine_map<(d0, d1) -> (0, 0)>
#map1 = affine_map<(d0, d1) -> (0)>
#map2 = affine_map<(d0, d1) -> (0, 0, 0)>
module attributes {stable_mosaic.version = 14 : i64} {
  func.func @k(%arg0: i32, %arg1: i32, %arg2: memref<10000x128xf32, #tpu.memory_space<hbm>>, %arg3: memref<10000x128xf32, #tpu.memory_space<hbm>>, %arg4: memref<10000x128xf32, #tpu.memory_space<hbm>>, %arg5: memref<10000x16xf32, #tpu.memory_space<hbm>>, %arg6: memref<320000xi32, #tpu.memory_space<hbm>>, %arg7: memref<320000xi32, #tpu.memory_space<hbm>>, %arg8: memref<320000x16xf32, #tpu.memory_space<hbm>>, %arg9: memref<4x16xf32, #tpu.memory_space<hbm>>, %arg10: memref<10000x144xf32, #tpu.memory_space<hbm>>, %arg11: memref<2x10000x144xf32, #tpu.memory_space<hbm>>, %arg12: memref<10000x144xf32, #tpu.memory_space<vmem_shared>>, %arg13: memref<40xi32, #tpu.memory_space<vmem>>, %arg14: memref<40xi32, #tpu.memory_space<vmem>>, %arg15: memref<40xi32, #tpu.memory_space<vmem>>, %arg16: memref<40xi32, #tpu.memory_space<vmem>>, %arg17: memref<40x128xf32, #tpu.memory_space<vmem>>, %arg18: memref<40x128xf32, #tpu.memory_space<vmem>>, %arg19: memref<40x16xf32, #tpu.memory_space<vmem>>, %arg20: memref<40x16xf32, #tpu.memory_space<vmem>>, %arg21: memref<40x128xf32, #tpu.memory_space<vmem>>, %arg22: memref<40x128xf32, #tpu.memory_space<vmem>>, %arg23: memref<40x128xf32, #tpu.memory_space<vmem>>, %arg24: memref<40x128xf32, #tpu.memory_space<vmem>>, %arg25: memref<40x16xf32, #tpu.memory_space<vmem>>, %arg26: memref<40x16xf32, #tpu.memory_space<vmem>>, %arg27: memref<40x16xf32, #tpu.memory_space<vmem>>, %arg28: memref<40x16xf32, #tpu.memory_space<vmem>>, %arg29: memref<40x144xf32, #tpu.memory_space<vmem>>, %arg30: memref<4x16xf32, #tpu.memory_space<vmem>>, %arg31: memref<!tpu.dma_semaphore, #tpu.memory_space<semaphore_mem>>, %arg32: memref<!tpu.dma_semaphore, #tpu.memory_space<semaphore_mem>>, %arg33: memref<!tpu.dma_semaphore, #tpu.memory_space<semaphore_mem>>, %arg34: memref<!tpu.dma_semaphore, #tpu.memory_space<semaphore_mem>>, %arg35: memref<!tpu.dma_semaphore, #tpu.memory_space<semaphore_mem>>, %arg36: memref<!tpu.dma_semaphore, #tpu.memory_space<semaphore_mem>>, %arg37: memref<!tpu.dma_semaphore, #tpu.memory_space<semaphore_mem>>, %arg38: memref<!tpu.dma_semaphore, #tpu.memory_space<semaphore_mem>>, %arg39: memref<!tpu.dma_semaphore, #tpu.memory_space<semaphore_mem>>, %arg40: memref<!tpu.dma_semaphore, #tpu.memory_space<semaphore_mem>>, %arg41: memref<!tpu.dma_semaphore, #tpu.memory_space<semaphore_mem>>, %arg42: memref<!tpu.dma_semaphore, #tpu.memory_space<semaphore_mem>>) attributes {dimension_semantics = [#tpu.dimension_semantics<core_parallel>, #tpu.dimension_semantics<subcore_parallel>], iteration_bounds = array<i64: 2, 16>, scalar_prefetch = 0 : i64, scratch_operands = 31 : i64, tpu.core_type = #tpu.core_type<sc_vector_subcore>, window_params = [{transform_indices = #map}, {transform_indices = #map}, {transform_indices = #map}, {transform_indices = #map}, {transform_indices = #map1}, {transform_indices = #map1}, {transform_indices = #map}, {transform_indices = #map}, {transform_indices = #map}, {transform_indices = #map2}]} {
    %mul3A = arith.constant 625 : i32
    %mul3A_0 = arith.muli %arg1, %mul3A : i32
    "tpu.region"() ({
      %run_scoped3A = tpu.sem_alloc : memref<!tpu.dma_semaphore, #tpu.memory_space<semaphore_mem>>
      %dma_start3A = arith.constant 0 : i32
      %dma_start3A_56 = tpu.memref_slice %arg12[%mul3A_0, %dma_start3A] : memref<10000x144xf32, #tpu.memory_space<vmem_shared>> -> memref<625x144xf32, #tpu.memory_space<vmem_shared>>
      %dma_start3A_57 = arith.constant 0 : i32
      %dma_start3A_58 = tpu.memref_slice %arg10[%mul3A_0, %dma_start3A_57] : memref<10000x144xf32, #tpu.memory_space<hbm>> -> memref<625x144xf32, #tpu.memory_space<hbm>>
      tpu.enqueue_dma source(%dma_start3A_58 : memref<625x144xf32, #tpu.memory_space<hbm>>) target(%dma_start3A_56 : memref<625x144xf32, #tpu.memory_space<vmem_shared>>) target_semaphore(%run_scoped3A : memref<!tpu.dma_semaphore, #tpu.memory_space<semaphore_mem>>)
      %dma_wait3A = arith.constant 0 : i32
      %dma_wait3A_59 = tpu.memref_slice %arg12[%mul3A_0, %dma_wait3A] : memref<10000x144xf32, #tpu.memory_space<vmem_shared>> -> memref<625x144xf32, #tpu.memory_space<vmem_shared>>
      %dma_wait3A_60 = arith.constant 0 : i32
      %dma_wait3A_61 = tpu.memref_slice %arg10[%mul3A_0, %dma_wait3A_60] : memref<10000x144xf32, #tpu.memory_space<hbm>> -> memref<625x144xf32, #tpu.memory_space<hbm>>
      tpu.wait_dma2 semaphore(%run_scoped3A : memref<!tpu.dma_semaphore, #tpu.memory_space<semaphore_mem>>) src(%dma_wait3A_61 : memref<625x144xf32, #tpu.memory_space<hbm>>) dst(%dma_wait3A_59 : memref<625x144xf32, #tpu.memory_space<vmem_shared>>)
      tpu.yield
    }) : () -> ()
    "tpu.region"() ({
      %run_scoped3A = tpu.sem_alloc : memref<!tpu.dma_semaphore, #tpu.memory_space<semaphore_mem>>
      tpu.enqueue_dma source(%arg9 : memref<4x16xf32, #tpu.memory_space<hbm>>) target(%arg30 : memref<4x16xf32, #tpu.memory_space<vmem>>) target_semaphore(%run_scoped3A : memref<!tpu.dma_semaphore, #tpu.memory_space<semaphore_mem>>)
      tpu.wait_dma2 semaphore(%run_scoped3A : memref<!tpu.dma_semaphore, #tpu.memory_space<semaphore_mem>>) src(%arg9 : memref<4x16xf32, #tpu.memory_space<hbm>>) dst(%arg30 : memref<4x16xf32, #tpu.memory_space<vmem>>)
      tpu.yield
    }) : () -> ()
    %barrier3A = arith.constant 0 : index
    tpu.barrier barrier_id(%barrier3A)
    %iota3A = tpu.iota {dimensions = array<i32: 0>} : vector<16xi32>
    %convert_element_type3A = arith.sitofp %iota3A : vector<16xi32> to vector<16xf32>
    %mul3A_1 = arith.constant 0.666666686 : f32
    %mul3A_2 = vector.broadcast %mul3A_1 : f32 to vector<16xf32>
    %mul3A_3 = arith.mulf %convert_element_type3A, %mul3A_2 : vector<16xf32>
    %eq3A = arith.constant 0 : i32
    %eq3A_4 = vector.broadcast %eq3A : i32 to vector<16xi32>
    %eq3A_5 = arith.cmpi eq, %iota3A, %eq3A_4 : vector<16xi32>
    %convert_element_type3A_6 = arith.extui %eq3A_5 : vector<16xi1> to vector<16xi32>
    %convert_element_type3A_7 = arith.sitofp %convert_element_type3A_6 : vector<16xi32> to vector<16xf32>
    %mul3A_8 = arith.constant 9.99999993E-9 : f32
    %mul3A_9 = vector.broadcast %mul3A_8 : f32 to vector<16xf32>
    %mul3A_10 = arith.mulf %convert_element_type3A_7, %mul3A_9 : vector<16xf32>
    %eq3A_11 = arith.constant 0 : i32
    %eq3A_12 = vector.broadcast %eq3A_11 : i32 to vector<16xi32>
    %eq3A_13 = arith.cmpi eq, %iota3A, %eq3A_12 : vector<16xi32>
    %convert_element_type3A_14 = arith.extui %eq3A_13 : vector<16xi1> to vector<16xi32>
    %convert_element_type3A_15 = arith.sitofp %convert_element_type3A_14 : vector<16xi32> to vector<16xf32>
    %eq3A_16 = arith.constant 1 : i32
    %eq3A_17 = vector.broadcast %eq3A_16 : i32 to vector<16xi32>
    %eq3A_18 = arith.cmpi eq, %iota3A, %eq3A_17 : vector<16xi32>
    %convert_element_type3A_19 = arith.extui %eq3A_18 : vector<16xi1> to vector<16xi32>
    %convert_element_type3A_20 = arith.sitofp %convert_element_type3A_19 : vector<16xi32> to vector<16xf32>
    %eq3A_21 = arith.constant 2 : i32
    %eq3A_22 = vector.broadcast %eq3A_21 : i32 to vector<16xi32>
    %eq3A_23 = arith.cmpi eq, %iota3A, %eq3A_22 : vector<16xi32>
    %convert_element_type3A_24 = arith.extui %eq3A_23 : vector<16xi1> to vector<16xi32>
    %convert_element_type3A_25 = arith.sitofp %convert_element_type3A_24 : vector<16xi32> to vector<16xf32>
    %eq3A_26 = arith.constant 3 : i32
    %eq3A_27 = vector.broadcast %eq3A_26 : i32 to vector<16xi32>
    %eq3A_28 = arith.cmpi eq, %iota3A, %eq3A_27 : vector<16xi32>
    %convert_element_type3A_29 = arith.extui %eq3A_28 : vector<16xi1> to vector<16xi32>
    %convert_element_type3A_30 = arith.sitofp %convert_element_type3A_29 : vector<16xi32> to vector<16xf32>
    %get3A = arith.constant 0 : i32
    %get3A_31 = arith.index_cast %get3A : i32 to index
    %get3A_32 = arith.constant 0 : index
    %get3A_33 = tpu.vector_load %arg30[%get3A_31, %get3A_32] {strides = array<i32>} : memref<4x16xf32, #tpu.memory_space<vmem>>, vector<16xf32>,
    %get3A_34 = arith.constant 1 : i32
    %get3A_35 = arith.index_cast %get3A_34 : i32 to index
    %get3A_36 = arith.constant 0 : index
    %get3A_37 = tpu.vector_load %arg30[%get3A_35, %get3A_36] {strides = array<i32>} : memref<4x16xf32, #tpu.memory_space<vmem>>, vector<16xf32>,
    %get3A_38 = arith.constant 2 : i32
    %get3A_39 = arith.index_cast %get3A_38 : i32 to index
    %get3A_40 = arith.constant 0 : index
    %get3A_41 = tpu.vector_load %arg30[%get3A_39, %get3A_40] {strides = array<i32>} : memref<4x16xf32, #tpu.memory_space<vmem>>, vector<16xf32>,
    %get3A_42 = arith.constant 3 : i32
    %get3A_43 = arith.index_cast %get3A_42 : i32 to index
    %get3A_44 = arith.constant 0 : index
    %get3A_45 = tpu.vector_load %arg30[%get3A_43, %get3A_44] {strides = array<i32>} : memref<4x16xf32, #tpu.memory_space<vmem>>, vector<16xf32>,
    %mul3A_46 = arith.constant 2 : i32
    %mul3A_47 = arith.muli %arg1, %mul3A_46 : i32
    %add3A = arith.addi %mul3A_47, %arg0 : i32
    %mul3A_48 = arith.constant 10000 : i32
    %mul3A_49 = arith.muli %add3A, %mul3A_48 : i32
    %scan3A = arith.constant 0 : i32
    %scan3A_50 = arith.constant 0 : i32
    %scan3A_51 = arith.constant 125 : i32
    %scan3A_52 = arith.addi %scan3A_50, %scan3A_51 : i32
    %scan3A_53 = arith.constant 1 : i32
    scf.for %scan3A_56 = %scan3A_50 to %scan3A_52 step %scan3A_53  : i32 {
      %mul3A_57 = arith.constant 2 : i32
      %mul3A_58 = arith.muli %scan3A_56, %mul3A_57 : i32
      %mul3A_59 = arith.constant 40 : i32
      %mul3A_60 = arith.muli %mul3A_58, %mul3A_59 : i32
      %add3A_61 = arith.addi %mul3A_49, %mul3A_60 : i32
      "tpu.region"() ({
        %run_scoped3A = tpu.sem_alloc : memref<!tpu.dma_semaphore, #tpu.memory_space<semaphore_mem>>
        %dma_start3A_143 = tpu.memref_slice %arg6[%add3A_61] : memref<320000xi32, #tpu.memory_space<hbm>> -> memref<40xi32, #tpu.memory_space<hbm>>
        %dma_start3A_144 = tpu.memref_slice %arg6[%add3A_61] : memref<320000xi32, #tpu.memory_space<hbm>> -> memref<40xi32, #tpu.memory_space<hbm>>
        tpu.enqueue_dma source(%dma_start3A_144 : memref<40xi32, #tpu.memory_space<hbm>>) target(%arg13 : memref<40xi32, #tpu.memory_space<vmem>>) target_semaphore(%run_scoped3A : memref<!tpu.dma_semaphore, #tpu.memory_space<semaphore_mem>>)
        %dma_wait3A_145 = tpu.memref_slice %arg6[%add3A_61] : memref<320000xi32, #tpu.memory_space<hbm>> -> memref<40xi32, #tpu.memory_space<hbm>>
        %dma_wait3A_146 = tpu.memref_slice %arg6[%add3A_61] : memref<320000xi32, #tpu.memory_space<hbm>> -> memref<40xi32, #tpu.memory_space<hbm>>
        tpu.wait_dma2 semaphore(%run_scoped3A : memref<!tpu.dma_semaphore, #tpu.memory_space<semaphore_mem>>) src(%dma_wait3A_146 : memref<40xi32, #tpu.memory_space<hbm>>) dst(%arg13 : memref<40xi32, #tpu.memory_space<vmem>>)
        tpu.yield
      }) : () -> ()
      "tpu.region"() ({
        %run_scoped3A = tpu.sem_alloc : memref<!tpu.dma_semaphore, #tpu.memory_space<semaphore_mem>>
        %dma_start3A_143 = tpu.memref_slice %arg7[%add3A_61] : memref<320000xi32, #tpu.memory_space<hbm>> -> memref<40xi32, #tpu.memory_space<hbm>>
        %dma_start3A_144 = tpu.memref_slice %arg7[%add3A_61] : memref<320000xi32, #tpu.memory_space<hbm>> -> memref<40xi32, #tpu.memory_space<hbm>>
        tpu.enqueue_dma source(%dma_start3A_144 : memref<40xi32, #tpu.memory_space<hbm>>) target(%arg14 : memref<40xi32, #tpu.memory_space<vmem>>) target_semaphore(%run_scoped3A : memref<!tpu.dma_semaphore, #tpu.memory_space<semaphore_mem>>)
        %dma_wait3A_145 = tpu.memref_slice %arg7[%add3A_61] : memref<320000xi32, #tpu.memory_space<hbm>> -> memref<40xi32, #tpu.memory_space<hbm>>
        %dma_wait3A_146 = tpu.memref_slice %arg7[%add3A_61] : memref<320000xi32, #tpu.memory_space<hbm>> -> memref<40xi32, #tpu.memory_space<hbm>>
        tpu.wait_dma2 semaphore(%run_scoped3A : memref<!tpu.dma_semaphore, #tpu.memory_space<semaphore_mem>>) src(%dma_wait3A_146 : memref<40xi32, #tpu.memory_space<hbm>>) dst(%arg14 : memref<40xi32, #tpu.memory_space<vmem>>)
        tpu.yield
      }) : () -> ()
      %dma_start3A = arith.constant 0 : i32
      %dma_start3A_62 = arith.constant 0 : i32
      %dma_start3A_63 = tpu.memref_slice %arg2[%dma_start3A, %dma_start3A_62] : memref<10000x128xf32, #tpu.memory_space<hbm>> -> memref<10000x128xf32, #tpu.memory_space<hbm>>
      tpu.enqueue_indirect_dma source(%dma_start3A_63 : memref<10000x128xf32, #tpu.memory_space<hbm>>) target(%arg17 : memref<40x128xf32, #tpu.memory_space<vmem>>) offsets(%arg13 : memref<40xi32, #tpu.memory_space<vmem>>) semaphore(%arg31 : memref<!tpu.dma_semaphore, #tpu.memory_space<semaphore_mem>>)
      %dma_start3A_64 = arith.constant 0 : i32
      %dma_start3A_65 = arith.constant 0 : i32
      %dma_start3A_66 = tpu.memref_slice %arg5[%dma_start3A_64, %dma_start3A_65] : memref<10000x16xf32, #tpu.memory_space<hbm>> -> memref<10000x16xf32, #tpu.memory_space<hbm>>
      tpu.enqueue_indirect_dma source(%dma_start3A_66 : memref<10000x16xf32, #tpu.memory_space<hbm>>) target(%arg19 : memref<40x16xf32, #tpu.memory_space<vmem>>) offsets(%arg13 : memref<40xi32, #tpu.memory_space<vmem>>) semaphore(%arg32 : memref<!tpu.dma_semaphore, #tpu.memory_space<semaphore_mem>>)
      %dma_start3A_67 = arith.constant 0 : i32
      %dma_start3A_68 = arith.constant 0 : i32
      %dma_start3A_69 = tpu.memref_slice %arg3[%dma_start3A_67, %dma_start3A_68] : memref<10000x128xf32, #tpu.memory_space<hbm>> -> memref<10000x128xf32, #tpu.memory_space<hbm>>
      tpu.enqueue_indirect_dma source(%dma_start3A_69 : memref<10000x128xf32, #tpu.memory_space<hbm>>) target(%arg21 : memref<40x128xf32, #tpu.memory_space<vmem>>) offsets(%arg14 : memref<40xi32, #tpu.memory_space<vmem>>) semaphore(%arg33 : memref<!tpu.dma_semaphore, #tpu.memory_space<semaphore_mem>>)
      %dma_start3A_70 = arith.constant 0 : i32
      %dma_start3A_71 = arith.constant 0 : i32
      %dma_start3A_72 = tpu.memref_slice %arg4[%dma_start3A_70, %dma_start3A_71] : memref<10000x128xf32, #tpu.memory_space<hbm>> -> memref<10000x128xf32, #tpu.memory_space<hbm>>
      tpu.enqueue_indirect_dma source(%dma_start3A_72 : memref<10000x128xf32, #tpu.memory_space<hbm>>) target(%arg23 : memref<40x128xf32, #tpu.memory_space<vmem>>) offsets(%arg14 : memref<40xi32, #tpu.memory_space<vmem>>) semaphore(%arg34 : memref<!tpu.dma_semaphore, #tpu.memory_space<semaphore_mem>>)
      %dma_start3A_73 = arith.constant 0 : i32
      %dma_start3A_74 = arith.constant 0 : i32
      %dma_start3A_75 = tpu.memref_slice %arg5[%dma_start3A_73, %dma_start3A_74] : memref<10000x16xf32, #tpu.memory_space<hbm>> -> memref<10000x16xf32, #tpu.memory_space<hbm>>
      tpu.enqueue_indirect_dma source(%dma_start3A_75 : memref<10000x16xf32, #tpu.memory_space<hbm>>) target(%arg25 : memref<40x16xf32, #tpu.memory_space<vmem>>) offsets(%arg14 : memref<40xi32, #tpu.memory_space<vmem>>) semaphore(%arg35 : memref<!tpu.dma_semaphore, #tpu.memory_space<semaphore_mem>>)
      %dma_start3A_76 = arith.constant 0 : i32
      %dma_start3A_77 = tpu.memref_slice %arg8[%add3A_61, %dma_start3A_76] : memref<320000x16xf32, #tpu.memory_space<hbm>> -> memref<40x16xf32, #tpu.memory_space<hbm>>
      %dma_start3A_78 = arith.constant 0 : i32
      %dma_start3A_79 = tpu.memref_slice %arg8[%add3A_61, %dma_start3A_78] : memref<320000x16xf32, #tpu.memory_space<hbm>> -> memref<40x16xf32, #tpu.memory_space<hbm>>
      tpu.enqueue_dma source(%dma_start3A_79 : memref<40x16xf32, #tpu.memory_space<hbm>>) target(%arg27 : memref<40x16xf32, #tpu.memory_space<vmem>>) target_semaphore(%arg36 : memref<!tpu.dma_semaphore, #tpu.memory_space<semaphore_mem>>)
      %add3A_80 = arith.constant 40 : i32
      %add3A_81 = arith.addi %add3A_61, %add3A_80 : i32
      "tpu.region"() ({
        %run_scoped3A = tpu.sem_alloc : memref<!tpu.dma_semaphore, #tpu.memory_space<semaphore_mem>>
        %dma_start3A_143 = tpu.memref_slice %arg6[%add3A_81] : memref<320000xi32, #tpu.memory_space<hbm>> -> memref<40xi32, #tpu.memory_space<hbm>>
        %dma_start3A_144 = tpu.memref_slice %arg6[%add3A_81] : memref<320000xi32, #tpu.memory_space<hbm>> -> memref<40xi32, #tpu.memory_space<hbm>>
        tpu.enqueue_dma source(%dma_start3A_144 : memref<40xi32, #tpu.memory_space<hbm>>) target(%arg15 : memref<40xi32, #tpu.memory_space<vmem>>) target_semaphore(%run_scoped3A : memref<!tpu.dma_semaphore, #tpu.memory_space<semaphore_mem>>)
        %dma_wait3A_145 = tpu.memref_slice %arg6[%add3A_81] : memref<320000xi32, #tpu.memory_space<hbm>> -> memref<40xi32, #tpu.memory_space<hbm>>
        %dma_wait3A_146 = tpu.memref_slice %arg6[%add3A_81] : memref<320000xi32, #tpu.memory_space<hbm>> -> memref<40xi32, #tpu.memory_space<hbm>>
        tpu.wait_dma2 semaphore(%run_scoped3A : memref<!tpu.dma_semaphore, #tpu.memory_space<semaphore_mem>>) src(%dma_wait3A_146 : memref<40xi32, #tpu.memory_space<hbm>>) dst(%arg15 : memref<40xi32, #tpu.memory_space<vmem>>)
        tpu.yield
      }) : () -> ()
      "tpu.region"() ({
        %run_scoped3A = tpu.sem_alloc : memref<!tpu.dma_semaphore, #tpu.memory_space<semaphore_mem>>
        %dma_start3A_143 = tpu.memref_slice %arg7[%add3A_81] : memref<320000xi32, #tpu.memory_space<hbm>> -> memref<40xi32, #tpu.memory_space<hbm>>
        %dma_start3A_144 = tpu.memref_slice %arg7[%add3A_81] : memref<320000xi32, #tpu.memory_space<hbm>> -> memref<40xi32, #tpu.memory_space<hbm>>
        tpu.enqueue_dma source(%dma_start3A_144 : memref<40xi32, #tpu.memory_space<hbm>>) target(%arg16 : memref<40xi32, #tpu.memory_space<vmem>>) target_semaphore(%run_scoped3A : memref<!tpu.dma_semaphore, #tpu.memory_space<semaphore_mem>>)
        %dma_wait3A_145 = tpu.memref_slice %arg7[%add3A_81] : memref<320000xi32, #tpu.memory_space<hbm>> -> memref<40xi32, #tpu.memory_space<hbm>>
        %dma_wait3A_146 = tpu.memref_slice %arg7[%add3A_81] : memref<320000xi32, #tpu.memory_space<hbm>> -> memref<40xi32, #tpu.memory_space<hbm>>
        tpu.wait_dma2 semaphore(%run_scoped3A : memref<!tpu.dma_semaphore, #tpu.memory_space<semaphore_mem>>) src(%dma_wait3A_146 : memref<40xi32, #tpu.memory_space<hbm>>) dst(%arg16 : memref<40xi32, #tpu.memory_space<vmem>>)
        tpu.yield
      }) : () -> ()
      %dma_start3A_82 = arith.constant 0 : i32
      %dma_start3A_83 = arith.constant 0 : i32
      %dma_start3A_84 = tpu.memref_slice %arg2[%dma_start3A_82, %dma_start3A_83] : memref<10000x128xf32, #tpu.memory_space<hbm>> -> memref<10000x128xf32, #tpu.memory_space<hbm>>
      tpu.enqueue_indirect_dma source(%dma_start3A_84 : memref<10000x128xf32, #tpu.memory_space<hbm>>) target(%arg18 : memref<40x128xf32, #tpu.memory_space<vmem>>) offsets(%arg15 : memref<40xi32, #tpu.memory_space<vmem>>) semaphore(%arg37 : memref<!tpu.dma_semaphore, #tpu.memory_space<semaphore_mem>>)
      %dma_start3A_85 = arith.constant 0 : i32
      %dma_start3A_86 = arith.constant 0 : i32
      %dma_start3A_87 = tpu.memref_slice %arg5[%dma_start3A_85, %dma_start3A_86] : memref<10000x16xf32, #tpu.memory_space<hbm>> -> memref<10000x16xf32, #tpu.memory_space<hbm>>
      tpu.enqueue_indirect_dma source(%dma_start3A_87 : memref<10000x16xf32, #tpu.memory_space<hbm>>) target(%arg20 : memref<40x16xf32, #tpu.memory_space<vmem>>) offsets(%arg15 : memref<40xi32, #tpu.memory_space<vmem>>) semaphore(%arg38 : memref<!tpu.dma_semaphore, #tpu.memory_space<semaphore_mem>>)
      %dma_start3A_88 = arith.constant 0 : i32
      %dma_start3A_89 = arith.constant 0 : i32
      %dma_start3A_90 = tpu.memref_slice %arg3[%dma_start3A_88, %dma_start3A_89] : memref<10000x128xf32, #tpu.memory_space<hbm>> -> memref<10000x128xf32, #tpu.memory_space<hbm>>
      tpu.enqueue_indirect_dma source(%dma_start3A_90 : memref<10000x128xf32, #tpu.memory_space<hbm>>) target(%arg22 : memref<40x128xf32, #tpu.memory_space<vmem>>) offsets(%arg16 : memref<40xi32, #tpu.memory_space<vmem>>) semaphore(%arg39 : memref<!tpu.dma_semaphore, #tpu.memory_space<semaphore_mem>>)
      %dma_start3A_91 = arith.constant 0 : i32
      %dma_start3A_92 = arith.constant 0 : i32
      %dma_start3A_93 = tpu.memref_slice %arg4[%dma_start3A_91, %dma_start3A_92] : memref<10000x128xf32, #tpu.memory_space<hbm>> -> memref<10000x128xf32, #tpu.memory_space<hbm>>
      tpu.enqueue_indirect_dma source(%dma_start3A_93 : memref<10000x128xf32, #tpu.memory_space<hbm>>) target(%arg24 : memref<40x128xf32, #tpu.memory_space<vmem>>) offsets(%arg16 : memref<40xi32, #tpu.memory_space<vmem>>) semaphore(%arg40 : memref<!tpu.dma_semaphore, #tpu.memory_space<semaphore_mem>>)
      %dma_start3A_94 = arith.constant 0 : i32
      %dma_start3A_95 = arith.constant 0 : i32
      %dma_start3A_96 = tpu.memref_slice %arg5[%dma_start3A_94, %dma_start3A_95] : memref<10000x16xf32, #tpu.memory_space<hbm>> -> memref<10000x16xf32, #tpu.memory_space<hbm>>
      tpu.enqueue_indirect_dma source(%dma_start3A_96 : memref<10000x16xf32, #tpu.memory_space<hbm>>) target(%arg26 : memref<40x16xf32, #tpu.memory_space<vmem>>) offsets(%arg16 : memref<40xi32, #tpu.memory_space<vmem>>) semaphore(%arg41 : memref<!tpu.dma_semaphore, #tpu.memory_space<semaphore_mem>>)
      %dma_start3A_97 = arith.constant 0 : i32
      %dma_start3A_98 = tpu.memref_slice %arg8[%add3A_81, %dma_start3A_97] : memref<320000x16xf32, #tpu.memory_space<hbm>> -> memref<40x16xf32, #tpu.memory_space<hbm>>
      %dma_start3A_99 = arith.constant 0 : i32
      %dma_start3A_100 = tpu.memref_slice %arg8[%add3A_81, %dma_start3A_99] : memref<320000x16xf32, #tpu.memory_space<hbm>> -> memref<40x16xf32, #tpu.memory_space<hbm>>
      tpu.enqueue_dma source(%dma_start3A_100 : memref<40x16xf32, #tpu.memory_space<hbm>>) target(%arg28 : memref<40x16xf32, #tpu.memory_space<vmem>>) target_semaphore(%arg42 : memref<!tpu.dma_semaphore, #tpu.memory_space<semaphore_mem>>)
      %dma_wait3A = arith.constant 0 : i32
      %dma_wait3A_101 = arith.constant 0 : i32
      %dma_wait3A_102 = tpu.memref_slice %arg2[%dma_wait3A, %dma_wait3A_101] : memref<10000x128xf32, #tpu.memory_space<hbm>> -> memref<10000x128xf32, #tpu.memory_space<hbm>>
      tpu.wait_indirect_dma semaphore(%arg31 : memref<!tpu.dma_semaphore, #tpu.memory_space<semaphore_mem>>) src(%dma_wait3A_102 : memref<10000x128xf32, #tpu.memory_space<hbm>>) dst(%arg17 : memref<40x128xf32, #tpu.memory_space<vmem>>)
      %dma_wait3A_103 = arith.constant 0 : i32
      %dma_wait3A_104 = arith.constant 0 : i32
      %dma_wait3A_105 = tpu.memref_slice %arg5[%dma_wait3A_103, %dma_wait3A_104] : memref<10000x16xf32, #tpu.memory_space<hbm>> -> memref<10000x16xf32, #tpu.memory_space<hbm>>
      tpu.wait_indirect_dma semaphore(%arg32 : memref<!tpu.dma_semaphore, #tpu.memory_space<semaphore_mem>>) src(%dma_wait3A_105 : memref<10000x16xf32, #tpu.memory_space<hbm>>) dst(%arg19 : memref<40x16xf32, #tpu.memory_space<vmem>>)
      %dma_wait3A_106 = arith.constant 0 : i32
      %dma_wait3A_107 = arith.constant 0 : i32
      %dma_wait3A_108 = tpu.memref_slice %arg3[%dma_wait3A_106, %dma_wait3A_107] : memref<10000x128xf32, #tpu.memory_space<hbm>> -> memref<10000x128xf32, #tpu.memory_space<hbm>>
      tpu.wait_indirect_dma semaphore(%arg33 : memref<!tpu.dma_semaphore, #tpu.memory_space<semaphore_mem>>) src(%dma_wait3A_108 : memref<10000x128xf32, #tpu.memory_space<hbm>>) dst(%arg21 : memref<40x128xf32, #tpu.memory_space<vmem>>)
      %dma_wait3A_109 = arith.constant 0 : i32
      %dma_wait3A_110 = arith.constant 0 : i32
      %dma_wait3A_111 = tpu.memref_slice %arg4[%dma_wait3A_109, %dma_wait3A_110] : memref<10000x128xf32, #tpu.memory_space<hbm>> -> memref<10000x128xf32, #tpu.memory_space<hbm>>
      tpu.wait_indirect_dma semaphore(%arg34 : memref<!tpu.dma_semaphore, #tpu.memory_space<semaphore_mem>>) src(%dma_wait3A_111 : memref<10000x128xf32, #tpu.memory_space<hbm>>) dst(%arg23 : memref<40x128xf32, #tpu.memory_space<vmem>>)
      %dma_wait3A_112 = arith.constant 0 : i32
      %dma_wait3A_113 = arith.constant 0 : i32
      %dma_wait3A_114 = tpu.memref_slice %arg5[%dma_wait3A_112, %dma_wait3A_113] : memref<10000x16xf32, #tpu.memory_space<hbm>> -> memref<10000x16xf32, #tpu.memory_space<hbm>>
      tpu.wait_indirect_dma semaphore(%arg35 : memref<!tpu.dma_semaphore, #tpu.memory_space<semaphore_mem>>) src(%dma_wait3A_114 : memref<10000x16xf32, #tpu.memory_space<hbm>>) dst(%arg25 : memref<40x16xf32, #tpu.memory_space<vmem>>)
      %dma_wait3A_115 = arith.constant 0 : i32
      %dma_wait3A_116 = tpu.memref_slice %arg8[%add3A_61, %dma_wait3A_115] : memref<320000x16xf32, #tpu.memory_space<hbm>> -> memref<40x16xf32, #tpu.memory_space<hbm>>
      %dma_wait3A_117 = arith.constant 0 : i32
      %dma_wait3A_118 = tpu.memref_slice %arg8[%add3A_61, %dma_wait3A_117] : memref<320000x16xf32, #tpu.memory_space<hbm>> -> memref<40x16xf32, #tpu.memory_space<hbm>>
      tpu.wait_dma2 semaphore(%arg36 : memref<!tpu.dma_semaphore, #tpu.memory_space<semaphore_mem>>) src(%dma_wait3A_118 : memref<40x16xf32, #tpu.memory_space<hbm>>) dst(%arg27 : memref<40x16xf32, #tpu.memory_space<vmem>>)
      %parallel_loop3A = arith.constant 0 : i32
      %parallel_loop3A_119 = arith.constant 40 : i32
      %parallel_loop3A_120 = arith.constant 1 : i32
      scf.for %parallel_loop3A_143 = %parallel_loop3A to %parallel_loop3A_119 step %parallel_loop3A_120  : i32 {
        %parallel_loop3A_144 = arith.index_cast %parallel_loop3A_143 : i32 to index
        %parallel_loop3A_145 = arith.constant 0 : index
        %parallel_loop3A_146 = tpu.vector_load %arg17[%parallel_loop3A_144, %parallel_loop3A_145] {strides = array<i32>} : memref<40x128xf32, #tpu.memory_space<vmem>>, vector<16xf32>,
        %parallel_loop3A_147 = arith.index_cast %parallel_loop3A_143 : i32 to index
        %parallel_loop3A_148 = arith.constant 16 : index
        %parallel_loop3A_149 = tpu.vector_load %arg17[%parallel_loop3A_147, %parallel_loop3A_148] {strides = array<i32>} : memref<40x128xf32, #tpu.memory_space<vmem>>, vector<16xf32>,
        %parallel_loop3A_150 = arith.index_cast %parallel_loop3A_143 : i32 to index
        %parallel_loop3A_151 = arith.constant 32 : index
        %parallel_loop3A_152 = tpu.vector_load %arg17[%parallel_loop3A_150, %parallel_loop3A_151] {strides = array<i32>} : memref<40x128xf32, #tpu.memory_space<vmem>>, vector<16xf32>,
        %parallel_loop3A_153 = arith.index_cast %parallel_loop3A_143 : i32 to index
        %parallel_loop3A_154 = arith.constant 48 : index
        %parallel_loop3A_155 = tpu.vector_load %arg17[%parallel_loop3A_153, %parallel_loop3A_154] {strides = array<i32>} : memref<40x128xf32, #tpu.memory_space<vmem>>, vector<16xf32>,
        %parallel_loop3A_156 = arith.index_cast %parallel_loop3A_143 : i32 to index
        %parallel_loop3A_157 = arith.constant 64 : index
        %parallel_loop3A_158 = tpu.vector_load %arg17[%parallel_loop3A_156, %parallel_loop3A_157] {strides = array<i32>} : memref<40x128xf32, #tpu.memory_space<vmem>>, vector<16xf32>,
        %parallel_loop3A_159 = arith.index_cast %parallel_loop3A_143 : i32 to index
        %parallel_loop3A_160 = arith.constant 80 : index
        %parallel_loop3A_161 = tpu.vector_load %arg17[%parallel_loop3A_159, %parallel_loop3A_160] {strides = array<i32>} : memref<40x128xf32, #tpu.memory_space<vmem>>, vector<16xf32>,
        %parallel_loop3A_162 = arith.index_cast %parallel_loop3A_143 : i32 to index
        %parallel_loop3A_163 = arith.constant 96 : index
        %parallel_loop3A_164 = tpu.vector_load %arg17[%parallel_loop3A_162, %parallel_loop3A_163] {strides = array<i32>} : memref<40x128xf32, #tpu.memory_space<vmem>>, vector<16xf32>,
        %parallel_loop3A_165 = arith.index_cast %parallel_loop3A_143 : i32 to index
        %parallel_loop3A_166 = arith.constant 112 : index
        %parallel_loop3A_167 = tpu.vector_load %arg17[%parallel_loop3A_165, %parallel_loop3A_166] {strides = array<i32>} : memref<40x128xf32, #tpu.memory_space<vmem>>, vector<16xf32>,
        %parallel_loop3A_168 = arith.index_cast %parallel_loop3A_143 : i32 to index
        %parallel_loop3A_169 = arith.constant 0 : index
        %parallel_loop3A_170 = tpu.vector_load %arg21[%parallel_loop3A_168, %parallel_loop3A_169] {strides = array<i32>} : memref<40x128xf32, #tpu.memory_space<vmem>>, vector<16xf32>,
        %parallel_loop3A_171 = arith.index_cast %parallel_loop3A_143 : i32 to index
        %parallel_loop3A_172 = arith.constant 16 : index
        %parallel_loop3A_173 = tpu.vector_load %arg21[%parallel_loop3A_171, %parallel_loop3A_172] {strides = array<i32>} : memref<40x128xf32, #tpu.memory_space<vmem>>, vector<16xf32>,
        %parallel_loop3A_174 = arith.index_cast %parallel_loop3A_143 : i32 to index
        %parallel_loop3A_175 = arith.constant 32 : index
        %parallel_loop3A_176 = tpu.vector_load %arg21[%parallel_loop3A_174, %parallel_loop3A_175] {strides = array<i32>} : memref<40x128xf32, #tpu.memory_space<vmem>>, vector<16xf32>,
        %parallel_loop3A_177 = arith.index_cast %parallel_loop3A_143 : i32 to index
        %parallel_loop3A_178 = arith.constant 48 : index
        %parallel_loop3A_179 = tpu.vector_load %arg21[%parallel_loop3A_177, %parallel_loop3A_178] {strides = array<i32>} : memref<40x128xf32, #tpu.memory_space<vmem>>, vector<16xf32>,
        %parallel_loop3A_180 = arith.index_cast %parallel_loop3A_143 : i32 to index
        %parallel_loop3A_181 = arith.constant 64 : index
        %parallel_loop3A_182 = tpu.vector_load %arg21[%parallel_loop3A_180, %parallel_loop3A_181] {strides = array<i32>} : memref<40x128xf32, #tpu.memory_space<vmem>>, vector<16xf32>,
        %parallel_loop3A_183 = arith.index_cast %parallel_loop3A_143 : i32 to index
        %parallel_loop3A_184 = arith.constant 80 : index
        %parallel_loop3A_185 = tpu.vector_load %arg21[%parallel_loop3A_183, %parallel_loop3A_184] {strides = array<i32>} : memref<40x128xf32, #tpu.memory_space<vmem>>, vector<16xf32>,
        %parallel_loop3A_186 = arith.index_cast %parallel_loop3A_143 : i32 to index
        %parallel_loop3A_187 = arith.constant 96 : index
        %parallel_loop3A_188 = tpu.vector_load %arg21[%parallel_loop3A_186, %parallel_loop3A_187] {strides = array<i32>} : memref<40x128xf32, #tpu.memory_space<vmem>>, vector<16xf32>,
        %parallel_loop3A_189 = arith.index_cast %parallel_loop3A_143 : i32 to index
        %parallel_loop3A_190 = arith.constant 112 : index
        %parallel_loop3A_191 = tpu.vector_load %arg21[%parallel_loop3A_189, %parallel_loop3A_190] {strides = array<i32>} : memref<40x128xf32, #tpu.memory_space<vmem>>, vector<16xf32>,
        %parallel_loop3A_192 = arith.index_cast %parallel_loop3A_143 : i32 to index
        %parallel_loop3A_193 = arith.constant 0 : index
        %parallel_loop3A_194 = tpu.vector_load %arg23[%parallel_loop3A_192, %parallel_loop3A_193] {strides = array<i32>} : memref<40x128xf32, #tpu.memory_space<vmem>>, vector<16xf32>,
        %parallel_loop3A_195 = arith.index_cast %parallel_loop3A_143 : i32 to index
        %parallel_loop3A_196 = arith.constant 16 : index
        %parallel_loop3A_197 = tpu.vector_load %arg23[%parallel_loop3A_195, %parallel_loop3A_196] {strides = array<i32>} : memref<40x128xf32, #tpu.memory_space<vmem>>, vector<16xf32>,
        %parallel_loop3A_198 = arith.index_cast %parallel_loop3A_143 : i32 to index
        %parallel_loop3A_199 = arith.constant 32 : index
        %parallel_loop3A_200 = tpu.vector_load %arg23[%parallel_loop3A_198, %parallel_loop3A_199] {strides = array<i32>} : memref<40x128xf32, #tpu.memory_space<vmem>>, vector<16xf32>,
        %parallel_loop3A_201 = arith.index_cast %parallel_loop3A_143 : i32 to index
        %parallel_loop3A_202 = arith.constant 48 : index
        %parallel_loop3A_203 = tpu.vector_load %arg23[%parallel_loop3A_201, %parallel_loop3A_202] {strides = array<i32>} : memref<40x128xf32, #tpu.memory_space<vmem>>, vector<16xf32>,
        %parallel_loop3A_204 = arith.index_cast %parallel_loop3A_143 : i32 to index
        %parallel_loop3A_205 = arith.constant 64 : index
        %parallel_loop3A_206 = tpu.vector_load %arg23[%parallel_loop3A_204, %parallel_loop3A_205] {strides = array<i32>} : memref<40x128xf32, #tpu.memory_space<vmem>>, vector<16xf32>,
        %parallel_loop3A_207 = arith.index_cast %parallel_loop3A_143 : i32 to index
        %parallel_loop3A_208 = arith.constant 80 : index
        %parallel_loop3A_209 = tpu.vector_load %arg23[%parallel_loop3A_207, %parallel_loop3A_208] {strides = array<i32>} : memref<40x128xf32, #tpu.memory_space<vmem>>, vector<16xf32>,
        %parallel_loop3A_210 = arith.index_cast %parallel_loop3A_143 : i32 to index
        %parallel_loop3A_211 = arith.constant 96 : index
        %parallel_loop3A_212 = tpu.vector_load %arg23[%parallel_loop3A_210, %parallel_loop3A_211] {strides = array<i32>} : memref<40x128xf32, #tpu.memory_space<vmem>>, vector<16xf32>,
        %parallel_loop3A_213 = arith.index_cast %parallel_loop3A_143 : i32 to index
        %parallel_loop3A_214 = arith.constant 112 : index
        %parallel_loop3A_215 = tpu.vector_load %arg23[%parallel_loop3A_213, %parallel_loop3A_214] {strides = array<i32>} : memref<40x128xf32, #tpu.memory_space<vmem>>, vector<16xf32>,
        %parallel_loop3A_216 = arith.index_cast %parallel_loop3A_143 : i32 to index
        %parallel_loop3A_217 = arith.constant 0 : index
        %parallel_loop3A_218 = tpu.vector_load %arg19[%parallel_loop3A_216, %parallel_loop3A_217] {strides = array<i32>} : memref<40x16xf32, #tpu.memory_space<vmem>>, vector<16xf32>,
        %parallel_loop3A_219 = arith.index_cast %parallel_loop3A_143 : i32 to index
        %parallel_loop3A_220 = arith.constant 0 : index
        %parallel_loop3A_221 = tpu.vector_load %arg25[%parallel_loop3A_219, %parallel_loop3A_220] {strides = array<i32>} : memref<40x16xf32, #tpu.memory_space<vmem>>, vector<16xf32>,
        %parallel_loop3A_222 = arith.subf %parallel_loop3A_218, %parallel_loop3A_221 : vector<16xf32>
        %parallel_loop3A_223 = arith.mulf %parallel_loop3A_222, %parallel_loop3A_222 : vector<16xf32>
        %parallel_loop3A_224 = arith.addf %parallel_loop3A_223, %mul3A_10 : vector<16xf32>
        %parallel_loop3A_225 = arith.constant true
        %parallel_loop3A_226 = vector.broadcast %parallel_loop3A_225 : i1 to vector<16xi1>
        %parallel_loop3A_227 = tpu.scan <sum>, %parallel_loop3A_224 masked %parallel_loop3A_226 : vector<16xf32>, vector<16xi1> -> vector<16xf32>
        %parallel_loop3A_228 = arith.constant 15 : i32
        %parallel_loop3A_229 = vector.broadcast %parallel_loop3A_228 : i32 to vector<16xi32>
        %parallel_loop3A_230 = tpu.iota {dimensions = array<i32: 0>} : vector<16xi32>
        %parallel_loop3A_231 = arith.subi %parallel_loop3A_229, %parallel_loop3A_230 : vector<16xi32>
        %parallel_loop3A_232 = tpu.dynamic_gather %parallel_loop3A_227[%parallel_loop3A_231] in [0] : vector<16xf32>, vector<16xi32> -> vector<16xf32>
        %parallel_loop3A_233 = arith.mulf %parallel_loop3A_232, %convert_element_type3A_15 : vector<16xf32>
        %parallel_loop3A_234 = arith.constant true
        %parallel_loop3A_235 = vector.broadcast %parallel_loop3A_234 : i1 to vector<16xi1>
        %parallel_loop3A_236 = tpu.scan <sum>, %parallel_loop3A_233 masked %parallel_loop3A_235 : vector<16xf32>, vector<16xi1> -> vector<16xf32>
        %parallel_loop3A_237 = vector.bitcast %parallel_loop3A_236 : vector<16xf32> to vector<16xi32>
        %parallel_loop3A_238 = arith.constant 1 : i32
        %parallel_loop3A_239 = vector.broadcast %parallel_loop3A_238 : i32 to vector<16xi32>
        %parallel_loop3A_240 = arith.shrsi %parallel_loop3A_237, %parallel_loop3A_239 : vector<16xi32>
        %parallel_loop3A_241 = arith.constant 532487669 : i32
        %parallel_loop3A_242 = vector.broadcast %parallel_loop3A_241 : i32 to vector<16xi32>
        %parallel_loop3A_243 = arith.addi %parallel_loop3A_240, %parallel_loop3A_242 : vector<16xi32>
        %parallel_loop3A_244 = vector.bitcast %parallel_loop3A_243 : vector<16xi32> to vector<16xf32>
        %parallel_loop3A_245 = arith.divf %parallel_loop3A_236, %parallel_loop3A_244 : vector<16xf32>
        %parallel_loop3A_246 = arith.addf %parallel_loop3A_244, %parallel_loop3A_245 : vector<16xf32>
        %parallel_loop3A_247 = arith.constant 5.000000e-01 : f32
        %parallel_loop3A_248 = vector.broadcast %parallel_loop3A_247 : f32 to vector<16xf32>
        %parallel_loop3A_249 = arith.mulf %parallel_loop3A_248, %parallel_loop3A_246 : vector<16xf32>
        %parallel_loop3A_250 = arith.divf %parallel_loop3A_236, %parallel_loop3A_249 : vector<16xf32>
        %parallel_loop3A_251 = arith.addf %parallel_loop3A_249, %parallel_loop3A_250 : vector<16xf32>
        %parallel_loop3A_252 = arith.constant 5.000000e-01 : f32
        %parallel_loop3A_253 = vector.broadcast %parallel_loop3A_252 : f32 to vector<16xf32>
        %parallel_loop3A_254 = arith.mulf %parallel_loop3A_253, %parallel_loop3A_251 : vector<16xf32>
        %parallel_loop3A_255 = arith.divf %parallel_loop3A_236, %parallel_loop3A_254 : vector<16xf32>
        %parallel_loop3A_256 = arith.addf %parallel_loop3A_254, %parallel_loop3A_255 : vector<16xf32>
        %parallel_loop3A_257 = arith.constant 5.000000e-01 : f32
        %parallel_loop3A_258 = vector.broadcast %parallel_loop3A_257 : f32 to vector<16xf32>
        %parallel_loop3A_259 = arith.mulf %parallel_loop3A_258, %parallel_loop3A_256 : vector<16xf32>
        %parallel_loop3A_260 = arith.subf %parallel_loop3A_259, %mul3A_3 : vector<16xf32>
        %parallel_loop3A_261 = arith.constant -1.000000e+01 : f32
        %parallel_loop3A_262 = vector.broadcast %parallel_loop3A_261 : f32 to vector<16xf32>
        %parallel_loop3A_263 = arith.mulf %parallel_loop3A_262, %parallel_loop3A_260 : vector<16xf32>
        %parallel_loop3A_264 = arith.mulf %parallel_loop3A_263, %parallel_loop3A_260 : vector<16xf32>
        %parallel_loop3A_265 = math.exp %parallel_loop3A_264 : vector<16xf32>
        %parallel_loop3A_266 = arith.index_cast %parallel_loop3A_143 : i32 to index
        %parallel_loop3A_267 = arith.constant 0 : index
        %parallel_loop3A_268 = tpu.vector_load %arg27[%parallel_loop3A_266, %parallel_loop3A_267] {strides = array<i32>} : memref<40x16xf32, #tpu.memory_space<vmem>>, vector<16xf32>,
        %parallel_loop3A_269 = arith.mulf %parallel_loop3A_146, %parallel_loop3A_170 : vector<16xf32>
        %parallel_loop3A_270 = arith.mulf %parallel_loop3A_149, %parallel_loop3A_173 : vector<16xf32>
        %parallel_loop3A_271 = arith.addf %parallel_loop3A_269, %parallel_loop3A_270 : vector<16xf32>
        %parallel_loop3A_272 = arith.constant 0.176776692 : f32
        %parallel_loop3A_273 = vector.broadcast %parallel_loop3A_272 : f32 to vector<16xf32>
        %parallel_loop3A_274 = arith.mulf %parallel_loop3A_271, %parallel_loop3A_273 : vector<16xf32>
        %parallel_loop3A_275 = arith.mulf %parallel_loop3A_265, %get3A_33 : vector<16xf32>
        %parallel_loop3A_276 = arith.addf %parallel_loop3A_274, %parallel_loop3A_275 : vector<16xf32>
        %parallel_loop3A_277 = arith.constant true
        %parallel_loop3A_278 = vector.broadcast %parallel_loop3A_277 : i1 to vector<16xi1>
        %parallel_loop3A_279 = tpu.scan <sum>, %parallel_loop3A_276 masked %parallel_loop3A_278 : vector<16xf32>, vector<16xi1> -> vector<16xf32>
        %parallel_loop3A_280 = arith.constant 15 : i32
        %parallel_loop3A_281 = vector.broadcast %parallel_loop3A_280 : i32 to vector<16xi32>
        %parallel_loop3A_282 = tpu.iota {dimensions = array<i32: 0>} : vector<16xi32>
        %parallel_loop3A_283 = arith.subi %parallel_loop3A_281, %parallel_loop3A_282 : vector<16xi32>
        %parallel_loop3A_284 = tpu.dynamic_gather %parallel_loop3A_279[%parallel_loop3A_283] in [0] : vector<16xf32>, vector<16xi32> -> vector<16xf32>
        %parallel_loop3A_285 = arith.mulf %parallel_loop3A_284, %convert_element_type3A_15 : vector<16xf32>
        %parallel_loop3A_286 = arith.constant true
        %parallel_loop3A_287 = vector.broadcast %parallel_loop3A_286 : i1 to vector<16xi1>
        %parallel_loop3A_288 = tpu.scan <sum>, %parallel_loop3A_285 masked %parallel_loop3A_287 : vector<16xf32>, vector<16xi1> -> vector<16xf32>
        %parallel_loop3A_289 = arith.mulf %parallel_loop3A_288, %convert_element_type3A_15 : vector<16xf32>
        %parallel_loop3A_290 = arith.addf %parallel_loop3A_268, %parallel_loop3A_289 : vector<16xf32>
        %parallel_loop3A_291 = arith.mulf %parallel_loop3A_152, %parallel_loop3A_176 : vector<16xf32>
        %parallel_loop3A_292 = arith.mulf %parallel_loop3A_155, %parallel_loop3A_179 : vector<16xf32>
        %parallel_loop3A_293 = arith.addf %parallel_loop3A_291, %parallel_loop3A_292 : vector<16xf32>
        %parallel_loop3A_294 = arith.constant 0.176776692 : f32
        %parallel_loop3A_295 = vector.broadcast %parallel_loop3A_294 : f32 to vector<16xf32>
        %parallel_loop3A_296 = arith.mulf %parallel_loop3A_293, %parallel_loop3A_295 : vector<16xf32>
        %parallel_loop3A_297 = arith.mulf %parallel_loop3A_265, %get3A_37 : vector<16xf32>
        %parallel_loop3A_298 = arith.addf %parallel_loop3A_296, %parallel_loop3A_297 : vector<16xf32>
        %parallel_loop3A_299 = arith.constant true
        %parallel_loop3A_300 = vector.broadcast %parallel_loop3A_299 : i1 to vector<16xi1>
        %parallel_loop3A_301 = tpu.scan <sum>, %parallel_loop3A_298 masked %parallel_loop3A_300 : vector<16xf32>, vector<16xi1> -> vector<16xf32>
        %parallel_loop3A_302 = arith.constant 15 : i32
        %parallel_loop3A_303 = vector.broadcast %parallel_loop3A_302 : i32 to vector<16xi32>
        %parallel_loop3A_304 = tpu.iota {dimensions = array<i32: 0>} : vector<16xi32>
        %parallel_loop3A_305 = arith.subi %parallel_loop3A_303, %parallel_loop3A_304 : vector<16xi32>
        %parallel_loop3A_306 = tpu.dynamic_gather %parallel_loop3A_301[%parallel_loop3A_305] in [0] : vector<16xf32>, vector<16xi32> -> vector<16xf32>
        %parallel_loop3A_307 = arith.mulf %parallel_loop3A_306, %convert_element_type3A_15 : vector<16xf32>
        %parallel_loop3A_308 = arith.constant true
        %parallel_loop3A_309 = vector.broadcast %parallel_loop3A_308 : i1 to vector<16xi1>
        %parallel_loop3A_310 = tpu.scan <sum>, %parallel_loop3A_307 masked %parallel_loop3A_309 : vector<16xf32>, vector<16xi1> -> vector<16xf32>
        %parallel_loop3A_311 = arith.mulf %parallel_loop3A_310, %convert_element_type3A_20 : vector<16xf32>
        %parallel_loop3A_312 = arith.addf %parallel_loop3A_290, %parallel_loop3A_311 : vector<16xf32>
        %parallel_loop3A_313 = arith.mulf %parallel_loop3A_158, %parallel_loop3A_182 : vector<16xf32>
        %parallel_loop3A_314 = arith.mulf %parallel_loop3A_161, %parallel_loop3A_185 : vector<16xf32>
        %parallel_loop3A_315 = arith.addf %parallel_loop3A_313, %parallel_loop3A_314 : vector<16xf32>
        %parallel_loop3A_316 = arith.constant 0.176776692 : f32
        %parallel_loop3A_317 = vector.broadcast %parallel_loop3A_316 : f32 to vector<16xf32>
        %parallel_loop3A_318 = arith.mulf %parallel_loop3A_315, %parallel_loop3A_317 : vector<16xf32>
        %parallel_loop3A_319 = arith.mulf %parallel_loop3A_265, %get3A_41 : vector<16xf32>
        %parallel_loop3A_320 = arith.addf %parallel_loop3A_318, %parallel_loop3A_319 : vector<16xf32>
        %parallel_loop3A_321 = arith.constant true
        %parallel_loop3A_322 = vector.broadcast %parallel_loop3A_321 : i1 to vector<16xi1>
        %parallel_loop3A_323 = tpu.scan <sum>, %parallel_loop3A_320 masked %parallel_loop3A_322 : vector<16xf32>, vector<16xi1> -> vector<16xf32>
        %parallel_loop3A_324 = arith.constant 15 : i32
        %parallel_loop3A_325 = vector.broadcast %parallel_loop3A_324 : i32 to vector<16xi32>
        %parallel_loop3A_326 = tpu.iota {dimensions = array<i32: 0>} : vector<16xi32>
        %parallel_loop3A_327 = arith.subi %parallel_loop3A_325, %parallel_loop3A_326 : vector<16xi32>
        %parallel_loop3A_328 = tpu.dynamic_gather %parallel_loop3A_323[%parallel_loop3A_327] in [0] : vector<16xf32>, vector<16xi32> -> vector<16xf32>
        %parallel_loop3A_329 = arith.mulf %parallel_loop3A_328, %convert_element_type3A_15 : vector<16xf32>
        %parallel_loop3A_330 = arith.constant true
        %parallel_loop3A_331 = vector.broadcast %parallel_loop3A_330 : i1 to vector<16xi1>
        %parallel_loop3A_332 = tpu.scan <sum>, %parallel_loop3A_329 masked %parallel_loop3A_331 : vector<16xf32>, vector<16xi1> -> vector<16xf32>
        %parallel_loop3A_333 = arith.mulf %parallel_loop3A_332, %convert_element_type3A_25 : vector<16xf32>
        %parallel_loop3A_334 = arith.addf %parallel_loop3A_312, %parallel_loop3A_333 : vector<16xf32>
        %parallel_loop3A_335 = arith.mulf %parallel_loop3A_164, %parallel_loop3A_188 : vector<16xf32>
        %parallel_loop3A_336 = arith.mulf %parallel_loop3A_167, %parallel_loop3A_191 : vector<16xf32>
        %parallel_loop3A_337 = arith.addf %parallel_loop3A_335, %parallel_loop3A_336 : vector<16xf32>
        %parallel_loop3A_338 = arith.constant 0.176776692 : f32
        %parallel_loop3A_339 = vector.broadcast %parallel_loop3A_338 : f32 to vector<16xf32>
        %parallel_loop3A_340 = arith.mulf %parallel_loop3A_337, %parallel_loop3A_339 : vector<16xf32>
        %parallel_loop3A_341 = arith.mulf %parallel_loop3A_265, %get3A_45 : vector<16xf32>
        %parallel_loop3A_342 = arith.addf %parallel_loop3A_340, %parallel_loop3A_341 : vector<16xf32>
        %parallel_loop3A_343 = arith.constant true
        %parallel_loop3A_344 = vector.broadcast %parallel_loop3A_343 : i1 to vector<16xi1>
        %parallel_loop3A_345 = tpu.scan <sum>, %parallel_loop3A_342 masked %parallel_loop3A_344 : vector<16xf32>, vector<16xi1> -> vector<16xf32>
        %parallel_loop3A_346 = arith.constant 15 : i32
        %parallel_loop3A_347 = vector.broadcast %parallel_loop3A_346 : i32 to vector<16xi32>
        %parallel_loop3A_348 = tpu.iota {dimensions = array<i32: 0>} : vector<16xi32>
        %parallel_loop3A_349 = arith.subi %parallel_loop3A_347, %parallel_loop3A_348 : vector<16xi32>
        %parallel_loop3A_350 = tpu.dynamic_gather %parallel_loop3A_345[%parallel_loop3A_349] in [0] : vector<16xf32>, vector<16xi32> -> vector<16xf32>
        %parallel_loop3A_351 = arith.mulf %parallel_loop3A_350, %convert_element_type3A_15 : vector<16xf32>
        %parallel_loop3A_352 = arith.constant true
        %parallel_loop3A_353 = vector.broadcast %parallel_loop3A_352 : i1 to vector<16xi1>
        %parallel_loop3A_354 = tpu.scan <sum>, %parallel_loop3A_351 masked %parallel_loop3A_353 : vector<16xf32>, vector<16xi1> -> vector<16xf32>
        %parallel_loop3A_355 = arith.mulf %parallel_loop3A_354, %convert_element_type3A_30 : vector<16xf32>
        %parallel_loop3A_356 = arith.addf %parallel_loop3A_334, %parallel_loop3A_355 : vector<16xf32>
        %parallel_loop3A_357 = math.exp %parallel_loop3A_356 : vector<16xf32>
        %parallel_loop3A_358 = arith.mulf %parallel_loop3A_357, %convert_element_type3A_15 : vector<16xf32>
        %parallel_loop3A_359 = arith.constant true
        %parallel_loop3A_360 = vector.broadcast %parallel_loop3A_359 : i1 to vector<16xi1>
        %parallel_loop3A_361 = tpu.scan <sum>, %parallel_loop3A_358 masked %parallel_loop3A_360 : vector<16xf32>, vector<16xi1> -> vector<16xf32>
        %parallel_loop3A_362 = arith.mulf %parallel_loop3A_357, %convert_element_type3A_20 : vector<16xf32>
        %parallel_loop3A_363 = arith.constant true
        %parallel_loop3A_364 = vector.broadcast %parallel_loop3A_363 : i1 to vector<16xi1>
        %parallel_loop3A_365 = tpu.scan <sum>, %parallel_loop3A_362 masked %parallel_loop3A_364 : vector<16xf32>, vector<16xi1> -> vector<16xf32>
        %parallel_loop3A_366 = arith.constant 15 : i32
        %parallel_loop3A_367 = vector.broadcast %parallel_loop3A_366 : i32 to vector<16xi32>
        %parallel_loop3A_368 = tpu.iota {dimensions = array<i32: 0>} : vector<16xi32>
        %parallel_loop3A_369 = arith.subi %parallel_loop3A_367, %parallel_loop3A_368 : vector<16xi32>
        %parallel_loop3A_370 = tpu.dynamic_gather %parallel_loop3A_365[%parallel_loop3A_369] in [0] : vector<16xf32>, vector<16xi32> -> vector<16xf32>
        %parallel_loop3A_371 = arith.mulf %parallel_loop3A_370, %convert_element_type3A_15 : vector<16xf32>
        %parallel_loop3A_372 = arith.addf %parallel_loop3A_365, %parallel_loop3A_371 : vector<16xf32>
        %parallel_loop3A_373 = arith.mulf %parallel_loop3A_357, %convert_element_type3A_25 : vector<16xf32>
        %parallel_loop3A_374 = arith.constant true
        %parallel_loop3A_375 = vector.broadcast %parallel_loop3A_374 : i1 to vector<16xi1>
        %parallel_loop3A_376 = tpu.scan <sum>, %parallel_loop3A_373 masked %parallel_loop3A_375 : vector<16xf32>, vector<16xi1> -> vector<16xf32>
        %parallel_loop3A_377 = arith.constant 15 : i32
        %parallel_loop3A_378 = vector.broadcast %parallel_loop3A_377 : i32 to vector<16xi32>
        %parallel_loop3A_379 = tpu.iota {dimensions = array<i32: 0>} : vector<16xi32>
        %parallel_loop3A_380 = arith.subi %parallel_loop3A_378, %parallel_loop3A_379 : vector<16xi32>
        %parallel_loop3A_381 = tpu.dynamic_gather %parallel_loop3A_376[%parallel_loop3A_380] in [0] : vector<16xf32>, vector<16xi32> -> vector<16xf32>
        %parallel_loop3A_382 = arith.mulf %parallel_loop3A_381, %convert_element_type3A_15 : vector<16xf32>
        %parallel_loop3A_383 = arith.constant true
        %parallel_loop3A_384 = vector.broadcast %parallel_loop3A_383 : i1 to vector<16xi1>
        %parallel_loop3A_385 = tpu.scan <sum>, %parallel_loop3A_382 masked %parallel_loop3A_384 : vector<16xf32>, vector<16xi1> -> vector<16xf32>
        %parallel_loop3A_386 = arith.mulf %parallel_loop3A_357, %convert_element_type3A_30 : vector<16xf32>
        %parallel_loop3A_387 = arith.constant true
        %parallel_loop3A_388 = vector.broadcast %parallel_loop3A_387 : i1 to vector<16xi1>
        %parallel_loop3A_389 = tpu.scan <sum>, %parallel_loop3A_386 masked %parallel_loop3A_388 : vector<16xf32>, vector<16xi1> -> vector<16xf32>
        %parallel_loop3A_390 = arith.constant 15 : i32
        %parallel_loop3A_391 = vector.broadcast %parallel_loop3A_390 : i32 to vector<16xi32>
        %parallel_loop3A_392 = tpu.iota {dimensions = array<i32: 0>} : vector<16xi32>
        %parallel_loop3A_393 = arith.subi %parallel_loop3A_391, %parallel_loop3A_392 : vector<16xi32>
        %parallel_loop3A_394 = tpu.dynamic_gather %parallel_loop3A_389[%parallel_loop3A_393] in [0] : vector<16xf32>, vector<16xi32> -> vector<16xf32>
        %parallel_loop3A_395 = arith.mulf %parallel_loop3A_394, %convert_element_type3A_15 : vector<16xf32>
        %parallel_loop3A_396 = arith.constant true
        %parallel_loop3A_397 = vector.broadcast %parallel_loop3A_396 : i1 to vector<16xi1>
        %parallel_loop3A_398 = tpu.scan <sum>, %parallel_loop3A_395 masked %parallel_loop3A_397 : vector<16xf32>, vector<16xi1> -> vector<16xf32>
        %parallel_loop3A_399 = arith.mulf %parallel_loop3A_194, %parallel_loop3A_361 : vector<16xf32>
        %parallel_loop3A_400 = arith.index_cast %parallel_loop3A_143 : i32 to index
        %parallel_loop3A_401 = arith.constant 0 : index
        %parallel_loop3A_402 = tpu.vector_load %arg29[%parallel_loop3A_400, %parallel_loop3A_401] {strides = array<i32>} : memref<40x144xf32, #tpu.memory_space<vmem>>, vector<16xf32>,
        tpu.vector_store %arg29[%parallel_loop3A_400, %parallel_loop3A_401], %parallel_loop3A_399 {strides = array<i32>} : memref<40x144xf32, #tpu.memory_space<vmem>>, vector<16xf32>,
        %parallel_loop3A_403 = arith.mulf %parallel_loop3A_197, %parallel_loop3A_361 : vector<16xf32>
        %parallel_loop3A_404 = arith.index_cast %parallel_loop3A_143 : i32 to index
        %parallel_loop3A_405 = arith.constant 16 : index
        %parallel_loop3A_406 = tpu.vector_load %arg29[%parallel_loop3A_404, %parallel_loop3A_405] {strides = array<i32>} : memref<40x144xf32, #tpu.memory_space<vmem>>, vector<16xf32>,
        tpu.vector_store %arg29[%parallel_loop3A_404, %parallel_loop3A_405], %parallel_loop3A_403 {strides = array<i32>} : memref<40x144xf32, #tpu.memory_space<vmem>>, vector<16xf32>,
        %parallel_loop3A_407 = arith.mulf %parallel_loop3A_200, %parallel_loop3A_372 : vector<16xf32>
        %parallel_loop3A_408 = arith.index_cast %parallel_loop3A_143 : i32 to index
        %parallel_loop3A_409 = arith.constant 32 : index
        %parallel_loop3A_410 = tpu.vector_load %arg29[%parallel_loop3A_408, %parallel_loop3A_409] {strides = array<i32>} : memref<40x144xf32, #tpu.memory_space<vmem>>, vector<16xf32>,
        tpu.vector_store %arg29[%parallel_loop3A_408, %parallel_loop3A_409], %parallel_loop3A_407 {strides = array<i32>} : memref<40x144xf32, #tpu.memory_space<vmem>>, vector<16xf32>,
        %parallel_loop3A_411 = arith.mulf %parallel_loop3A_203, %parallel_loop3A_372 : vector<16xf32>
        %parallel_loop3A_412 = arith.index_cast %parallel_loop3A_143 : i32 to index
        %parallel_loop3A_413 = arith.constant 48 : index
        %parallel_loop3A_414 = tpu.vector_load %arg29[%parallel_loop3A_412, %parallel_loop3A_413] {strides = array<i32>} : memref<40x144xf32, #tpu.memory_space<vmem>>, vector<16xf32>,
        tpu.vector_store %arg29[%parallel_loop3A_412, %parallel_loop3A_413], %parallel_loop3A_411 {strides = array<i32>} : memref<40x144xf32, #tpu.memory_space<vmem>>, vector<16xf32>,
        %parallel_loop3A_415 = arith.mulf %parallel_loop3A_206, %parallel_loop3A_385 : vector<16xf32>
        %parallel_loop3A_416 = arith.index_cast %parallel_loop3A_143 : i32 to index
        %parallel_loop3A_417 = arith.constant 64 : index
        %parallel_loop3A_418 = tpu.vector_load %arg29[%parallel_loop3A_416, %parallel_loop3A_417] {strides = array<i32>} : memref<40x144xf32, #tpu.memory_space<vmem>>, vector<16xf32>,
        tpu.vector_store %arg29[%parallel_loop3A_416, %parallel_loop3A_417], %parallel_loop3A_415 {strides = array<i32>} : memref<40x144xf32, #tpu.memory_space<vmem>>, vector<16xf32>,
        %parallel_loop3A_419 = arith.mulf %parallel_loop3A_209, %parallel_loop3A_385 : vector<16xf32>
        %parallel_loop3A_420 = arith.index_cast %parallel_loop3A_143 : i32 to index
        %parallel_loop3A_421 = arith.constant 80 : index
        %parallel_loop3A_422 = tpu.vector_load %arg29[%parallel_loop3A_420, %parallel_loop3A_421] {strides = array<i32>} : memref<40x144xf32, #tpu.memory_space<vmem>>, vector<16xf32>,
        tpu.vector_store %arg29[%parallel_loop3A_420, %parallel_loop3A_421], %parallel_loop3A_419 {strides = array<i32>} : memref<40x144xf32, #tpu.memory_space<vmem>>, vector<16xf32>,
        %parallel_loop3A_423 = arith.mulf %parallel_loop3A_212, %parallel_loop3A_398 : vector<16xf32>
        %parallel_loop3A_424 = arith.index_cast %parallel_loop3A_143 : i32 to index
        %parallel_loop3A_425 = arith.constant 96 : index
        %parallel_loop3A_426 = tpu.vector_load %arg29[%parallel_loop3A_424, %parallel_loop3A_425] {strides = array<i32>} : memref<40x144xf32, #tpu.memory_space<vmem>>, vector<16xf32>,
        tpu.vector_store %arg29[%parallel_loop3A_424, %parallel_loop3A_425], %parallel_loop3A_423 {strides = array<i32>} : memref<40x144xf32, #tpu.memory_space<vmem>>, vector<16xf32>,
        %parallel_loop3A_427 = arith.mulf %parallel_loop3A_215, %parallel_loop3A_398 : vector<16xf32>
        %parallel_loop3A_428 = arith.index_cast %parallel_loop3A_143 : i32 to index
        %parallel_loop3A_429 = arith.constant 112 : index
        %parallel_loop3A_430 = tpu.vector_load %arg29[%parallel_loop3A_428, %parallel_loop3A_429] {strides = array<i32>} : memref<40x144xf32, #tpu.memory_space<vmem>>, vector<16xf32>,
        tpu.vector_store %arg29[%parallel_loop3A_428, %parallel_loop3A_429], %parallel_loop3A_427 {strides = array<i32>} : memref<40x144xf32, #tpu.memory_space<vmem>>, vector<16xf32>,
        %parallel_loop3A_431 = arith.index_cast %parallel_loop3A_143 : i32 to index
        %parallel_loop3A_432 = arith.constant 128 : index
        %parallel_loop3A_433 = tpu.vector_load %arg29[%parallel_loop3A_431, %parallel_loop3A_432] {strides = array<i32>} : memref<40x144xf32, #tpu.memory_space<vmem>>, vector<16xf32>,
        tpu.vector_store %arg29[%parallel_loop3A_431, %parallel_loop3A_432], %parallel_loop3A_357 {strides = array<i32>} : memref<40x144xf32, #tpu.memory_space<vmem>>, vector<16xf32>,
      } {sc.loop_unroll_factor = 2 : i64, sc.parallel_access}
      "tpu.region"() ({
        %run_scoped3A = tpu.sem_alloc : memref<!tpu.dma_semaphore, #tpu.memory_space<semaphore_mem>>
        %dma_start3A_143 = arith.constant 0 : i32
        %dma_start3A_144 = arith.constant 0 : i32
        %dma_start3A_145 = tpu.memref_slice %arg12[%dma_start3A_143, %dma_start3A_144] : memref<10000x144xf32, #tpu.memory_space<vmem_shared>> -> memref<10000x144xf32, #tpu.memory_space<vmem_shared>>
        tpu.enqueue_indirect_dma source(%arg29 : memref<40x144xf32, #tpu.memory_space<vmem>>) target(%dma_start3A_145 : memref<10000x144xf32, #tpu.memory_space<vmem_shared>>) offsets(%arg13 : memref<40xi32, #tpu.memory_space<vmem>>) semaphore(%run_scoped3A : memref<!tpu.dma_semaphore, #tpu.memory_space<semaphore_mem>>) {add = true}
        %dma_wait3A_146 = arith.constant 0 : i32
        %dma_wait3A_147 = arith.constant 0 : i32
        %dma_wait3A_148 = tpu.memref_slice %arg12[%dma_wait3A_146, %dma_wait3A_147] : memref<10000x144xf32, #tpu.memory_space<vmem_shared>> -> memref<10000x144xf32, #tpu.memory_space<vmem_shared>>
        tpu.wait_indirect_dma semaphore(%run_scoped3A : memref<!tpu.dma_semaphore, #tpu.memory_space<semaphore_mem>>) src(%arg29 : memref<40x144xf32, #tpu.memory_space<vmem>>) dst(%dma_wait3A_148 : memref<10000x144xf32, #tpu.memory_space<vmem_shared>>)
        tpu.yield
      }) : () -> ()
      %dma_wait3A_121 = arith.constant 0 : i32
      %dma_wait3A_122 = arith.constant 0 : i32
      %dma_wait3A_123 = tpu.memref_slice %arg2[%dma_wait3A_121, %dma_wait3A_122] : memref<10000x128xf32, #tpu.memory_space<hbm>> -> memref<10000x128xf32, #tpu.memory_space<hbm>>
      tpu.wait_indirect_dma semaphore(%arg37 : memref<!tpu.dma_semaphore, #tpu.memory_space<semaphore_mem>>) src(%dma_wait3A_123 : memref<10000x128xf32, #tpu.memory_space<hbm>>) dst(%arg18 : memref<40x128xf32, #tpu.memory_space<vmem>>)
      %dma_wait3A_124 = arith.constant 0 : i32
      %dma_wait3A_125 = arith.constant 0 : i32
      %dma_wait3A_126 = tpu.memref_slice %arg5[%dma_wait3A_124, %dma_wait3A_125] : memref<10000x16xf32, #tpu.memory_space<hbm>> -> memref<10000x16xf32, #tpu.memory_space<hbm>>
      tpu.wait_indirect_dma semaphore(%arg38 : memref<!tpu.dma_semaphore, #tpu.memory_space<semaphore_mem>>) src(%dma_wait3A_126 : memref<10000x16xf32, #tpu.memory_space<hbm>>) dst(%arg20 : memref<40x16xf32, #tpu.memory_space<vmem>>)
      %dma_wait3A_127 = arith.constant 0 : i32
      %dma_wait3A_128 = arith.constant 0 : i32
      %dma_wait3A_129 = tpu.memref_slice %arg3[%dma_wait3A_127, %dma_wait3A_128] : memref<10000x128xf32, #tpu.memory_space<hbm>> -> memref<10000x128xf32, #tpu.memory_space<hbm>>
      tpu.wait_indirect_dma semaphore(%arg39 : memref<!tpu.dma_semaphore, #tpu.memory_space<semaphore_mem>>) src(%dma_wait3A_129 : memref<10000x128xf32, #tpu.memory_space<hbm>>) dst(%arg22 : memref<40x128xf32, #tpu.memory_space<vmem>>)
      %dma_wait3A_130 = arith.constant 0 : i32
      %dma_wait3A_131 = arith.constant 0 : i32
      %dma_wait3A_132 = tpu.memref_slice %arg4[%dma_wait3A_130, %dma_wait3A_131] : memref<10000x128xf32, #tpu.memory_space<hbm>> -> memref<10000x128xf32, #tpu.memory_space<hbm>>
      tpu.wait_indirect_dma semaphore(%arg40 : memref<!tpu.dma_semaphore, #tpu.memory_space<semaphore_mem>>) src(%dma_wait3A_132 : memref<10000x128xf32, #tpu.memory_space<hbm>>) dst(%arg24 : memref<40x128xf32, #tpu.memory_space<vmem>>)
      %dma_wait3A_133 = arith.constant 0 : i32
      %dma_wait3A_134 = arith.constant 0 : i32
      %dma_wait3A_135 = tpu.memref_slice %arg5[%dma_wait3A_133, %dma_wait3A_134] : memref<10000x16xf32, #tpu.memory_space<hbm>> -> memref<10000x16xf32, #tpu.memory_space<hbm>>
      tpu.wait_indirect_dma semaphore(%arg41 : memref<!tpu.dma_semaphore, #tpu.memory_space<semaphore_mem>>) src(%dma_wait3A_135 : memref<10000x16xf32, #tpu.memory_space<hbm>>) dst(%arg26 : memref<40x16xf32, #tpu.memory_space<vmem>>)
      %dma_wait3A_136 = arith.constant 0 : i32
      %dma_wait3A_137 = tpu.memref_slice %arg8[%add3A_81, %dma_wait3A_136] : memref<320000x16xf32, #tpu.memory_space<hbm>> -> memref<40x16xf32, #tpu.memory_space<hbm>>
      %dma_wait3A_138 = arith.constant 0 : i32
      %dma_wait3A_139 = tpu.memref_slice %arg8[%add3A_81, %dma_wait3A_138] : memref<320000x16xf32, #tpu.memory_space<hbm>> -> memref<40x16xf32, #tpu.memory_space<hbm>>
      tpu.wait_dma2 semaphore(%arg42 : memref<!tpu.dma_semaphore, #tpu.memory_space<semaphore_mem>>) src(%dma_wait3A_139 : memref<40x16xf32, #tpu.memory_space<hbm>>) dst(%arg28 : memref<40x16xf32, #tpu.memory_space<vmem>>)
      %parallel_loop3A_140 = arith.constant 0 : i32
      %parallel_loop3A_141 = arith.constant 40 : i32
      %parallel_loop3A_142 = arith.constant 1 : i32
      scf.for %parallel_loop3A_143 = %parallel_loop3A_140 to %parallel_loop3A_141 step %parallel_loop3A_142  : i32 {
        %parallel_loop3A_144 = arith.index_cast %parallel_loop3A_143 : i32 to index
        %parallel_loop3A_145 = arith.constant 0 : index
        %parallel_loop3A_146 = tpu.vector_load %arg18[%parallel_loop3A_144, %parallel_loop3A_145] {strides = array<i32>} : memref<40x128xf32, #tpu.memory_space<vmem>>, vector<16xf32>,
        %parallel_loop3A_147 = arith.index_cast %parallel_loop3A_143 : i32 to index
        %parallel_loop3A_148 = arith.constant 16 : index
        %parallel_loop3A_149 = tpu.vector_load %arg18[%parallel_loop3A_147, %parallel_loop3A_148] {strides = array<i32>} : memref<40x128xf32, #tpu.memory_space<vmem>>, vector<16xf32>,
        %parallel_loop3A_150 = arith.index_cast %parallel_loop3A_143 : i32 to index
        %parallel_loop3A_151 = arith.constant 32 : index
        %parallel_loop3A_152 = tpu.vector_load %arg18[%parallel_loop3A_150, %parallel_loop3A_151] {strides = array<i32>} : memref<40x128xf32, #tpu.memory_space<vmem>>, vector<16xf32>,
        %parallel_loop3A_153 = arith.index_cast %parallel_loop3A_143 : i32 to index
        %parallel_loop3A_154 = arith.constant 48 : index
        %parallel_loop3A_155 = tpu.vector_load %arg18[%parallel_loop3A_153, %parallel_loop3A_154] {strides = array<i32>} : memref<40x128xf32, #tpu.memory_space<vmem>>, vector<16xf32>,
        %parallel_loop3A_156 = arith.index_cast %parallel_loop3A_143 : i32 to index
        %parallel_loop3A_157 = arith.constant 64 : index
        %parallel_loop3A_158 = tpu.vector_load %arg18[%parallel_loop3A_156, %parallel_loop3A_157] {strides = array<i32>} : memref<40x128xf32, #tpu.memory_space<vmem>>, vector<16xf32>,
        %parallel_loop3A_159 = arith.index_cast %parallel_loop3A_143 : i32 to index
        %parallel_loop3A_160 = arith.constant 80 : index
        %parallel_loop3A_161 = tpu.vector_load %arg18[%parallel_loop3A_159, %parallel_loop3A_160] {strides = array<i32>} : memref<40x128xf32, #tpu.memory_space<vmem>>, vector<16xf32>,
        %parallel_loop3A_162 = arith.index_cast %parallel_loop3A_143 : i32 to index
        %parallel_loop3A_163 = arith.constant 96 : index
        %parallel_loop3A_164 = tpu.vector_load %arg18[%parallel_loop3A_162, %parallel_loop3A_163] {strides = array<i32>} : memref<40x128xf32, #tpu.memory_space<vmem>>, vector<16xf32>,
        %parallel_loop3A_165 = arith.index_cast %parallel_loop3A_143 : i32 to index
        %parallel_loop3A_166 = arith.constant 112 : index
        %parallel_loop3A_167 = tpu.vector_load %arg18[%parallel_loop3A_165, %parallel_loop3A_166] {strides = array<i32>} : memref<40x128xf32, #tpu.memory_space<vmem>>, vector<16xf32>,
        %parallel_loop3A_168 = arith.index_cast %parallel_loop3A_143 : i32 to index
        %parallel_loop3A_169 = arith.constant 0 : index
        %parallel_loop3A_170 = tpu.vector_load %arg22[%parallel_loop3A_168, %parallel_loop3A_169] {strides = array<i32>} : memref<40x128xf32, #tpu.memory_space<vmem>>, vector<16xf32>,
        %parallel_loop3A_171 = arith.index_cast %parallel_loop3A_143 : i32 to index
        %parallel_loop3A_172 = arith.constant 16 : index
        %parallel_loop3A_173 = tpu.vector_load %arg22[%parallel_loop3A_171, %parallel_loop3A_172] {strides = array<i32>} : memref<40x128xf32, #tpu.memory_space<vmem>>, vector<16xf32>,
        %parallel_loop3A_174 = arith.index_cast %parallel_loop3A_143 : i32 to index
        %parallel_loop3A_175 = arith.constant 32 : index
        %parallel_loop3A_176 = tpu.vector_load %arg22[%parallel_loop3A_174, %parallel_loop3A_175] {strides = array<i32>} : memref<40x128xf32, #tpu.memory_space<vmem>>, vector<16xf32>,
        %parallel_loop3A_177 = arith.index_cast %parallel_loop3A_143 : i32 to index
        %parallel_loop3A_178 = arith.constant 48 : index
        %parallel_loop3A_179 = tpu.vector_load %arg22[%parallel_loop3A_177, %parallel_loop3A_178] {strides = array<i32>} : memref<40x128xf32, #tpu.memory_space<vmem>>, vector<16xf32>,
        %parallel_loop3A_180 = arith.index_cast %parallel_loop3A_143 : i32 to index
        %parallel_loop3A_181 = arith.constant 64 : index
        %parallel_loop3A_182 = tpu.vector_load %arg22[%parallel_loop3A_180, %parallel_loop3A_181] {strides = array<i32>} : memref<40x128xf32, #tpu.memory_space<vmem>>, vector<16xf32>,
        %parallel_loop3A_183 = arith.index_cast %parallel_loop3A_143 : i32 to index
        %parallel_loop3A_184 = arith.constant 80 : index
        %parallel_loop3A_185 = tpu.vector_load %arg22[%parallel_loop3A_183, %parallel_loop3A_184] {strides = array<i32>} : memref<40x128xf32, #tpu.memory_space<vmem>>, vector<16xf32>,
        %parallel_loop3A_186 = arith.index_cast %parallel_loop3A_143 : i32 to index
        %parallel_loop3A_187 = arith.constant 96 : index
        %parallel_loop3A_188 = tpu.vector_load %arg22[%parallel_loop3A_186, %parallel_loop3A_187] {strides = array<i32>} : memref<40x128xf32, #tpu.memory_space<vmem>>, vector<16xf32>,
        %parallel_loop3A_189 = arith.index_cast %parallel_loop3A_143 : i32 to index
        %parallel_loop3A_190 = arith.constant 112 : index
        %parallel_loop3A_191 = tpu.vector_load %arg22[%parallel_loop3A_189, %parallel_loop3A_190] {strides = array<i32>} : memref<40x128xf32, #tpu.memory_space<vmem>>, vector<16xf32>,
        %parallel_loop3A_192 = arith.index_cast %parallel_loop3A_143 : i32 to index
        %parallel_loop3A_193 = arith.constant 0 : index
        %parallel_loop3A_194 = tpu.vector_load %arg24[%parallel_loop3A_192, %parallel_loop3A_193] {strides = array<i32>} : memref<40x128xf32, #tpu.memory_space<vmem>>, vector<16xf32>,
        %parallel_loop3A_195 = arith.index_cast %parallel_loop3A_143 : i32 to index
        %parallel_loop3A_196 = arith.constant 16 : index
        %parallel_loop3A_197 = tpu.vector_load %arg24[%parallel_loop3A_195, %parallel_loop3A_196] {strides = array<i32>} : memref<40x128xf32, #tpu.memory_space<vmem>>, vector<16xf32>,
        %parallel_loop3A_198 = arith.index_cast %parallel_loop3A_143 : i32 to index
        %parallel_loop3A_199 = arith.constant 32 : index
        %parallel_loop3A_200 = tpu.vector_load %arg24[%parallel_loop3A_198, %parallel_loop3A_199] {strides = array<i32>} : memref<40x128xf32, #tpu.memory_space<vmem>>, vector<16xf32>,
        %parallel_loop3A_201 = arith.index_cast %parallel_loop3A_143 : i32 to index
        %parallel_loop3A_202 = arith.constant 48 : index
        %parallel_loop3A_203 = tpu.vector_load %arg24[%parallel_loop3A_201, %parallel_loop3A_202] {strides = array<i32>} : memref<40x128xf32, #tpu.memory_space<vmem>>, vector<16xf32>,
        %parallel_loop3A_204 = arith.index_cast %parallel_loop3A_143 : i32 to index
        %parallel_loop3A_205 = arith.constant 64 : index
        %parallel_loop3A_206 = tpu.vector_load %arg24[%parallel_loop3A_204, %parallel_loop3A_205] {strides = array<i32>} : memref<40x128xf32, #tpu.memory_space<vmem>>, vector<16xf32>,
        %parallel_loop3A_207 = arith.index_cast %parallel_loop3A_143 : i32 to index
        %parallel_loop3A_208 = arith.constant 80 : index
        %parallel_loop3A_209 = tpu.vector_load %arg24[%parallel_loop3A_207, %parallel_loop3A_208] {strides = array<i32>} : memref<40x128xf32, #tpu.memory_space<vmem>>, vector<16xf32>,
        %parallel_loop3A_210 = arith.index_cast %parallel_loop3A_143 : i32 to index
        %parallel_loop3A_211 = arith.constant 96 : index
        %parallel_loop3A_212 = tpu.vector_load %arg24[%parallel_loop3A_210, %parallel_loop3A_211] {strides = array<i32>} : memref<40x128xf32, #tpu.memory_space<vmem>>, vector<16xf32>,
        %parallel_loop3A_213 = arith.index_cast %parallel_loop3A_143 : i32 to index
        %parallel_loop3A_214 = arith.constant 112 : index
        %parallel_loop3A_215 = tpu.vector_load %arg24[%parallel_loop3A_213, %parallel_loop3A_214] {strides = array<i32>} : memref<40x128xf32, #tpu.memory_space<vmem>>, vector<16xf32>,
        %parallel_loop3A_216 = arith.index_cast %parallel_loop3A_143 : i32 to index
        %parallel_loop3A_217 = arith.constant 0 : index
        %parallel_loop3A_218 = tpu.vector_load %arg20[%parallel_loop3A_216, %parallel_loop3A_217] {strides = array<i32>} : memref<40x16xf32, #tpu.memory_space<vmem>>, vector<16xf32>,
        %parallel_loop3A_219 = arith.index_cast %parallel_loop3A_143 : i32 to index
        %parallel_loop3A_220 = arith.constant 0 : index
        %parallel_loop3A_221 = tpu.vector_load %arg26[%parallel_loop3A_219, %parallel_loop3A_220] {strides = array<i32>} : memref<40x16xf32, #tpu.memory_space<vmem>>, vector<16xf32>,
        %parallel_loop3A_222 = arith.subf %parallel_loop3A_218, %parallel_loop3A_221 : vector<16xf32>
        %parallel_loop3A_223 = arith.mulf %parallel_loop3A_222, %parallel_loop3A_222 : vector<16xf32>
        %parallel_loop3A_224 = arith.addf %parallel_loop3A_223, %mul3A_10 : vector<16xf32>
        %parallel_loop3A_225 = arith.constant true
        %parallel_loop3A_226 = vector.broadcast %parallel_loop3A_225 : i1 to vector<16xi1>
        %parallel_loop3A_227 = tpu.scan <sum>, %parallel_loop3A_224 masked %parallel_loop3A_226 : vector<16xf32>, vector<16xi1> -> vector<16xf32>
        %parallel_loop3A_228 = arith.constant 15 : i32
        %parallel_loop3A_229 = vector.broadcast %parallel_loop3A_228 : i32 to vector<16xi32>
        %parallel_loop3A_230 = tpu.iota {dimensions = array<i32: 0>} : vector<16xi32>
        %parallel_loop3A_231 = arith.subi %parallel_loop3A_229, %parallel_loop3A_230 : vector<16xi32>
        %parallel_loop3A_232 = tpu.dynamic_gather %parallel_loop3A_227[%parallel_loop3A_231] in [0] : vector<16xf32>, vector<16xi32> -> vector<16xf32>
        %parallel_loop3A_233 = arith.mulf %parallel_loop3A_232, %convert_element_type3A_15 : vector<16xf32>
        %parallel_loop3A_234 = arith.constant true
        %parallel_loop3A_235 = vector.broadcast %parallel_loop3A_234 : i1 to vector<16xi1>
        %parallel_loop3A_236 = tpu.scan <sum>, %parallel_loop3A_233 masked %parallel_loop3A_235 : vector<16xf32>, vector<16xi1> -> vector<16xf32>
        %parallel_loop3A_237 = vector.bitcast %parallel_loop3A_236 : vector<16xf32> to vector<16xi32>
        %parallel_loop3A_238 = arith.constant 1 : i32
        %parallel_loop3A_239 = vector.broadcast %parallel_loop3A_238 : i32 to vector<16xi32>
        %parallel_loop3A_240 = arith.shrsi %parallel_loop3A_237, %parallel_loop3A_239 : vector<16xi32>
        %parallel_loop3A_241 = arith.constant 532487669 : i32
        %parallel_loop3A_242 = vector.broadcast %parallel_loop3A_241 : i32 to vector<16xi32>
        %parallel_loop3A_243 = arith.addi %parallel_loop3A_240, %parallel_loop3A_242 : vector<16xi32>
        %parallel_loop3A_244 = vector.bitcast %parallel_loop3A_243 : vector<16xi32> to vector<16xf32>
        %parallel_loop3A_245 = arith.divf %parallel_loop3A_236, %parallel_loop3A_244 : vector<16xf32>
        %parallel_loop3A_246 = arith.addf %parallel_loop3A_244, %parallel_loop3A_245 : vector<16xf32>
        %parallel_loop3A_247 = arith.constant 5.000000e-01 : f32
        %parallel_loop3A_248 = vector.broadcast %parallel_loop3A_247 : f32 to vector<16xf32>
        %parallel_loop3A_249 = arith.mulf %parallel_loop3A_248, %parallel_loop3A_246 : vector<16xf32>
        %parallel_loop3A_250 = arith.divf %parallel_loop3A_236, %parallel_loop3A_249 : vector<16xf32>
        %parallel_loop3A_251 = arith.addf %parallel_loop3A_249, %parallel_loop3A_250 : vector<16xf32>
        %parallel_loop3A_252 = arith.constant 5.000000e-01 : f32
        %parallel_loop3A_253 = vector.broadcast %parallel_loop3A_252 : f32 to vector<16xf32>
        %parallel_loop3A_254 = arith.mulf %parallel_loop3A_253, %parallel_loop3A_251 : vector<16xf32>
        %parallel_loop3A_255 = arith.divf %parallel_loop3A_236, %parallel_loop3A_254 : vector<16xf32>
        %parallel_loop3A_256 = arith.addf %parallel_loop3A_254, %parallel_loop3A_255 : vector<16xf32>
        %parallel_loop3A_257 = arith.constant 5.000000e-01 : f32
        %parallel_loop3A_258 = vector.broadcast %parallel_loop3A_257 : f32 to vector<16xf32>
        %parallel_loop3A_259 = arith.mulf %parallel_loop3A_258, %parallel_loop3A_256 : vector<16xf32>
        %parallel_loop3A_260 = arith.subf %parallel_loop3A_259, %mul3A_3 : vector<16xf32>
        %parallel_loop3A_261 = arith.constant -1.000000e+01 : f32
        %parallel_loop3A_262 = vector.broadcast %parallel_loop3A_261 : f32 to vector<16xf32>
        %parallel_loop3A_263 = arith.mulf %parallel_loop3A_262, %parallel_loop3A_260 : vector<16xf32>
        %parallel_loop3A_264 = arith.mulf %parallel_loop3A_263, %parallel_loop3A_260 : vector<16xf32>
        %parallel_loop3A_265 = math.exp %parallel_loop3A_264 : vector<16xf32>
        %parallel_loop3A_266 = arith.index_cast %parallel_loop3A_143 : i32 to index
        %parallel_loop3A_267 = arith.constant 0 : index
        %parallel_loop3A_268 = tpu.vector_load %arg28[%parallel_loop3A_266, %parallel_loop3A_267] {strides = array<i32>} : memref<40x16xf32, #tpu.memory_space<vmem>>, vector<16xf32>,
        %parallel_loop3A_269 = arith.mulf %parallel_loop3A_146, %parallel_loop3A_170 : vector<16xf32>
        %parallel_loop3A_270 = arith.mulf %parallel_loop3A_149, %parallel_loop3A_173 : vector<16xf32>
        %parallel_loop3A_271 = arith.addf %parallel_loop3A_269, %parallel_loop3A_270 : vector<16xf32>
        %parallel_loop3A_272 = arith.constant 0.176776692 : f32
        %parallel_loop3A_273 = vector.broadcast %parallel_loop3A_272 : f32 to vector<16xf32>
        %parallel_loop3A_274 = arith.mulf %parallel_loop3A_271, %parallel_loop3A_273 : vector<16xf32>
        %parallel_loop3A_275 = arith.mulf %parallel_loop3A_265, %get3A_33 : vector<16xf32>
        %parallel_loop3A_276 = arith.addf %parallel_loop3A_274, %parallel_loop3A_275 : vector<16xf32>
        %parallel_loop3A_277 = arith.constant true
        %parallel_loop3A_278 = vector.broadcast %parallel_loop3A_277 : i1 to vector<16xi1>
        %parallel_loop3A_279 = tpu.scan <sum>, %parallel_loop3A_276 masked %parallel_loop3A_278 : vector<16xf32>, vector<16xi1> -> vector<16xf32>
        %parallel_loop3A_280 = arith.constant 15 : i32
        %parallel_loop3A_281 = vector.broadcast %parallel_loop3A_280 : i32 to vector<16xi32>
        %parallel_loop3A_282 = tpu.iota {dimensions = array<i32: 0>} : vector<16xi32>
        %parallel_loop3A_283 = arith.subi %parallel_loop3A_281, %parallel_loop3A_282 : vector<16xi32>
        %parallel_loop3A_284 = tpu.dynamic_gather %parallel_loop3A_279[%parallel_loop3A_283] in [0] : vector<16xf32>, vector<16xi32> -> vector<16xf32>
        %parallel_loop3A_285 = arith.mulf %parallel_loop3A_284, %convert_element_type3A_15 : vector<16xf32>
        %parallel_loop3A_286 = arith.constant true
        %parallel_loop3A_287 = vector.broadcast %parallel_loop3A_286 : i1 to vector<16xi1>
        %parallel_loop3A_288 = tpu.scan <sum>, %parallel_loop3A_285 masked %parallel_loop3A_287 : vector<16xf32>, vector<16xi1> -> vector<16xf32>
        %parallel_loop3A_289 = arith.mulf %parallel_loop3A_288, %convert_element_type3A_15 : vector<16xf32>
        %parallel_loop3A_290 = arith.addf %parallel_loop3A_268, %parallel_loop3A_289 : vector<16xf32>
        %parallel_loop3A_291 = arith.mulf %parallel_loop3A_152, %parallel_loop3A_176 : vector<16xf32>
        %parallel_loop3A_292 = arith.mulf %parallel_loop3A_155, %parallel_loop3A_179 : vector<16xf32>
        %parallel_loop3A_293 = arith.addf %parallel_loop3A_291, %parallel_loop3A_292 : vector<16xf32>
        %parallel_loop3A_294 = arith.constant 0.176776692 : f32
        %parallel_loop3A_295 = vector.broadcast %parallel_loop3A_294 : f32 to vector<16xf32>
        %parallel_loop3A_296 = arith.mulf %parallel_loop3A_293, %parallel_loop3A_295 : vector<16xf32>
        %parallel_loop3A_297 = arith.mulf %parallel_loop3A_265, %get3A_37 : vector<16xf32>
        %parallel_loop3A_298 = arith.addf %parallel_loop3A_296, %parallel_loop3A_297 : vector<16xf32>
        %parallel_loop3A_299 = arith.constant true
        %parallel_loop3A_300 = vector.broadcast %parallel_loop3A_299 : i1 to vector<16xi1>
        %parallel_loop3A_301 = tpu.scan <sum>, %parallel_loop3A_298 masked %parallel_loop3A_300 : vector<16xf32>, vector<16xi1> -> vector<16xf32>
        %parallel_loop3A_302 = arith.constant 15 : i32
        %parallel_loop3A_303 = vector.broadcast %parallel_loop3A_302 : i32 to vector<16xi32>
        %parallel_loop3A_304 = tpu.iota {dimensions = array<i32: 0>} : vector<16xi32>
        %parallel_loop3A_305 = arith.subi %parallel_loop3A_303, %parallel_loop3A_304 : vector<16xi32>
        %parallel_loop3A_306 = tpu.dynamic_gather %parallel_loop3A_301[%parallel_loop3A_305] in [0] : vector<16xf32>, vector<16xi32> -> vector<16xf32>
        %parallel_loop3A_307 = arith.mulf %parallel_loop3A_306, %convert_element_type3A_15 : vector<16xf32>
        %parallel_loop3A_308 = arith.constant true
        %parallel_loop3A_309 = vector.broadcast %parallel_loop3A_308 : i1 to vector<16xi1>
        %parallel_loop3A_310 = tpu.scan <sum>, %parallel_loop3A_307 masked %parallel_loop3A_309 : vector<16xf32>, vector<16xi1> -> vector<16xf32>
        %parallel_loop3A_311 = arith.mulf %parallel_loop3A_310, %convert_element_type3A_20 : vector<16xf32>
        %parallel_loop3A_312 = arith.addf %parallel_loop3A_290, %parallel_loop3A_311 : vector<16xf32>
        %parallel_loop3A_313 = arith.mulf %parallel_loop3A_158, %parallel_loop3A_182 : vector<16xf32>
        %parallel_loop3A_314 = arith.mulf %parallel_loop3A_161, %parallel_loop3A_185 : vector<16xf32>
        %parallel_loop3A_315 = arith.addf %parallel_loop3A_313, %parallel_loop3A_314 : vector<16xf32>
        %parallel_loop3A_316 = arith.constant 0.176776692 : f32
        %parallel_loop3A_317 = vector.broadcast %parallel_loop3A_316 : f32 to vector<16xf32>
        %parallel_loop3A_318 = arith.mulf %parallel_loop3A_315, %parallel_loop3A_317 : vector<16xf32>
        %parallel_loop3A_319 = arith.mulf %parallel_loop3A_265, %get3A_41 : vector<16xf32>
        %parallel_loop3A_320 = arith.addf %parallel_loop3A_318, %parallel_loop3A_319 : vector<16xf32>
        %parallel_loop3A_321 = arith.constant true
        %parallel_loop3A_322 = vector.broadcast %parallel_loop3A_321 : i1 to vector<16xi1>
        %parallel_loop3A_323 = tpu.scan <sum>, %parallel_loop3A_320 masked %parallel_loop3A_322 : vector<16xf32>, vector<16xi1> -> vector<16xf32>
        %parallel_loop3A_324 = arith.constant 15 : i32
        %parallel_loop3A_325 = vector.broadcast %parallel_loop3A_324 : i32 to vector<16xi32>
        %parallel_loop3A_326 = tpu.iota {dimensions = array<i32: 0>} : vector<16xi32>
        %parallel_loop3A_327 = arith.subi %parallel_loop3A_325, %parallel_loop3A_326 : vector<16xi32>
        %parallel_loop3A_328 = tpu.dynamic_gather %parallel_loop3A_323[%parallel_loop3A_327] in [0] : vector<16xf32>, vector<16xi32> -> vector<16xf32>
        %parallel_loop3A_329 = arith.mulf %parallel_loop3A_328, %convert_element_type3A_15 : vector<16xf32>
        %parallel_loop3A_330 = arith.constant true
        %parallel_loop3A_331 = vector.broadcast %parallel_loop3A_330 : i1 to vector<16xi1>
        %parallel_loop3A_332 = tpu.scan <sum>, %parallel_loop3A_329 masked %parallel_loop3A_331 : vector<16xf32>, vector<16xi1> -> vector<16xf32>
        %parallel_loop3A_333 = arith.mulf %parallel_loop3A_332, %convert_element_type3A_25 : vector<16xf32>
        %parallel_loop3A_334 = arith.addf %parallel_loop3A_312, %parallel_loop3A_333 : vector<16xf32>
        %parallel_loop3A_335 = arith.mulf %parallel_loop3A_164, %parallel_loop3A_188 : vector<16xf32>
        %parallel_loop3A_336 = arith.mulf %parallel_loop3A_167, %parallel_loop3A_191 : vector<16xf32>
        %parallel_loop3A_337 = arith.addf %parallel_loop3A_335, %parallel_loop3A_336 : vector<16xf32>
        %parallel_loop3A_338 = arith.constant 0.176776692 : f32
        %parallel_loop3A_339 = vector.broadcast %parallel_loop3A_338 : f32 to vector<16xf32>
        %parallel_loop3A_340 = arith.mulf %parallel_loop3A_337, %parallel_loop3A_339 : vector<16xf32>
        %parallel_loop3A_341 = arith.mulf %parallel_loop3A_265, %get3A_45 : vector<16xf32>
        %parallel_loop3A_342 = arith.addf %parallel_loop3A_340, %parallel_loop3A_341 : vector<16xf32>
        %parallel_loop3A_343 = arith.constant true
        %parallel_loop3A_344 = vector.broadcast %parallel_loop3A_343 : i1 to vector<16xi1>
        %parallel_loop3A_345 = tpu.scan <sum>, %parallel_loop3A_342 masked %parallel_loop3A_344 : vector<16xf32>, vector<16xi1> -> vector<16xf32>
        %parallel_loop3A_346 = arith.constant 15 : i32
        %parallel_loop3A_347 = vector.broadcast %parallel_loop3A_346 : i32 to vector<16xi32>
        %parallel_loop3A_348 = tpu.iota {dimensions = array<i32: 0>} : vector<16xi32>
        %parallel_loop3A_349 = arith.subi %parallel_loop3A_347, %parallel_loop3A_348 : vector<16xi32>
        %parallel_loop3A_350 = tpu.dynamic_gather %parallel_loop3A_345[%parallel_loop3A_349] in [0] : vector<16xf32>, vector<16xi32> -> vector<16xf32>
        %parallel_loop3A_351 = arith.mulf %parallel_loop3A_350, %convert_element_type3A_15 : vector<16xf32>
        %parallel_loop3A_352 = arith.constant true
        %parallel_loop3A_353 = vector.broadcast %parallel_loop3A_352 : i1 to vector<16xi1>
        %parallel_loop3A_354 = tpu.scan <sum>, %parallel_loop3A_351 masked %parallel_loop3A_353 : vector<16xf32>, vector<16xi1> -> vector<16xf32>
        %parallel_loop3A_355 = arith.mulf %parallel_loop3A_354, %convert_element_type3A_30 : vector<16xf32>
        %parallel_loop3A_356 = arith.addf %parallel_loop3A_334, %parallel_loop3A_355 : vector<16xf32>
        %parallel_loop3A_357 = math.exp %parallel_loop3A_356 : vector<16xf32>
        %parallel_loop3A_358 = arith.mulf %parallel_loop3A_357, %convert_element_type3A_15 : vector<16xf32>
        %parallel_loop3A_359 = arith.constant true
        %parallel_loop3A_360 = vector.broadcast %parallel_loop3A_359 : i1 to vector<16xi1>
        %parallel_loop3A_361 = tpu.scan <sum>, %parallel_loop3A_358 masked %parallel_loop3A_360 : vector<16xf32>, vector<16xi1> -> vector<16xf32>
        %parallel_loop3A_362 = arith.mulf %parallel_loop3A_357, %convert_element_type3A_20 : vector<16xf32>
        %parallel_loop3A_363 = arith.constant true
        %parallel_loop3A_364 = vector.broadcast %parallel_loop3A_363 : i1 to vector<16xi1>
        %parallel_loop3A_365 = tpu.scan <sum>, %parallel_loop3A_362 masked %parallel_loop3A_364 : vector<16xf32>, vector<16xi1> -> vector<16xf32>
        %parallel_loop3A_366 = arith.constant 15 : i32
        %parallel_loop3A_367 = vector.broadcast %parallel_loop3A_366 : i32 to vector<16xi32>
        %parallel_loop3A_368 = tpu.iota {dimensions = array<i32: 0>} : vector<16xi32>
        %parallel_loop3A_369 = arith.subi %parallel_loop3A_367, %parallel_loop3A_368 : vector<16xi32>
        %parallel_loop3A_370 = tpu.dynamic_gather %parallel_loop3A_365[%parallel_loop3A_369] in [0] : vector<16xf32>, vector<16xi32> -> vector<16xf32>
        %parallel_loop3A_371 = arith.mulf %parallel_loop3A_370, %convert_element_type3A_15 : vector<16xf32>
        %parallel_loop3A_372 = arith.addf %parallel_loop3A_365, %parallel_loop3A_371 : vector<16xf32>
        %parallel_loop3A_373 = arith.mulf %parallel_loop3A_357, %convert_element_type3A_25 : vector<16xf32>
        %parallel_loop3A_374 = arith.constant true
        %parallel_loop3A_375 = vector.broadcast %parallel_loop3A_374 : i1 to vector<16xi1>
        %parallel_loop3A_376 = tpu.scan <sum>, %parallel_loop3A_373 masked %parallel_loop3A_375 : vector<16xf32>, vector<16xi1> -> vector<16xf32>
        %parallel_loop3A_377 = arith.constant 15 : i32
        %parallel_loop3A_378 = vector.broadcast %parallel_loop3A_377 : i32 to vector<16xi32>
        %parallel_loop3A_379 = tpu.iota {dimensions = array<i32: 0>} : vector<16xi32>
        %parallel_loop3A_380 = arith.subi %parallel_loop3A_378, %parallel_loop3A_379 : vector<16xi32>
        %parallel_loop3A_381 = tpu.dynamic_gather %parallel_loop3A_376[%parallel_loop3A_380] in [0] : vector<16xf32>, vector<16xi32> -> vector<16xf32>
        %parallel_loop3A_382 = arith.mulf %parallel_loop3A_381, %convert_element_type3A_15 : vector<16xf32>
        %parallel_loop3A_383 = arith.constant true
        %parallel_loop3A_384 = vector.broadcast %parallel_loop3A_383 : i1 to vector<16xi1>
        %parallel_loop3A_385 = tpu.scan <sum>, %parallel_loop3A_382 masked %parallel_loop3A_384 : vector<16xf32>, vector<16xi1> -> vector<16xf32>
        %parallel_loop3A_386 = arith.mulf %parallel_loop3A_357, %convert_element_type3A_30 : vector<16xf32>
        %parallel_loop3A_387 = arith.constant true
        %parallel_loop3A_388 = vector.broadcast %parallel_loop3A_387 : i1 to vector<16xi1>
        %parallel_loop3A_389 = tpu.scan <sum>, %parallel_loop3A_386 masked %parallel_loop3A_388 : vector<16xf32>, vector<16xi1> -> vector<16xf32>
        %parallel_loop3A_390 = arith.constant 15 : i32
        %parallel_loop3A_391 = vector.broadcast %parallel_loop3A_390 : i32 to vector<16xi32>
        %parallel_loop3A_392 = tpu.iota {dimensions = array<i32: 0>} : vector<16xi32>
        %parallel_loop3A_393 = arith.subi %parallel_loop3A_391, %parallel_loop3A_392 : vector<16xi32>
        %parallel_loop3A_394 = tpu.dynamic_gather %parallel_loop3A_389[%parallel_loop3A_393] in [0] : vector<16xf32>, vector<16xi32> -> vector<16xf32>
        %parallel_loop3A_395 = arith.mulf %parallel_loop3A_394, %convert_element_type3A_15 : vector<16xf32>
        %parallel_loop3A_396 = arith.constant true
        %parallel_loop3A_397 = vector.broadcast %parallel_loop3A_396 : i1 to vector<16xi1>
        %parallel_loop3A_398 = tpu.scan <sum>, %parallel_loop3A_395 masked %parallel_loop3A_397 : vector<16xf32>, vector<16xi1> -> vector<16xf32>
        %parallel_loop3A_399 = arith.mulf %parallel_loop3A_194, %parallel_loop3A_361 : vector<16xf32>
        %parallel_loop3A_400 = arith.index_cast %parallel_loop3A_143 : i32 to index
        %parallel_loop3A_401 = arith.constant 0 : index
        %parallel_loop3A_402 = tpu.vector_load %arg29[%parallel_loop3A_400, %parallel_loop3A_401] {strides = array<i32>} : memref<40x144xf32, #tpu.memory_space<vmem>>, vector<16xf32>,
        tpu.vector_store %arg29[%parallel_loop3A_400, %parallel_loop3A_401], %parallel_loop3A_399 {strides = array<i32>} : memref<40x144xf32, #tpu.memory_space<vmem>>, vector<16xf32>,
        %parallel_loop3A_403 = arith.mulf %parallel_loop3A_197, %parallel_loop3A_361 : vector<16xf32>
        %parallel_loop3A_404 = arith.index_cast %parallel_loop3A_143 : i32 to index
        %parallel_loop3A_405 = arith.constant 16 : index
        %parallel_loop3A_406 = tpu.vector_load %arg29[%parallel_loop3A_404, %parallel_loop3A_405] {strides = array<i32>} : memref<40x144xf32, #tpu.memory_space<vmem>>, vector<16xf32>,
        tpu.vector_store %arg29[%parallel_loop3A_404, %parallel_loop3A_405], %parallel_loop3A_403 {strides = array<i32>} : memref<40x144xf32, #tpu.memory_space<vmem>>, vector<16xf32>,
        %parallel_loop3A_407 = arith.mulf %parallel_loop3A_200, %parallel_loop3A_372 : vector<16xf32>
        %parallel_loop3A_408 = arith.index_cast %parallel_loop3A_143 : i32 to index
        %parallel_loop3A_409 = arith.constant 32 : index
        %parallel_loop3A_410 = tpu.vector_load %arg29[%parallel_loop3A_408, %parallel_loop3A_409] {strides = array<i32>} : memref<40x144xf32, #tpu.memory_space<vmem>>, vector<16xf32>,
        tpu.vector_store %arg29[%parallel_loop3A_408, %parallel_loop3A_409], %parallel_loop3A_407 {strides = array<i32>} : memref<40x144xf32, #tpu.memory_space<vmem>>, vector<16xf32>,
        %parallel_loop3A_411 = arith.mulf %parallel_loop3A_203, %parallel_loop3A_372 : vector<16xf32>
        %parallel_loop3A_412 = arith.index_cast %parallel_loop3A_143 : i32 to index
        %parallel_loop3A_413 = arith.constant 48 : index
        %parallel_loop3A_414 = tpu.vector_load %arg29[%parallel_loop3A_412, %parallel_loop3A_413] {strides = array<i32>} : memref<40x144xf32, #tpu.memory_space<vmem>>, vector<16xf32>,
        tpu.vector_store %arg29[%parallel_loop3A_412, %parallel_loop3A_413], %parallel_loop3A_411 {strides = array<i32>} : memref<40x144xf32, #tpu.memory_space<vmem>>, vector<16xf32>,
        %parallel_loop3A_415 = arith.mulf %parallel_loop3A_206, %parallel_loop3A_385 : vector<16xf32>
        %parallel_loop3A_416 = arith.index_cast %parallel_loop3A_143 : i32 to index
        %parallel_loop3A_417 = arith.constant 64 : index
        %parallel_loop3A_418 = tpu.vector_load %arg29[%parallel_loop3A_416, %parallel_loop3A_417] {strides = array<i32>} : memref<40x144xf32, #tpu.memory_space<vmem>>, vector<16xf32>,
        tpu.vector_store %arg29[%parallel_loop3A_416, %parallel_loop3A_417], %parallel_loop3A_415 {strides = array<i32>} : memref<40x144xf32, #tpu.memory_space<vmem>>, vector<16xf32>,
        %parallel_loop3A_419 = arith.mulf %parallel_loop3A_209, %parallel_loop3A_385 : vector<16xf32>
        %parallel_loop3A_420 = arith.index_cast %parallel_loop3A_143 : i32 to index
        %parallel_loop3A_421 = arith.constant 80 : index
        %parallel_loop3A_422 = tpu.vector_load %arg29[%parallel_loop3A_420, %parallel_loop3A_421] {strides = array<i32>} : memref<40x144xf32, #tpu.memory_space<vmem>>, vector<16xf32>,
        tpu.vector_store %arg29[%parallel_loop3A_420, %parallel_loop3A_421], %parallel_loop3A_419 {strides = array<i32>} : memref<40x144xf32, #tpu.memory_space<vmem>>, vector<16xf32>,
        %parallel_loop3A_423 = arith.mulf %parallel_loop3A_212, %parallel_loop3A_398 : vector<16xf32>
        %parallel_loop3A_424 = arith.index_cast %parallel_loop3A_143 : i32 to index
        %parallel_loop3A_425 = arith.constant 96 : index
        %parallel_loop3A_426 = tpu.vector_load %arg29[%parallel_loop3A_424, %parallel_loop3A_425] {strides = array<i32>} : memref<40x144xf32, #tpu.memory_space<vmem>>, vector<16xf32>,
        tpu.vector_store %arg29[%parallel_loop3A_424, %parallel_loop3A_425], %parallel_loop3A_423 {strides = array<i32>} : memref<40x144xf32, #tpu.memory_space<vmem>>, vector<16xf32>,
        %parallel_loop3A_427 = arith.mulf %parallel_loop3A_215, %parallel_loop3A_398 : vector<16xf32>
        %parallel_loop3A_428 = arith.index_cast %parallel_loop3A_143 : i32 to index
        %parallel_loop3A_429 = arith.constant 112 : index
        %parallel_loop3A_430 = tpu.vector_load %arg29[%parallel_loop3A_428, %parallel_loop3A_429] {strides = array<i32>} : memref<40x144xf32, #tpu.memory_space<vmem>>, vector<16xf32>,
        tpu.vector_store %arg29[%parallel_loop3A_428, %parallel_loop3A_429], %parallel_loop3A_427 {strides = array<i32>} : memref<40x144xf32, #tpu.memory_space<vmem>>, vector<16xf32>,
        %parallel_loop3A_431 = arith.index_cast %parallel_loop3A_143 : i32 to index
        %parallel_loop3A_432 = arith.constant 128 : index
        %parallel_loop3A_433 = tpu.vector_load %arg29[%parallel_loop3A_431, %parallel_loop3A_432] {strides = array<i32>} : memref<40x144xf32, #tpu.memory_space<vmem>>, vector<16xf32>,
        tpu.vector_store %arg29[%parallel_loop3A_431, %parallel_loop3A_432], %parallel_loop3A_357 {strides = array<i32>} : memref<40x144xf32, #tpu.memory_space<vmem>>, vector<16xf32>,
      } {sc.loop_unroll_factor = 2 : i64, sc.parallel_access}
      "tpu.region"() ({
        %run_scoped3A = tpu.sem_alloc : memref<!tpu.dma_semaphore, #tpu.memory_space<semaphore_mem>>
        %dma_start3A_143 = arith.constant 0 : i32
        %dma_start3A_144 = arith.constant 0 : i32
        %dma_start3A_145 = tpu.memref_slice %arg12[%dma_start3A_143, %dma_start3A_144] : memref<10000x144xf32, #tpu.memory_space<vmem_shared>> -> memref<10000x144xf32, #tpu.memory_space<vmem_shared>>
        tpu.enqueue_indirect_dma source(%arg29 : memref<40x144xf32, #tpu.memory_space<vmem>>) target(%dma_start3A_145 : memref<10000x144xf32, #tpu.memory_space<vmem_shared>>) offsets(%arg15 : memref<40xi32, #tpu.memory_space<vmem>>) semaphore(%run_scoped3A : memref<!tpu.dma_semaphore, #tpu.memory_space<semaphore_mem>>) {add = true}
        %dma_wait3A_146 = arith.constant 0 : i32
        %dma_wait3A_147 = arith.constant 0 : i32
        %dma_wait3A_148 = tpu.memref_slice %arg12[%dma_wait3A_146, %dma_wait3A_147] : memref<10000x144xf32, #tpu.memory_space<vmem_shared>> -> memref<10000x144xf32, #tpu.memory_space<vmem_shared>>
        tpu.wait_indirect_dma semaphore(%run_scoped3A : memref<!tpu.dma_semaphore, #tpu.memory_space<semaphore_mem>>) src(%arg29 : memref<40x144xf32, #tpu.memory_space<vmem>>) dst(%dma_wait3A_148 : memref<10000x144xf32, #tpu.memory_space<vmem_shared>>)
        tpu.yield
      }) : () -> ()
    }
    %scan3A_54 = arith.constant 125 : i32
    %barrier3A_55 = arith.constant 0 : index
    tpu.barrier barrier_id(%barrier3A_55)
    "tpu.region"() ({
      %run_scoped3A = tpu.sem_alloc : memref<!tpu.dma_semaphore, #tpu.memory_space<semaphore_mem>>
      %dma_start3A = arith.constant 0 : i32
      %dma_start3A_56 = arith.constant 0 : i32
      %dma_start3A_57 = tpu.memref_slice %arg11[%arg0, %dma_start3A, %dma_start3A_56] : memref<2x10000x144xf32, #tpu.memory_space<hbm>> -> memref<1x10000x144xf32, #tpu.memory_space<hbm>>
      %dma_start3A_58 = tpu.memref_squeeze %dma_start3A_57 : memref<1x10000x144xf32, #tpu.memory_space<hbm>> -> memref<10000x144xf32, #tpu.memory_space<hbm>>
      %dma_start3A_59 = arith.constant 0 : i32
      %dma_start3A_60 = tpu.memref_slice %dma_start3A_58[%mul3A_0, %dma_start3A_59] : memref<10000x144xf32, #tpu.memory_space<hbm>> -> memref<625x144xf32, #tpu.memory_space<hbm>>
      %dma_start3A_61 = arith.constant 0 : i32
      %dma_start3A_62 = tpu.memref_slice %arg12[%mul3A_0, %dma_start3A_61] : memref<10000x144xf32, #tpu.memory_space<vmem_shared>> -> memref<625x144xf32, #tpu.memory_space<vmem_shared>>
      tpu.enqueue_dma source(%dma_start3A_62 : memref<625x144xf32, #tpu.memory_space<vmem_shared>>) target(%dma_start3A_60 : memref<625x144xf32, #tpu.memory_space<hbm>>) target_semaphore(%run_scoped3A : memref<!tpu.dma_semaphore, #tpu.memory_space<semaphore_mem>>)
      %dma_wait3A = arith.constant 0 : i32
      %dma_wait3A_63 = arith.constant 0 : i32
      %dma_wait3A_64 = tpu.memref_slice %arg11[%arg0, %dma_wait3A, %dma_wait3A_63] : memref<2x10000x144xf32, #tpu.memory_space<hbm>> -> memref<1x10000x144xf32, #tpu.memory_space<hbm>>
      %dma_wait3A_65 = tpu.memref_squeeze %dma_wait3A_64 : memref<1x10000x144xf32, #tpu.memory_space<hbm>> -> memref<10000x144xf32, #tpu.memory_space<hbm>>
      %dma_wait3A_66 = arith.constant 0 : i32
      %dma_wait3A_67 = tpu.memref_slice %dma_wait3A_65[%mul3A_0, %dma_wait3A_66] : memref<10000x144xf32, #tpu.memory_space<hbm>> -> memref<625x144xf32, #tpu.memory_space<hbm>>
      %dma_wait3A_68 = arith.constant 0 : i32
      %dma_wait3A_69 = tpu.memref_slice %arg12[%mul3A_0, %dma_wait3A_68] : memref<10000x144xf32, #tpu.memory_space<vmem_shared>> -> memref<625x144xf32, #tpu.memory_space<vmem_shared>>
      tpu.wait_dma2 semaphore(%run_scoped3A : memref<!tpu.dma_semaphore, #tpu.memory_space<semaphore_mem>>) src(%dma_wait3A_69 : memref<625x144xf32, #tpu.memory_space<vmem_shared>>) dst(%dma_wait3A_67 : memref<625x144xf32, #tpu.memory_space<hbm>>)
      tpu.yield
    }) : () -> ()
    return
  }
}

module attributes {stable_mosaic.version = 14 : i64} {
  func.func @_qkv_body(%arg0: i32, %arg1: memref<1000x128xf32, #tpu.memory_space<vmem>>, %arg2: memref<128x128xf32, #tpu.memory_space<vmem>>, %arg3: memref<128x128xf32, #tpu.memory_space<vmem>>, %arg4: memref<128x128xf32, #tpu.memory_space<vmem>>, %arg5: memref<4x16xf32, #tpu.memory_space<vmem>>, %arg6: memref<16x16xf32, #tpu.memory_space<vmem>>, %arg7: memref<2x16xf32, #tpu.memory_space<vmem>>, %arg8: memref<16x4xf32, #tpu.memory_space<vmem>>, %arg9: memref<1000x128xf32, #tpu.memory_space<vmem>>, %arg10: memref<1000x128xf32, #tpu.memory_space<vmem>>, %arg11: memref<1000x128xf32, #tpu.memory_space<vmem>>, %arg12: memref<4x16xf32, #tpu.memory_space<vmem>>, %arg13: memref<2x16xf32, #tpu.memory_space<vmem>>) attributes {dimension_semantics = [#tpu.dimension_semantics<arbitrary>], iteration_bounds = array<i64: 10>, scalar_prefetch = 0 : i64, scratch_operands = 0 : i64, tpu.core_type = #tpu.core_type<tc>, window_params = [{transform_indices = @transform_0, window_bounds = array<i64: 1000, 128>}, {pipeline_mode = #tpu.pipeline_mode<synchronous>, transform_indices = @transform_1, window_bounds = array<i64: 128, 128>}, {pipeline_mode = #tpu.pipeline_mode<synchronous>, transform_indices = @transform_2, window_bounds = array<i64: 128, 128>}, {pipeline_mode = #tpu.pipeline_mode<synchronous>, transform_indices = @transform_3, window_bounds = array<i64: 128, 128>}, {pipeline_mode = #tpu.pipeline_mode<synchronous>, transform_indices = @transform_4, window_bounds = array<i64: 4, 16>}, {pipeline_mode = #tpu.pipeline_mode<synchronous>, transform_indices = @transform_5, window_bounds = array<i64: 16, 16>}, {pipeline_mode = #tpu.pipeline_mode<synchronous>, transform_indices = @transform_6, window_bounds = array<i64: 2, 16>}, {pipeline_mode = #tpu.pipeline_mode<synchronous>, transform_indices = @transform_7, window_bounds = array<i64: 16, 4>}, {transform_indices = @transform_8, window_bounds = array<i64: 1000, 128>}, {transform_indices = @transform_9, window_bounds = array<i64: 1000, 128>}, {transform_indices = @transform_10, window_bounds = array<i64: 1000, 128>}, {pipeline_mode = #tpu.pipeline_mode<synchronous>, transform_indices = @transform_11, window_bounds = array<i64: 4, 16>}, {pipeline_mode = #tpu.pipeline_mode<synchronous>, transform_indices = @transform_12, window_bounds = array<i64: 2, 16>}]} {
    %get3A = arith.constant 0 : index
    %get3A_0 = arith.constant 0 : index
    %get3A_1 = vector.load %arg1[%get3A, %get3A_0] : memref<1000x128xf32, #tpu.memory_space<vmem>>, vector<1000x128xf32>
    %get3A_2 = arith.constant 0 : index
    %get3A_3 = arith.constant 0 : index
    %get3A_4 = vector.load %arg2[%get3A_2, %get3A_3] : memref<128x128xf32, #tpu.memory_space<vmem>>, vector<128x128xf32>
    %dot_general3A = arith.constant dense<0.000000e+00> : vector<1000x128xf32>
    %dot_general3A_5 = tpu.matmul %get3A_1, %get3A_4, %dot_general3A {dimension_numbers = #tpu.dot_dimension_numbers<[1], [0], [0], [1], [0, 0, 1, 1], [], []>, transpose_lhs_hint = false} : vector<1000x128xf32>, vector<128x128xf32>, vector<1000x128xf32> -> vector<1000x128xf32>
    %swap3A = arith.constant 0 : index
    %swap3A_6 = arith.constant 0 : index
    %swap3A_7 = vector.load %arg9[%swap3A, %swap3A_6] : memref<1000x128xf32, #tpu.memory_space<vmem>>, vector<1000x128xf32>
    tpu.vector_store %arg9[%swap3A, %swap3A_6], %dot_general3A_5 {strides = array<i32>} : memref<1000x128xf32, #tpu.memory_space<vmem>>, vector<1000x128xf32>,
    %get3A_8 = arith.constant 0 : index
    %get3A_9 = arith.constant 0 : index
    %get3A_10 = vector.load %arg3[%get3A_8, %get3A_9] : memref<128x128xf32, #tpu.memory_space<vmem>>, vector<128x128xf32>
    %dot_general3A_11 = arith.constant dense<0.000000e+00> : vector<1000x128xf32>
    %dot_general3A_12 = tpu.matmul %get3A_1, %get3A_10, %dot_general3A_11 {dimension_numbers = #tpu.dot_dimension_numbers<[1], [0], [0], [1], [0, 0, 1, 1], [], []>, transpose_lhs_hint = false} : vector<1000x128xf32>, vector<128x128xf32>, vector<1000x128xf32> -> vector<1000x128xf32>
    %swap3A_13 = arith.constant 0 : index
    %swap3A_14 = arith.constant 0 : index
    %swap3A_15 = vector.load %arg10[%swap3A_13, %swap3A_14] : memref<1000x128xf32, #tpu.memory_space<vmem>>, vector<1000x128xf32>
    tpu.vector_store %arg10[%swap3A_13, %swap3A_14], %dot_general3A_12 {strides = array<i32>} : memref<1000x128xf32, #tpu.memory_space<vmem>>, vector<1000x128xf32>,
    %get3A_16 = arith.constant 0 : index
    %get3A_17 = arith.constant 0 : index
    %get3A_18 = vector.load %arg4[%get3A_16, %get3A_17] : memref<128x128xf32, #tpu.memory_space<vmem>>, vector<128x128xf32>
    %dot_general3A_19 = arith.constant dense<0.000000e+00> : vector<1000x128xf32>
    %dot_general3A_20 = tpu.matmul %get3A_1, %get3A_18, %dot_general3A_19 {dimension_numbers = #tpu.dot_dimension_numbers<[1], [0], [0], [1], [0, 0, 1, 1], [], []>, transpose_lhs_hint = false} : vector<1000x128xf32>, vector<128x128xf32>, vector<1000x128xf32> -> vector<1000x128xf32>
    %swap3A_21 = arith.constant 0 : index
    %swap3A_22 = arith.constant 0 : index
    %swap3A_23 = vector.load %arg11[%swap3A_21, %swap3A_22] : memref<1000x128xf32, #tpu.memory_space<vmem>>, vector<1000x128xf32>
    tpu.vector_store %arg11[%swap3A_21, %swap3A_22], %dot_general3A_20 {strides = array<i32>} : memref<1000x128xf32, #tpu.memory_space<vmem>>, vector<1000x128xf32>,
    %get3A_24 = arith.constant 0 : index
    %get3A_25 = arith.constant 0 : index
    %get3A_26 = vector.load %arg5[%get3A_24, %get3A_25] : memref<4x16xf32, #tpu.memory_space<vmem>>, vector<4x16xf32>
    %get3A_27 = arith.constant 0 : index
    %get3A_28 = arith.constant 0 : index
    %get3A_29 = vector.load %arg6[%get3A_27, %get3A_28] : memref<16x16xf32, #tpu.memory_space<vmem>>, vector<16x16xf32>
    %dot_general3A_30 = arith.constant dense<0.000000e+00> : vector<4x16xf32>
    %dot_general3A_31 = tpu.matmul %get3A_26, %get3A_29, %dot_general3A_30 {dimension_numbers = #tpu.dot_dimension_numbers<[1], [0], [0], [1], [0, 0, 1, 1], [], []>, transpose_lhs_hint = false} : vector<4x16xf32>, vector<16x16xf32>, vector<4x16xf32> -> vector<4x16xf32>
    %swap3A_32 = arith.constant 0 : index
    %swap3A_33 = arith.constant 0 : index
    %swap3A_34 = vector.load %arg12[%swap3A_32, %swap3A_33] : memref<4x16xf32, #tpu.memory_space<vmem>>, vector<4x16xf32>
    tpu.vector_store %arg12[%swap3A_32, %swap3A_33], %dot_general3A_31 {strides = array<i32>} : memref<4x16xf32, #tpu.memory_space<vmem>>, vector<4x16xf32>,
    %get3A_35 = arith.constant 0 : index
    %get3A_36 = arith.constant 0 : index
    %get3A_37 = vector.load %arg7[%get3A_35, %get3A_36] : memref<2x16xf32, #tpu.memory_space<vmem>>, vector<2x16xf32>
    %get3A_38 = arith.constant 0 : index
    %get3A_39 = arith.constant 0 : index
    %get3A_40 = vector.load %arg8[%get3A_38, %get3A_39] : memref<16x4xf32, #tpu.memory_space<vmem>>, vector<16x4xf32>
    %dot_general3A_41 = arith.constant dense<0.000000e+00> : vector<2x4xf32>
    %dot_general3A_42 = tpu.matmul %get3A_37, %get3A_40, %dot_general3A_41 {dimension_numbers = #tpu.dot_dimension_numbers<[1], [0], [0], [1], [0, 0, 1, 1], [], []>, transpose_lhs_hint = false} : vector<2x16xf32>, vector<16x4xf32>, vector<2x4xf32> -> vector<2x4xf32>
    %jit3A = arith.constant 0 : i32
    %convert_element_type3A = arith.sitofp %jit3A : i32 to f32
    %pad3A = vector.broadcast %convert_element_type3A : f32 to vector<2x12xf32>
    %pad3A_43 = tpu.concatenate %dot_general3A_42, %pad3A in 1 : vector<2x4xf32>, vector<2x12xf32> -> vector<2x16xf32>
    %swap3A_44 = arith.constant 0 : index
    %swap3A_45 = arith.constant 0 : index
    %swap3A_46 = vector.load %arg13[%swap3A_44, %swap3A_45] : memref<2x16xf32, #tpu.memory_space<vmem>>, vector<2x16xf32>
    tpu.vector_store %arg13[%swap3A_44, %swap3A_45], %pad3A_43 {strides = array<i32>} : memref<2x16xf32, #tpu.memory_space<vmem>>, vector<2x16xf32>,
    return
  }
  func.func @transform_0(%arg0: i32) -> (i32, i32) {
    %c0_i32 = arith.constant 0 : i32
    %c0_i32_0 = arith.constant 0 : i32
    return %arg0, %c0_i32 : i32, i32
  }
  func.func @transform_1(%arg0: i32) -> (i32, i32) {
    %c0_i32 = arith.constant 0 : i32
    %c0_i32_0 = arith.constant 0 : i32
    %c0_i32_1 = arith.constant 0 : i32
    return %c0_i32, %c0_i32_0 : i32, i32
  }
  func.func @transform_2(%arg0: i32) -> (i32, i32) {
    %c0_i32 = arith.constant 0 : i32
    %c0_i32_0 = arith.constant 0 : i32
    %c0_i32_1 = arith.constant 0 : i32
    return %c0_i32, %c0_i32_0 : i32, i32
  }
  func.func @transform_3(%arg0: i32) -> (i32, i32) {
    %c0_i32 = arith.constant 0 : i32
    %c0_i32_0 = arith.constant 0 : i32
    %c0_i32_1 = arith.constant 0 : i32
    return %c0_i32, %c0_i32_0 : i32, i32
  }
  func.func @transform_4(%arg0: i32) -> (i32, i32) {
    %c0_i32 = arith.constant 0 : i32
    %c0_i32_0 = arith.constant 0 : i32
    %c0_i32_1 = arith.constant 0 : i32
    return %c0_i32, %c0_i32_0 : i32, i32
  }
  func.func @transform_5(%arg0: i32) -> (i32, i32) {
    %c0_i32 = arith.constant 0 : i32
    %c0_i32_0 = arith.constant 0 : i32
    %c0_i32_1 = arith.constant 0 : i32
    return %c0_i32, %c0_i32_0 : i32, i32
  }
  func.func @transform_6(%arg0: i32) -> (i32, i32) {
    %c0_i32 = arith.constant 0 : i32
    %c0_i32_0 = arith.constant 0 : i32
    %c0_i32_1 = arith.constant 0 : i32
    return %c0_i32, %c0_i32_0 : i32, i32
  }
  func.func @transform_7(%arg0: i32) -> (i32, i32) {
    %c0_i32 = arith.constant 0 : i32
    %c0_i32_0 = arith.constant 0 : i32
    %c0_i32_1 = arith.constant 0 : i32
    return %c0_i32, %c0_i32_0 : i32, i32
  }
  func.func @transform_8(%arg0: i32) -> (i32, i32) {
    %c0_i32 = arith.constant 0 : i32
    %c0_i32_0 = arith.constant 0 : i32
    return %arg0, %c0_i32 : i32, i32
  }
  func.func @transform_9(%arg0: i32) -> (i32, i32) {
    %c0_i32 = arith.constant 0 : i32
    %c0_i32_0 = arith.constant 0 : i32
    return %arg0, %c0_i32 : i32, i32
  }
  func.func @transform_10(%arg0: i32) -> (i32, i32) {
    %c0_i32 = arith.constant 0 : i32
    %c0_i32_0 = arith.constant 0 : i32
    return %arg0, %c0_i32 : i32, i32
  }
  func.func @transform_11(%arg0: i32) -> (i32, i32) {
    %c0_i32 = arith.constant 0 : i32
    %c0_i32_0 = arith.constant 0 : i32
    %c0_i32_1 = arith.constant 0 : i32
    return %c0_i32, %c0_i32_0 : i32, i32
  }
  func.func @transform_12(%arg0: i32) -> (i32, i32) {
    %c0_i32 = arith.constant 0 : i32
    %c0_i32_0 = arith.constant 0 : i32
    %c0_i32_1 = arith.constant 0 : i32
    return %c0_i32, %c0_i32_0 : i32, i32
  }
}

module attributes {stable_mosaic.version = 14 : i64} {
  func.func @_efb_body(%arg0: i32, %arg1: memref<8000x2xf32, #tpu.memory_space<vmem>>, %arg2: memref<2x16xf32, #tpu.memory_space<vmem>>, %arg3: memref<8000x16xf32, #tpu.memory_space<vmem>>) attributes {dimension_semantics = [#tpu.dimension_semantics<arbitrary>], iteration_bounds = array<i64: 40>, scalar_prefetch = 0 : i64, scratch_operands = 0 : i64, tpu.core_type = #tpu.core_type<tc>, window_params = [{transform_indices = @transform_0, window_bounds = array<i64: 8000, 2>}, {pipeline_mode = #tpu.pipeline_mode<synchronous>, transform_indices = @transform_1, window_bounds = array<i64: 2, 16>}, {transform_indices = @transform_2, window_bounds = array<i64: 8000, 16>}]} {
    %get3A = arith.constant 0 : index
    %get3A_0 = arith.constant 0 : index
    %get3A_1 = vector.load %arg1[%get3A, %get3A_0] : memref<8000x2xf32, #tpu.memory_space<vmem>>, vector<8000x2xf32>
    %get3A_2 = arith.constant 0 : index
    %get3A_3 = arith.constant 0 : index
    %get3A_4 = vector.load %arg2[%get3A_2, %get3A_3] : memref<2x16xf32, #tpu.memory_space<vmem>>, vector<2x16xf32>
    %dot_general3A = arith.constant dense<0.000000e+00> : vector<8000x16xf32>
    %dot_general3A_5 = tpu.matmul %get3A_1, %get3A_4, %dot_general3A {dimension_numbers = #tpu.dot_dimension_numbers<[1], [0], [0], [1], [0, 0, 1, 1], [], []>, transpose_lhs_hint = false} : vector<8000x2xf32>, vector<2x16xf32>, vector<8000x16xf32> -> vector<8000x16xf32>
    %swap3A = arith.constant 0 : index
    %swap3A_6 = arith.constant 0 : index
    %swap3A_7 = vector.load %arg3[%swap3A, %swap3A_6] : memref<8000x16xf32, #tpu.memory_space<vmem>>, vector<8000x16xf32>
    tpu.vector_store %arg3[%swap3A, %swap3A_6], %dot_general3A_5 {strides = array<i32>} : memref<8000x16xf32, #tpu.memory_space<vmem>>, vector<8000x16xf32>,
    return
  }
  func.func @transform_0(%arg0: i32) -> (i32, i32) {
    %c0_i32 = arith.constant 0 : i32
    %c0_i32_0 = arith.constant 0 : i32
    return %arg0, %c0_i32 : i32, i32
  }
  func.func @transform_1(%arg0: i32) -> (i32, i32) {
    %c0_i32 = arith.constant 0 : i32
    %c0_i32_0 = arith.constant 0 : i32
    %c0_i32_1 = arith.constant 0 : i32
    return %c0_i32, %c0_i32_0 : i32, i32
  }
  func.func @transform_2(%arg0: i32) -> (i32, i32) {
    %c0_i32 = arith.constant 0 : i32
    %c0_i32_0 = arith.constant 0 : i32
    return %arg0, %c0_i32 : i32, i32
  }
}

module attributes {stable_mosaic.version = 14 : i64} {
  func.func @_final_body(%arg0: i32, %arg1: memref<1000x144xf32, #tpu.memory_space<vmem>>, %arg2: memref<1000x144xf32, #tpu.memory_space<vmem>>, %arg3: memref<1000x128xf32, #tpu.memory_space<vmem>>, %arg4: memref<128x128xf32, #tpu.memory_space<vmem>>, %arg5: memref<128x256xf32, #tpu.memory_space<vmem>>, %arg6: memref<256x128xf32, #tpu.memory_space<vmem>>, %arg7: memref<1x128xf32, #tpu.memory_space<vmem>>, %arg8: memref<1x128xf32, #tpu.memory_space<vmem>>, %arg9: memref<1x128xf32, #tpu.memory_space<vmem>>, %arg10: memref<1x128xf32, #tpu.memory_space<vmem>>, %arg11: memref<1000x128xf32, #tpu.memory_space<vmem>>) attributes {dimension_semantics = [#tpu.dimension_semantics<arbitrary>], iteration_bounds = array<i64: 10>, scalar_prefetch = 0 : i64, scratch_operands = 0 : i64, tpu.core_type = #tpu.core_type<tc>, window_params = [{transform_indices = @transform_0, window_bounds = array<i64: 1000, 144>}, {transform_indices = @transform_1, window_bounds = array<i64: 1000, 144>}, {transform_indices = @transform_2, window_bounds = array<i64: 1000, 128>}, {pipeline_mode = #tpu.pipeline_mode<synchronous>, transform_indices = @transform_3, window_bounds = array<i64: 128, 128>}, {pipeline_mode = #tpu.pipeline_mode<synchronous>, transform_indices = @transform_4, window_bounds = array<i64: 128, 256>}, {pipeline_mode = #tpu.pipeline_mode<synchronous>, transform_indices = @transform_5, window_bounds = array<i64: 256, 128>}, {pipeline_mode = #tpu.pipeline_mode<synchronous>, transform_indices = @transform_6, window_bounds = array<i64: 1, 128>}, {pipeline_mode = #tpu.pipeline_mode<synchronous>, transform_indices = @transform_7, window_bounds = array<i64: 1, 128>}, {pipeline_mode = #tpu.pipeline_mode<synchronous>, transform_indices = @transform_8, window_bounds = array<i64: 1, 128>}, {pipeline_mode = #tpu.pipeline_mode<synchronous>, transform_indices = @transform_9, window_bounds = array<i64: 1, 128>}, {transform_indices = @transform_10, window_bounds = array<i64: 1000, 128>}]} {
    %get3A = arith.constant 0 : index
    %get3A_0 = arith.constant 0 : index
    %get3A_1 = vector.load %arg1[%get3A, %get3A_0] : memref<1000x144xf32, #tpu.memory_space<vmem>>, vector<1000x144xf32>
    %get3A_2 = arith.constant 0 : index
    %get3A_3 = arith.constant 0 : index
    %get3A_4 = vector.load %arg2[%get3A_2, %get3A_3] : memref<1000x144xf32, #tpu.memory_space<vmem>>, vector<1000x144xf32>
    %add3A = arith.addf %get3A_1, %get3A_4 : vector<1000x144xf32>
    %slice3A = vector.extract_strided_slice %add3A {offsets = [0, 0], sizes = [1000, 128], strides = [1, 1]} : vector<1000x144xf32> to vector<1000x128xf32>
    %slice3A_5 = vector.extract_strided_slice %add3A {offsets = [0, 128], sizes = [1000, 4], strides = [1, 1]} : vector<1000x144xf32> to vector<1000x4xf32>
    %add3A_6 = arith.constant 9.99999971E-10 : f32
    %add3A_7 = vector.broadcast %add3A_6 : f32 to vector<1000x4xf32>
    %add3A_8 = arith.addf %slice3A_5, %add3A_7 : vector<1000x4xf32>
    %iota3A = tpu.iota {dimensions = array<i32: 0>} : vector<128x4xi32>
    %iota3A_9 = tpu.iota {dimensions = array<i32: 1>} : vector<128x4xi32>
    %jit3A = arith.constant 32 : i32
    %div3A = vector.broadcast %jit3A : i32 to vector<128x4xi32>
    %div3A_10 = arith.divsi %iota3A, %div3A : vector<128x4xi32>
    %sign3A = arith.constant 0 : i32
    %sign3A_11 = vector.broadcast %sign3A : i32 to vector<128x4xi32>
    %sign3A_12 = arith.cmpi sgt, %iota3A, %sign3A_11 : vector<128x4xi32>
    %sign3A_13 = arith.extui %sign3A_12 : vector<128x4xi1> to vector<128x4xi32>
    %sign3A_14 = arith.constant 0 : i32
    %sign3A_15 = vector.broadcast %sign3A_14 : i32 to vector<128x4xi32>
    %sign3A_16 = arith.cmpi slt, %iota3A, %sign3A_15 : vector<128x4xi32>
    %sign3A_17 = arith.extui %sign3A_16 : vector<128x4xi1> to vector<128x4xi32>
    %sign3A_18 = arith.subi %sign3A_13, %sign3A_17 : vector<128x4xi32>
    %sign3A_19 = arith.constant 0 : i32
    %sign3A_20 = arith.cmpi sgt, %jit3A, %sign3A_19 : i32
    %sign3A_21 = arith.extui %sign3A_20 : i1 to i32
    %sign3A_22 = arith.constant 0 : i32
    %sign3A_23 = arith.cmpi slt, %jit3A, %sign3A_22 : i32
    %sign3A_24 = arith.extui %sign3A_23 : i1 to i32
    %sign3A_25 = arith.subi %sign3A_21, %sign3A_24 : i32
    %ne3A = vector.broadcast %sign3A_25 : i32 to vector<128x4xi32>
    %ne3A_26 = arith.cmpi ne, %sign3A_18, %ne3A : vector<128x4xi32>
    %rem3A = vector.broadcast %jit3A : i32 to vector<128x4xi32>
    %rem3A_27 = arith.remsi %iota3A, %rem3A : vector<128x4xi32>
    %ne3A_28 = arith.constant 0 : i32
    %ne3A_29 = vector.broadcast %ne3A_28 : i32 to vector<128x4xi32>
    %ne3A_30 = arith.cmpi ne, %rem3A_27, %ne3A_29 : vector<128x4xi32>
    %and3A = arith.andi %ne3A_26, %ne3A_30 : vector<128x4xi1>
    %sub3A = arith.constant 1 : i32
    %sub3A_31 = vector.broadcast %sub3A : i32 to vector<128x4xi32>
    %sub3A_32 = arith.subi %div3A_10, %sub3A_31 : vector<128x4xi32>
    %select_n3A = arith.select %and3A, %sub3A_32, %div3A_10 : vector<128x4xi1>, vector<128x4xi32>
    %eq3A = arith.cmpi eq, %select_n3A, %iota3A_9 : vector<128x4xi32>
    %convert_element_type3A = arith.extui %eq3A : vector<128x4xi1> to vector<128x4xi32>
    %convert_element_type3A_33 = arith.sitofp %convert_element_type3A : vector<128x4xi32> to vector<128x4xf32>
    %transpose3A = tpu.transpose %convert_element_type3A_33, [1, 0] : vector<128x4xf32> -> vector<4x128xf32>
    %dot_general3A = arith.constant dense<0.000000e+00> : vector<1000x128xf32>
    %dot_general3A_34 = tpu.matmul %add3A_8, %transpose3A, %dot_general3A {dimension_numbers = #tpu.dot_dimension_numbers<[1], [0], [0], [1], [0, 0, 1, 1], [], []>, transpose_lhs_hint = false} : vector<1000x4xf32>, vector<4x128xf32>, vector<1000x128xf32> -> vector<1000x128xf32>
    %div3A_35 = arith.divf %slice3A, %dot_general3A_34 : vector<1000x128xf32>
    %get3A_36 = arith.constant 0 : index
    %get3A_37 = arith.constant 0 : index
    %get3A_38 = vector.load %arg3[%get3A_36, %get3A_37] : memref<1000x128xf32, #tpu.memory_space<vmem>>, vector<1000x128xf32>
    %get3A_39 = arith.constant 0 : index
    %get3A_40 = arith.constant 0 : index
    %get3A_41 = vector.load %arg4[%get3A_39, %get3A_40] : memref<128x128xf32, #tpu.memory_space<vmem>>, vector<128x128xf32>
    %dot_general3A_42 = arith.constant dense<0.000000e+00> : vector<1000x128xf32>
    %dot_general3A_43 = tpu.matmul %div3A_35, %get3A_41, %dot_general3A_42 {dimension_numbers = #tpu.dot_dimension_numbers<[1], [0], [0], [1], [0, 0, 1, 1], [], []>, transpose_lhs_hint = false} : vector<1000x128xf32>, vector<128x128xf32>, vector<1000x128xf32> -> vector<1000x128xf32>
    %add3A_44 = arith.addf %get3A_38, %dot_general3A_43 : vector<1000x128xf32>
    %reduce_sum3A = arith.constant dense<0.000000e+00> : vector<1000xf32>
    %reduce_sum3A_45 = vector.multi_reduction <add>, %add3A_44, %reduce_sum3A [1] : vector<1000x128xf32> to vector<1000xf32>
    %broadcast_in_dim3A = vector.shape_cast %reduce_sum3A_45 : vector<1000xf32> to vector<1000x1xf32>
    %div3A_46 = arith.constant 1.280000e+02 : f32
    %div3A_47 = vector.broadcast %div3A_46 : f32 to vector<1000x1xf32>
    %div3A_48 = arith.divf %broadcast_in_dim3A, %div3A_47 : vector<1000x1xf32>
    %sub3A_49 = vector.broadcast %div3A_48 : vector<1000x1xf32> to vector<1000x128xf32>
    %sub3A_50 = arith.subf %add3A_44, %sub3A_49 : vector<1000x128xf32>
    %sub3A_51 = vector.broadcast %div3A_48 : vector<1000x1xf32> to vector<1000x128xf32>
    %sub3A_52 = arith.subf %add3A_44, %sub3A_51 : vector<1000x128xf32>
    %mul3A = arith.mulf %sub3A_50, %sub3A_52 : vector<1000x128xf32>
    %reduce_sum3A_53 = arith.constant dense<0.000000e+00> : vector<1000xf32>
    %reduce_sum3A_54 = vector.multi_reduction <add>, %mul3A, %reduce_sum3A_53 [1] : vector<1000x128xf32> to vector<1000xf32>
    %broadcast_in_dim3A_55 = vector.shape_cast %reduce_sum3A_54 : vector<1000xf32> to vector<1000x1xf32>
    %div3A_56 = arith.constant 1.280000e+02 : f32
    %div3A_57 = vector.broadcast %div3A_56 : f32 to vector<1000x1xf32>
    %div3A_58 = arith.divf %broadcast_in_dim3A_55, %div3A_57 : vector<1000x1xf32>
    %sub3A_59 = vector.broadcast %div3A_48 : vector<1000x1xf32> to vector<1000x128xf32>
    %sub3A_60 = arith.subf %add3A_44, %sub3A_59 : vector<1000x128xf32>
    %add3A_61 = arith.constant 9.99999974E-6 : f32
    %add3A_62 = vector.broadcast %add3A_61 : f32 to vector<1000x1xf32>
    %add3A_63 = arith.addf %div3A_58, %add3A_62 : vector<1000x1xf32>
    %sqrt3A = math.sqrt %add3A_63 : vector<1000x1xf32>
    %div3A_64 = vector.broadcast %sqrt3A : vector<1000x1xf32> to vector<1000x128xf32>
    %div3A_65 = arith.divf %sub3A_60, %div3A_64 : vector<1000x128xf32>
    %get3A_66 = arith.constant 0 : index
    %get3A_67 = arith.constant 0 : index
    %get3A_68 = vector.load %arg7[%get3A_66, %get3A_67] : memref<1x128xf32, #tpu.memory_space<vmem>>, vector<1x128xf32>
    %mul3A_69 = vector.broadcast %get3A_68 : vector<1x128xf32> to vector<1000x128xf32>
    %mul3A_70 = arith.mulf %div3A_65, %mul3A_69 : vector<1000x128xf32>
    %get3A_71 = arith.constant 0 : index
    %get3A_72 = arith.constant 0 : index
    %get3A_73 = vector.load %arg8[%get3A_71, %get3A_72] : memref<1x128xf32, #tpu.memory_space<vmem>>, vector<1x128xf32>
    %add3A_74 = vector.broadcast %get3A_73 : vector<1x128xf32> to vector<1000x128xf32>
    %add3A_75 = arith.addf %mul3A_70, %add3A_74 : vector<1000x128xf32>
    %get3A_76 = arith.constant 0 : index
    %get3A_77 = arith.constant 0 : index
    %get3A_78 = vector.load %arg5[%get3A_76, %get3A_77] : memref<128x256xf32, #tpu.memory_space<vmem>>, vector<128x256xf32>
    %dot_general3A_79 = arith.constant dense<0.000000e+00> : vector<1000x256xf32>
    %dot_general3A_80 = tpu.matmul %add3A_75, %get3A_78, %dot_general3A_79 {dimension_numbers = #tpu.dot_dimension_numbers<[1], [0], [0], [1], [0, 0, 1, 1], [], []>, transpose_lhs_hint = false} : vector<1000x128xf32>, vector<128x256xf32>, vector<1000x256xf32> -> vector<1000x256xf32>
    %integer_pow3A = arith.mulf %dot_general3A_80, %dot_general3A_80 : vector<1000x256xf32>
    %integer_pow3A_81 = arith.mulf %dot_general3A_80, %integer_pow3A : vector<1000x256xf32>
    %mul3A_82 = arith.constant 4.471500e-02 : f32
    %mul3A_83 = vector.broadcast %mul3A_82 : f32 to vector<1000x256xf32>
    %mul3A_84 = arith.mulf %mul3A_83, %integer_pow3A_81 : vector<1000x256xf32>
    %add3A_85 = arith.addf %dot_general3A_80, %mul3A_84 : vector<1000x256xf32>
    %mul3A_86 = arith.constant 0.797884583 : f32
    %mul3A_87 = vector.broadcast %mul3A_86 : f32 to vector<1000x256xf32>
    %mul3A_88 = arith.mulf %mul3A_87, %add3A_85 : vector<1000x256xf32>
    %tanh3A = math.tanh %mul3A_88 : vector<1000x256xf32>
    %add3A_89 = arith.constant 1.000000e+00 : f32
    %add3A_90 = vector.broadcast %add3A_89 : f32 to vector<1000x256xf32>
    %add3A_91 = arith.addf %add3A_90, %tanh3A : vector<1000x256xf32>
    %mul3A_92 = arith.constant 5.000000e-01 : f32
    %mul3A_93 = vector.broadcast %mul3A_92 : f32 to vector<1000x256xf32>
    %mul3A_94 = arith.mulf %mul3A_93, %add3A_91 : vector<1000x256xf32>
    %mul3A_95 = arith.mulf %dot_general3A_80, %mul3A_94 : vector<1000x256xf32>
    %get3A_96 = arith.constant 0 : index
    %get3A_97 = arith.constant 0 : index
    %get3A_98 = vector.load %arg6[%get3A_96, %get3A_97] : memref<256x128xf32, #tpu.memory_space<vmem>>, vector<256x128xf32>
    %dot_general3A_99 = arith.constant dense<0.000000e+00> : vector<1000x128xf32>
    %dot_general3A_100 = tpu.matmul %mul3A_95, %get3A_98, %dot_general3A_99 {dimension_numbers = #tpu.dot_dimension_numbers<[1], [0], [0], [1], [0, 0, 1, 1], [], []>, transpose_lhs_hint = false} : vector<1000x256xf32>, vector<256x128xf32>, vector<1000x128xf32> -> vector<1000x128xf32>
    %add3A_101 = arith.addf %add3A_75, %dot_general3A_100 : vector<1000x128xf32>
    %reduce_sum3A_102 = arith.constant dense<0.000000e+00> : vector<1000xf32>
    %reduce_sum3A_103 = vector.multi_reduction <add>, %add3A_101, %reduce_sum3A_102 [1] : vector<1000x128xf32> to vector<1000xf32>
    %broadcast_in_dim3A_104 = vector.shape_cast %reduce_sum3A_103 : vector<1000xf32> to vector<1000x1xf32>
    %div3A_105 = arith.constant 1.280000e+02 : f32
    %div3A_106 = vector.broadcast %div3A_105 : f32 to vector<1000x1xf32>
    %div3A_107 = arith.divf %broadcast_in_dim3A_104, %div3A_106 : vector<1000x1xf32>
    %sub3A_108 = vector.broadcast %div3A_107 : vector<1000x1xf32> to vector<1000x128xf32>
    %sub3A_109 = arith.subf %add3A_101, %sub3A_108 : vector<1000x128xf32>
    %sub3A_110 = vector.broadcast %div3A_107 : vector<1000x1xf32> to vector<1000x128xf32>
    %sub3A_111 = arith.subf %add3A_101, %sub3A_110 : vector<1000x128xf32>
    %mul3A_112 = arith.mulf %sub3A_109, %sub3A_111 : vector<1000x128xf32>
    %reduce_sum3A_113 = arith.constant dense<0.000000e+00> : vector<1000xf32>
    %reduce_sum3A_114 = vector.multi_reduction <add>, %mul3A_112, %reduce_sum3A_113 [1] : vector<1000x128xf32> to vector<1000xf32>
    %broadcast_in_dim3A_115 = vector.shape_cast %reduce_sum3A_114 : vector<1000xf32> to vector<1000x1xf32>
    %div3A_116 = arith.constant 1.280000e+02 : f32
    %div3A_117 = vector.broadcast %div3A_116 : f32 to vector<1000x1xf32>
    %div3A_118 = arith.divf %broadcast_in_dim3A_115, %div3A_117 : vector<1000x1xf32>
    %sub3A_119 = vector.broadcast %div3A_107 : vector<1000x1xf32> to vector<1000x128xf32>
    %sub3A_120 = arith.subf %add3A_101, %sub3A_119 : vector<1000x128xf32>
    %add3A_121 = arith.constant 9.99999974E-6 : f32
    %add3A_122 = vector.broadcast %add3A_121 : f32 to vector<1000x1xf32>
    %add3A_123 = arith.addf %div3A_118, %add3A_122 : vector<1000x1xf32>
    %sqrt3A_124 = math.sqrt %add3A_123 : vector<1000x1xf32>
    %div3A_125 = vector.broadcast %sqrt3A_124 : vector<1000x1xf32> to vector<1000x128xf32>
    %div3A_126 = arith.divf %sub3A_120, %div3A_125 : vector<1000x128xf32>
    %get3A_127 = arith.constant 0 : index
    %get3A_128 = arith.constant 0 : index
    %get3A_129 = vector.load %arg9[%get3A_127, %get3A_128] : memref<1x128xf32, #tpu.memory_space<vmem>>, vector<1x128xf32>
    %mul3A_130 = vector.broadcast %get3A_129 : vector<1x128xf32> to vector<1000x128xf32>
    %mul3A_131 = arith.mulf %div3A_126, %mul3A_130 : vector<1000x128xf32>
    %get3A_132 = arith.constant 0 : index
    %get3A_133 = arith.constant 0 : index
    %get3A_134 = vector.load %arg10[%get3A_132, %get3A_133] : memref<1x128xf32, #tpu.memory_space<vmem>>, vector<1x128xf32>
    %add3A_135 = vector.broadcast %get3A_134 : vector<1x128xf32> to vector<1000x128xf32>
    %add3A_136 = arith.addf %mul3A_131, %add3A_135 : vector<1000x128xf32>
    %swap3A = arith.constant 0 : index
    %swap3A_137 = arith.constant 0 : index
    %swap3A_138 = vector.load %arg11[%swap3A, %swap3A_137] : memref<1000x128xf32, #tpu.memory_space<vmem>>, vector<1000x128xf32>
    tpu.vector_store %arg11[%swap3A, %swap3A_137], %add3A_136 {strides = array<i32>} : memref<1000x128xf32, #tpu.memory_space<vmem>>, vector<1000x128xf32>,
    return
  }
  func.func @transform_0(%arg0: i32) -> (i32, i32) {
    %c0_i32 = arith.constant 0 : i32
    %c0_i32_0 = arith.constant 0 : i32
    return %arg0, %c0_i32 : i32, i32
  }
  func.func @transform_1(%arg0: i32) -> (i32, i32) {
    %c0_i32 = arith.constant 0 : i32
    %c0_i32_0 = arith.constant 0 : i32
    return %arg0, %c0_i32 : i32, i32
  }
  func.func @transform_2(%arg0: i32) -> (i32, i32) {
    %c0_i32 = arith.constant 0 : i32
    %c0_i32_0 = arith.constant 0 : i32
    return %arg0, %c0_i32 : i32, i32
  }
  func.func @transform_3(%arg0: i32) -> (i32, i32) {
    %c0_i32 = arith.constant 0 : i32
    %c0_i32_0 = arith.constant 0 : i32
    %c0_i32_1 = arith.constant 0 : i32
    return %c0_i32, %c0_i32_0 : i32, i32
  }
  func.func @transform_4(%arg0: i32) -> (i32, i32) {
    %c0_i32 = arith.constant 0 : i32
    %c0_i32_0 = arith.constant 0 : i32
    %c0_i32_1 = arith.constant 0 : i32
    return %c0_i32, %c0_i32_0 : i32, i32
  }
  func.func @transform_5(%arg0: i32) -> (i32, i32) {
    %c0_i32 = arith.constant 0 : i32
    %c0_i32_0 = arith.constant 0 : i32
    %c0_i32_1 = arith.constant 0 : i32
    return %c0_i32, %c0_i32_0 : i32, i32
  }
  func.func @transform_6(%arg0: i32) -> (i32, i32) {
    %c0_i32 = arith.constant 0 : i32
    %c0_i32_0 = arith.constant 0 : i32
    %c0_i32_1 = arith.constant 0 : i32
    return %c0_i32, %c0_i32_0 : i32, i32
  }
  func.func @transform_7(%arg0: i32) -> (i32, i32) {
    %c0_i32 = arith.constant 0 : i32
    %c0_i32_0 = arith.constant 0 : i32
    %c0_i32_1 = arith.constant 0 : i32
    return %c0_i32, %c0_i32_0 : i32, i32
  }
  func.func @transform_8(%arg0: i32) -> (i32, i32) {
    %c0_i32 = arith.constant 0 : i32
    %c0_i32_0 = arith.constant 0 : i32
    %c0_i32_1 = arith.constant 0 : i32
    return %c0_i32, %c0_i32_0 : i32, i32
  }
  func.func @transform_9(%arg0: i32) -> (i32, i32) {
    %c0_i32 = arith.constant 0 : i32
    %c0_i32_0 = arith.constant 0 : i32
    %c0_i32_1 = arith.constant 0 : i32
    return %c0_i32, %c0_i32_0 : i32, i32
  }
  func.func @transform_10(%arg0: i32) -> (i32, i32) {
    %c0_i32 = arith.constant 0 : i32
    %c0_i32_0 = arith.constant 0 : i32
    return %arg0, %c0_i32 : i32, i32
  }
}

</mosaic_0001>

<sc_bundles>
// kernel: kernel.6.cloned.1.call-start
scs
__scs_entry_jumppad:
0x0: {  	(pc) =	sbr.rel $0x88, $3  }
0x1: {  	(tag) =	ssettag $0x0;
	lr =	simm.s32 $0x1  }
0x2: {  	[smem:$0x3F90] =	sst lr;
	_ =	strace $0xD0000000  }
0x3: {  	_ = 	snop  }
0x4: {  	_ = 	snop  }
0x5: {  	_ = 	snop  }
0x6: {  	_ = 	snop  }
0x7: {  	_ = 	snop  }
__scs_overlays_trampoline_lowered:
0x8: {  	[smem:$0x3F9F] =	sst s0  }
0x9: {  	[smem:$0x3FA0] =	sst s1  }
0xa: {  	[smem:$0x3FA1] =	sst s2  }
0xb: {  	[smem:$0x3FA2] =	sst s3  }
0xc: {  	[smem:$0x3FA3] =	sst s4  }
0xd: {  	[smem:$0x3FA4] =	sst s5  }
0xe: {  	[smem:$0x3FA5] =	sst s6  }
0xf: {  	[smem:$0x3FA6] =	sst s7  }
0x10: {  	[smem:$0x3FA7] =	sst s8  }
0x11: {  	[smem:$0x3FA8] =	sst s9;
	s0 =	simm.s32 @!p0 $0x0  }
0x12: {  	s1 =	sld [smem:$0x3F8E];
	s0 =	simm.s32 @p0 $0x1  }
0x13: {  	[smem:$0x3FA9] =	sst s0;
	s0 =	simm.s32 @!p1 $0x0  }
0x14: {  	s2 =	sld [smem:$0x3F8D];
	s0 =	simm.s32 @p1 $0x1  }
0x15: {  	[smem:$0x3FAA] =	sst s0;
	s0 =	simm.s32 @!p2 $0x0  }
0x16: {  	s3 =	sld [smem:$0x3FDB];
	s0 =	simm.s32 @p2 $0x1  }
0x17: {  	s4 =	simm.s32 $0x1BF5;
	[smem:$0x3FAC] =	sst s0  }
0x18: {  	s0 =	sld [smem:$0x3F8F];
	_ =	swait.ge [sflag:s4], $0x0  }
0x19: {  	s7 =	sld [smem:$0x3F90]  }
0x1a: {  	s8 =	sadd.s32 $0xFFFFE003, lr  }
0x1b: {  	s9 =	sadd.s32 $0xFFFFFEF7, lr;
	s5 =	simm.s32 $0xFFFFFFFF;
	p2 =	slt.u32 s8, $0xFFFFF086  }
0x1c: {  	p1 =	slt.u32 s9, $0xF7A;
	s5 =	simm.s32 @!p2 $0x0  }
0x1d: {  	s5 =	simm.s32 @p1 $0x1;
	p0 =	seq.s32 s7, s2  }
0x1e: {  	s7 =	smul.u32 @!p0 $0xF7A, s2;
	p2 =	seq.s32 @!p0 s5, $0x0  }
0x1f: {  	s9 =	smul.u32 $0xF7A, s1;
	s8 =	simm.s32 @!p0 $0x1BF5;
	p2 =	por !p2, p0  }
0x20: {  	[sflag:s8] =	ssyncset.s32 @!p0 $0xFFFFF086;
	s6 =	sadd.s32 @!p0 s3, s7;
	s7 =	simm.s32 @!p0 $0x108  }
0x21: {  	s3 =	sadd.s32 s3, s9;
	s6 =	sadd.s32 @!p0 $0x88, s6;
	s7 =	simm.s32 @p2 $0x1082  }
0x22: {  	[simem:s7], [sflag:s8] =	dma.local @!p0 [hbm:s6], $0xF7A  }
0x23: {  	s9 =	sor.u32 $0xD0000000, s2;
	s6 =	simm.s32 $0x108;
	_ =	swait.ge @!p0 [sflag:s8], $0x0  }
0x24: {  	s3 =	sadd.s32 $0x88, s3;
	s6 =	simm.s32 @!p1 $0x1082;
	[sflag:s4] =	ssyncset.s32 $0xFFFFF086  }
0x25: {  	[simem:s6], [sflag:s4] =	dma.local [hbm:s3], $0xF7A  }
0x26: {  	[smem:$0x3F90] =	sst s1;
	(tag) =	ssettag s2;
	_ =	strace s9  }
0x27: {  	s1 =	sld [smem:$0x3FA0]  }
0x28: {  	s2 =	sld [smem:$0x3FA1]  }
0x29: {  	s4 =	sld [smem:$0x3FA3]  }
0x2a: {  	p0 =	seq.s32 s5, $0x0;
	s5 =	sld [smem:$0x3FA4]  }
0x2b: {  	s6 =	sld [smem:$0x3FA5]  }
0x2c: {  	s7 =	sld [smem:$0x3FA6]  }
0x2d: {  	s3 =	simm.s32 $0x108;
	s8 =	sld [smem:$0x3FA7]  }
0x2e: {  	s3 =	simm.s32 @!p0 $0x1082;
	s9 =	sld [smem:$0x3FA8]  }
0x2f: {  	lr =	sadd.s32 s0, s3;
	s0 =	sld [smem:$0x3F9F]  }
0x30: {  	s3 =	sld [smem:$0x3FA2]  }
0x31: {  	[smem:$0x3FAB] =	sst s10  }
0x32: {  	s10 =	sld [smem:$0x3FA9];
	_ =	sdelay $0x3  }
0x33: {  	p0 =	seq.s32 s10, $0x1;
	s10 =	sld [smem:$0x3FAB];
	_ =	sdelay $0x3  }
0x34: {  	[smem:$0x3FAB] =	sst s10  }
0x35: {  	s10 =	sld [smem:$0x3FAA];
	_ =	sdelay $0x3  }
0x36: {  	p1 =	seq.s32 s10, $0x1;
	s10 =	sld [smem:$0x3FAB];
	_ =	sdelay $0x3  }
0x37: {  	[smem:$0x3FAB] =	sst s10  }
0x38: {  	s10 =	sld [smem:$0x3FAC]  }
0x39: {  	_ = 	snop;
	(pc) =	sbr.ind lr, $3  }
0x3a: {  	_ = 	snop  }
0x3b: {  	_ = 	snop  }
0x3c: {  	p2 =	seq.s32 s10, $0x1;
	s10 =	sld [smem:$0x3FAB]  }
0x3d: {  	_ =	shalt  }
0x3e: {  	_ =	shalt  }
0x3f: {  	_ =	shalt  }
0x40: {  	_ =	shalt  }
0x41: {  	_ =	shalt  }
0x42: {  	_ =	shalt  }
0x43: {  	_ =	shalt  }
0x44: {  	_ =	shalt  }
0x45: {  	_ =	shalt  }
0x46: {  	_ =	shalt  }
0x47: {  	_ =	shalt  }
0x48: {  	_ =	shalt  }
0x49: {  	_ =	shalt  }
0x4a: {  	_ =	shalt  }
0x4b: {  	_ =	shalt  }
0x4c: {  	_ =	shalt  }
0x4d: {  	_ =	shalt  }
0x4e: {  	_ =	shalt  }
0x4f: {  	_ =	shalt  }
0x50: {  	_ =	shalt  }
0x51: {  	_ =	shalt  }
0x52: {  	_ =	shalt  }
0x53: {  	_ =	shalt  }
0x54: {  	_ =	shalt  }
0x55: {  	_ =	shalt  }
0x56: {  	_ =	shalt  }
0x57: {  	_ =	shalt  }
0x58: {  	_ =	shalt  }
0x59: {  	_ =	shalt  }
0x5a: {  	_ =	shalt  }
0x5b: {  	_ =	shalt  }
0x5c: {  	_ =	shalt  }
0x5d: {  	_ =	shalt  }
0x5e: {  	_ =	shalt  }
0x5f: {  	_ =	shalt  }
0x60: {  	_ =	shalt  }
0x61: {  	_ =	shalt  }
0x62: {  	_ =	shalt  }
0x63: {  	_ =	shalt  }
0x64: {  	_ =	shalt  }
0x65: {  	_ =	shalt  }
0x66: {  	_ =	shalt  }
0x67: {  	_ =	shalt  }
0x68: {  	_ =	shalt  }
0x69: {  	_ =	shalt  }
0x6a: {  	_ =	shalt  }
0x6b: {  	_ =	shalt  }
0x6c: {  	_ =	shalt  }
0x6d: {  	_ =	shalt  }
0x6e: {  	_ =	shalt  }
0x6f: {  	_ =	shalt  }
0x70: {  	_ =	shalt  }
0x71: {  	_ =	shalt  }
0x72: {  	_ =	shalt  }
0x73: {  	_ =	shalt  }
0x74: {  	_ =	shalt  }
0x75: {  	_ =	shalt  }
0x76: {  	_ =	shalt  }
0x77: {  	_ =	shalt  }
0x78: {  	_ =	shalt  }
0x79: {  	_ =	shalt  }
0x7a: {  	_ =	shalt  }
0x7b: {  	_ =	shalt  }
0x7c: {  	_ =	shalt  }
0x7d: {  	_ =	shalt  }
0x7e: {  	_ =	shalt  }
0x7f: {  	_ =	shalt  }
0x80: {  	_ =	shalt  }
0x81: {  	_ =	shalt  }
0x82: {  	_ =	shalt  }
0x83: {  	_ =	shalt  }
0x84: {  	_ =	shalt  }
0x85: {  	_ =	shalt  }
0x86: {  	_ =	shalt  }
0x87: {  	_ =	shalt  }
.Lfunc_end0:
.L_simem_size_0:
called_computation_lowered:
.L_overlay_start_0:
0x88: {  	s2 =	sld [smem:$0x3FD9]  }
0x89: {  	s3 =	sld [smem:$0x3FFE];
	_ =	sdelay $0x1  }
0x8a: {  	s1 =	srdreg.scid  }
0x8b: {  	s0 =	sand.u32 $0x1, s1  }
0x8c: {  	s17 =	sshll.u32 s0, $0xA;
	s2 =	sadd.s32 s3, s2  }
0x8d: {  	s2 =	sadd.s32 s2, s17  }
0x8e: {  	[smem:$0x3FB7] =	sst s2  }
0x8f: {  	_ = 	snop  }
0x90: {  	s2 =	sld [smem:$0x3FD0];
	(tm) =	ssettm $0x1  }
0x91: {  	s18 =	sld [smem:$0x3FFB];
	_ =	sdelay $0x3  }
0x92: {  	_ =	strace s18  }
0x93: {  	s3 =	sld [smem:$0x3FFC];
	_ =	sdelay $0x3  }
0x94: {  	_ =	strace s3  }
0x95: {  	s3 =	sld [smem:$0x3FFD];
	_ =	sdelay $0x3  }
0x96: {  	_ =	strace s3  }
0x97: {  	_ =	strace $0x8FFFFFFF  }
0x98: {  	s19 =	sld [smem:$0x3FDB];
	_ =	sdelay $0x1  }
0x99: {  	s4 =	simm.s32 $_scs_section_size  }
0x9a: {  	s5 =	simm.s32 $_size__tile_overlayer_lowered;
	s6 =	simm.s32 $_tile_overlayer_lowered  }
0x9b: {  	s22 =	simm.s32 $0x1BFF;
	s21 =	sshll.u32 s6, $0x1;
	s3 =	sadd.s32 s4, s19  }
0x9c: {  	s7 =	simm.s32 $0x0;
	s20 =	sshll.u32 s5, $0x1;
	s5 =	sadd.s32 s21, s3  }
0x9d: {  	[timem:s7], [sflag:s22] =	dma.local [hbm:s5], s20  }
0x9e: {  	_ =	swait.ge [sflag:s22], s20  }
0x9f: {  	s4 =	ssub.s32 $0x0, s20;
	[sflag:s22] =	ssyncset.done $0x0  }
0xa0: {  	[sflag:s22] =	ssyncadd.s32 s4;
	_ =	sdelay $0x1  }
0xa1: {  	s23 =	simm.s32 $0x1B8B  }
0xa2: {  	_ =	swait.ge [sflag:s23], $0x1  }
0xa3: {  	[sflag:s23] =	ssyncset.done $0x0  }
0xa4: {  	s25 =	simm.s32 $0x1B8E;
	s24 =	sld [smem:$0x3FFE];
	[sflag:s23] =	ssyncadd.s32 $0xFFFFFFFF  }
0xa5: {  	s26 =	simm.s32 $execute0_lowered;
	[smem:$0x3FD2] =	sst s25  }
0xa6: {  	s5 =	sshll.u32 s26, $0x1;
	_ =	strace $0x80000046;
	[dreg:$0x1] =	wrdreg $0xFFFFFFFF  }
0xa7: {  	s28 =	simm.s32 $_size_execute0_lowered;
	s3 =	sadd.s32 s3, s5;
	[dreg:$0x0] =	wrdreg $0x0  }
0xa8: {  	s5 =	sshll.u32 s28, $0x1;
	[dreg:$0x2] =	wrdreg s3  }
0xa9: {  	[dreg:$0x3] =	wrdreg s5  }
0xaa: {  	[dreg:$0x4] =	wrdreg $0xC0  }
0xab: {  	_ =	task [dreg:s7], $0x5FFFF  }
0xac: {  	[dreg:$0x1] =	wrdreg $0xFFFFFFFF  }
0xad: {  	[dreg:$0x0] =	wrdreg $0x60  }
0xae: {  	[dreg:$0x2] =	wrdreg s2  }
0xaf: {  	[dreg:$0x3] =	wrdreg s24  }
0xb0: {  	[dreg:$0x4] =	wrdreg $0x0  }
0xb1: {  	[dreg:$0x5] =	wrdreg $0x9  }
0xb2: {  	_ =	task.clear_ibuf [dreg:s7], $0x6FFFF;
	_ =	strace $0x90000046  }
0xb3: {  	s29 =	simm.s32 $0x9;
	_ =	strace $0x80000048  }
0xb4: {  	_ =	swait.ge [sflag:s29], $0x1  }
0xb5: {  	[sflag:s29] =	ssyncadd.s32 $0xFFFFFFFF  }
0xb6: {  	_ =	strace $0x90000048  }
0xb7: {  	_ =	sfence  }
0xb8: {  	s30 =	sld [smem:$0x0];
	_ =	sdelay $0x2  }
0xb9: {  	s31 =	sshll.u32 s1, $0xD;
	s1 =	sshrl.u32 s1, $0x2  }
0xba: {  	s3 =	sand.u32 $0x4000, s31;
	s1 =	sadd.s32 s1, s30  }
0xbb: {  	s0 =	sor.u32 s3, s0;
	s1 =	sshll.u32 s1, $0x11  }
0xbc: {  	s0 =	sor.u32 s1, s0  }
0xbd: {  	s0 =	sadd.s32 $0x8F2B, s0  }
0xbe: {  	[sflag:s0] =	ssyncadd.remote.s32 $0x1  }
0xbf: {  	_ =	sfence.sel $0xFFFF  }
0xc0: {  	[dreg:$0x0] =	wrdreg $0xFFFFFFFF;
	(pc) =	sbr.abs _section_cstart, $3  }
0xc1: {  	[dreg:$0x1] =	wrdreg $0xFFFFFFFF  }
0xc2: {  	_ =	task.clear_ibuf [dreg:s7], $0x2FFFF;
	_ =	strace $0x9FFFFFFF  }
0xc3: {  	(tm) =	ssettm $0x7FFFFFFF  }
tec
execute0_lowered:
.L_overlay_start_1:
0x0: {  	(tag) =	ssettag $0x1  }
0x1: {  	s0 =	rddreg [dreg:$0x1]  }
0x2: {  	s16 =	rddreg [dreg:$0x2]  }
0x3: {  	s3 =	simm.s32 $0x0;
	s15 =	stileid.u32;
	s2 =	srdreg.scid  }
0x4: {  	s17 =	simm.s32 $0x15F90;
	s18 =	simm.s32 $0x15FB8;
	s19 =	simm.s32 $0x28  }
0x5: {  	vm0 =	vcmask $0x300;
	v0 =	vimm.f32 $-1.000000000e+01;
	s30 =	simm.s32 $0x15FE0;
	s31 =	simm.s32 $0x16008;
	s21 =	simm.s32 $0x5  }
0x6: {  	vm1 =	vcmask $0x704;
	vm2 =	vcmask $0xB08;
	s28 =	simm.s32 $0x7;
	s29 =	simm.s32 $0x8;
	s5 =	sadd.s32 $0x4E4C00, s0;
	v0 =	vsel vm0, $0x80000000, v0  }
0x7: {  	[smem:$0x7FF] =	sst s3;
	s6 =	sadd.s32 $0x50BE00, s0;
	s7 =	sadd.s32 $0xB2E00, s0;
	v0 =	vsel vm1, $0xBF2AAAAB, v0  }
0x8: {  	vm3 =	vcmask $0xF0C;
	s1 =	smul.u32 $0x15F90, s15;
	s8 =	sadd.s32 $0xA9000, s0;
	s9 =	sadd.s32 $0x9F200, s0;
	v0 =	vsel vm2, $0xBFAAAAAB, v0  }
0x9: {  	vm4 =	vcmask $0x1310;
	s2 =	sand.u32 $0x1, s2;
	s10 =	sadd.s32 $0x2C00, s0;
	s12 =	sadd.s32 $0x9F000, s0;
	v0 =	vsel vm3, $0xC0000000, v0  }
0xa: {  	vm14 =	vcmask $0x1714;
	s14 =	sshll.u32 s15, $0x1;
	s25 =	sshll.u32 s15, $0x6;
	s15 =	simm.s32 $0xD;
	v0 =	vsel vm4, $0xC02AAAAB, v0  }
0xb: {  	vm15 =	vcmask $0x1B18;
	_ =	strace $0x80000047;
	s11 =	smul.u32 $0x2BF20, s2;
	[dreg:$0x4] =	wrdreg s12;
	v0 =	vsel vm14, $0xC0555556, v0  }
0xc: {  	vm8 =	vcmask $0x1F1C;
	s13 =	ssub.s32 $0x2, s2;
	s2 =	sor.u32 s2, s14;
	s4 =	sshrl.u32 s1, $0x3;
	v1 =	vsel vm15, $0xC0800000, v0  }
0xd: {  	v6 =	vimm.f32 $0.0e+00;
	vm9 =	vcmask $0x2320;
	s24 =	sshrl.u32 s13, $0x1;
	s2 =	smul.u32 $0x2710, s2;
	s1 =	sadd.s32 s1, s16;
	v1 =	vsel vm8, $0xC0955556, v1  }
0xe: {  	vm10 =	vcmask $0x2724;
	vm11 =	vcmask $0x2B28;
	s16 =	simm.s32 $0xB;
	s23 =	sadd.s32 s4, s0;
	s0 =	sadd.s32 s11, s0;
	v1 =	vsel vm9, $0xC0AAAAAB, v1  }
0xf: {  	vm12 =	vcmask $0x2F2C;
	v2 =	vlaneseq.u32;
	s26 =	ssub.s32 s13, s24;
	s12 =	sadd.s32 $0xB7E00, s23;
	[dreg:$0x7] =	wrdreg s2;
	v1 =	vsel vm10, $0xC0C00000, v1  }
0x10: {  	vm13 =	vcmask $0x3330;
	v2 =	vmul.u32 $0xFFFFFFFF, v2;
	s0 =	sadd.s32 $0xE3E00, s0;
	s2 =	smax.u32 s26, $0x1;
	[dreg:$0x5] =	wrdreg s12;
	v1 =	vsel vm11, $0xC0D55556, v1  }
0x11: {  	v4 =	vsel vm1, $0x3F800000, v6;
	v5 =	vsel vm2, $0x3F800000, v6;
	s11 =	simm.s32 $0xC;
	[dreg:$0x8] =	wrdreg s2;
	s0 =	sadd.s32 s4, s0;
	v1 =	vsel vm12, $0xC0EAAAAB, v1  }
0x12: {  	v2 =	vadd.s32 $0xF, v2;
	s13 =	simm.s32 $0x0;
	s12 =	sor.u32 $0x1C0D, s25;
	vm14 =	vcmask $0x3734;
	[dreg:$0xa] =	wrdreg s0;
	v1 =	vsel vm13, $0xC1000000, v1  }
0x13: {  	s2 =	sshrl.u32 s1, $0x3;
	s25 =	simm.s32 $0x6;
	v0 =	vsel vm0, $0x322BCC77, v6;
	vm15 =	vcmask $0x3B38;
	[dreg:$0x6] =	wrdreg s12;
	v3 =	vsel vm14, $0xC10AAAAB, v1  }
0x14: {  	s4 =	simm.s32 $0xA;
	s0 =	simm.s32 $0x9;
	[dreg:$0x9] =	wrdreg s2;
	v1 =	vsel vm0, $0x3F800000, v6;
	v6 =	vsel vm3, $0x3F800000, v6;
	v3 =	vsel vm15, $0xC1155556, v3  }
.LBB2_1:
0x15: {  	[dreg:$0xb] =	wrdreg s13  }
0x16: {  	s1 =	rddreg [dreg:$0x5]  }
0x17: {  	[spmem:s2], [sflag:s12] =	dma.local [hbm:s1], $0x2BF2  }
0x18: {  	_ =	swait.ge [sflag:s15], $0x2BF2  }
0x19: {  	[sflag:s15] =	ssyncset.done $0x0  }
0x1a: {  	s26 =	simm.s32 $0x1FDB0;
	s24 =	rddreg [dreg:$0x4];
	[sflag:s15] =	ssyncadd.s32 $0xFFFFD40E  }
0x1b: {  	[tilespmem:s26], [sflag:$0xD] =	stream.linear.gather [hbm4b:s24+s3], $0x40, $0x38;
	[tilespmem:$0x1FDF0] =	vst v63  }
0x1c: {  	_ =	swait.ge [sflag:s15], $0x40  }
0x1d: {  	[sflag:s15] =	ssyncset.done $0x0  }
0x1e: {  	[sflag:s15] =	ssyncadd.s32 $0xFFFFFFC0  }
0x1f: {  	[bflag:$0x0] =	sbarrier.arrive $0xFFFF  }
0x20: {  	v7 =	vld [tilespmem:$0x1FDB0]  }
0x21: {  	v8 =	vld [tilespmem:$0x1FDC0]  }
0x22: {  	v9 =	vld [tilespmem:$0x1FDD0]  }
0x23: {  	s12 =	simm.s32 $0x0;
	v10 =	vld [tilespmem:$0x1FDE0]  }
.LBB2_2:
0x24: {  	s1 =	smul.u32 $0x50, s12  }
0x25: {  	s2 =	rddreg [dreg:$0x7]  }
0x26: {  	s1 =	sadd.s32 s2, s1  }
0x27: {  	s2 =	sshrl.u32 s1, $0x3  }
0x28: {  	s13 =	sadd.s32 s8, s2  }
0x29: {  	[tilespmem:s17], [sflag:$0xD] =	stream.linear.gather [hbm4b:s13+s3], $0x28, $0x38;
	[tilespmem:$0x1FDF0] =	vst v63  }
0x2a: {  	_ =	swait.ge [sflag:s15], $0x28  }
0x2b: {  	[sflag:s15] =	ssyncset.done $0x0  }
0x2c: {  	s2 =	sadd.s32 s9, s2;
	[sflag:s15] =	ssyncadd.s32 $0xFFFFFFD8  }
0x2d: {  	[tilespmem:s18], [sflag:$0xD] =	stream.linear.gather [hbm4b:s2+s3], $0x28, $0x38;
	[tilespmem:$0x1FDF0] =	vst v63  }
0x2e: {  	_ =	swait.ge [sflag:s15], $0x28  }
0x2f: {  	[sflag:s15] =	ssyncset.done $0x0  }
0x30: {  	[sflag:s15] =	ssyncadd.s32 $0xFFFFFFD8  }
0x31: {  	s23 =	simm.s32 $0x16030;
	s14 =	rddreg [dreg:$0x0]  }
0x32: {  	[tilespmem:s23], [sflag:$0x1] =	stream.indirect.gather [hbm4b:s14+s19], $0x80, s17, s19, $0xb8;
	[tilespmem:$0x1FDF0] =	vst v63  }
0x33: {  	s24 =	simm.s32 $0x18830  }
0x34: {  	[tilespmem:s24], [sflag:$0x2] =	stream.indirect.gather [hbm4b:s7+s19], $0x10, s17, s19, $0xb8;
	[tilespmem:$0x1FDF0] =	vst v63  }
0x35: {  	s26 =	simm.s32 $0x18D30  }
0x36: {  	[tilespmem:s26], [sflag:$0x3] =	stream.indirect.gather [hbm4b:s5+s19], $0x80, s18, s19, $0xb8;
	[tilespmem:$0x1FDF0] =	vst v63  }
0x37: {  	s13 =	simm.s32 $0x1B530  }
0x38: {  	[tilespmem:s13], [sflag:$0x4] =	stream.indirect.gather [hbm4b:s6+s19], $0x80, s18, s19, $0xb8;
	[tilespmem:$0x1FDF0] =	vst v63  }
0x39: {  	s20 =	simm.s32 $0x1DD30;
	s22 =	sshll.u32 s1, $0x1;
	s1 =	sadd.s32 $0x28, s1  }
0x3a: {  	[tilespmem:s20], [sflag:$0x5] =	stream.indirect.gather [hbm4b:s7+s19], $0x10, s18, s19, $0xb8;
	[tilespmem:$0x1FDF0] =	vst v63  }
0x3b: {  	s2 =	sadd.s32 s10, s22;
	s23 =	simm.s32 $0x1E230;
	s24 =	sshrl.u32 s1, $0x3  }
0x3c: {  	[tilespmem:s23], [sflag:$0x6] =	stream.linear.gather [hbm4b:s2+s3], $0x280, $0x38;
	[tilespmem:$0x1FDF0] =	vst v63  }
0x3d: {  	s26 =	sadd.s32 s8, s24  }
0x3e: {  	[tilespmem:s30], [sflag:$0xD] =	stream.linear.gather [hbm4b:s26+s3], $0x28, $0x38;
	[tilespmem:$0x1FDF0] =	vst v63  }
0x3f: {  	_ =	swait.ge [sflag:s15], $0x28  }
0x40: {  	[sflag:s15] =	ssyncset.done $0x0  }
0x41: {  	s2 =	sadd.s32 s9, s24;
	[sflag:s15] =	ssyncadd.s32 $0xFFFFFFD8  }
0x42: {  	[tilespmem:s31], [sflag:$0xD] =	stream.linear.gather [hbm4b:s2+s3], $0x28, $0x38;
	[tilespmem:$0x1FDF0] =	vst v63  }
0x43: {  	_ =	swait.ge [sflag:s15], $0x28  }
0x44: {  	[sflag:s15] =	ssyncset.done $0x0  }
0x45: {  	s13 =	simm.s32 $0x17430;
	[sflag:s15] =	ssyncadd.s32 $0xFFFFFFD8  }
0x46: {  	[tilespmem:s13], [sflag:$0x7] =	stream.indirect.gather [hbm4b:s14+s19], $0x80, s30, s19, $0xb8;
	[tilespmem:$0x1FDF0] =	vst v63  }
0x47: {  	s20 =	simm.s32 $0x18AB0  }
0x48: {  	[tilespmem:s20], [sflag:$0x8] =	stream.indirect.gather [hbm4b:s7+s19], $0x10, s30, s19, $0xb8;
	[tilespmem:$0x1FDF0] =	vst v63  }
0x49: {  	s22 =	simm.s32 $0x1A130  }
0x4a: {  	[tilespmem:s22], [sflag:$0x9] =	stream.indirect.gather [hbm4b:s5+s19], $0x80, s31, s19, $0xb8;
	[tilespmem:$0x1FDF0] =	vst v63  }
0x4b: {  	s1 =	sshll.u32 s1, $0x1;
	s23 =	simm.s32 $0x1C930  }
0x4c: {  	[tilespmem:s23], [sflag:$0xA] =	stream.indirect.gather [hbm4b:s6+s19], $0x80, s31, s19, $0xb8;
	[tilespmem:$0x1FDF0] =	vst v63  }
0x4d: {  	s1 =	sand.u32 $0x1FFFFFF0, s1;
	s24 =	simm.s32 $0x1DFB0  }
0x4e: {  	[tilespmem:s24], [sflag:$0xB] =	stream.indirect.gather [hbm4b:s7+s19], $0x10, s31, s19, $0xb8;
	[tilespmem:$0x1FDF0] =	vst v63  }
0x4f: {  	s1 =	sadd.s32 s10, s1;
	s26 =	simm.s32 $0x1E4B0;
	s13 =	simm.s32 $0x1  }
0x50: {  	[tilespmem:s26], [sflag:$0xC] =	stream.linear.gather [hbm4b:s1+s3], $0x280, $0x38;
	[tilespmem:$0x1FDF0] =	vst v63  }
0x51: {  	_ =	swait.ge [sflag:s13], $0x1400  }
0x52: {  	[sflag:s13] =	ssyncset.done $0x0  }
0x53: {  	s14 =	simm.s32 $0x2;
	[sflag:s13] =	ssyncadd.s32 $0xFFFFEC00  }
0x54: {  	_ =	swait.ge [sflag:s14], $0x280  }
0x55: {  	[sflag:s14] =	ssyncset.done $0x0  }
0x56: {  	s20 =	simm.s32 $0x3;
	[sflag:s14] =	ssyncadd.s32 $0xFFFFFD80  }
0x57: {  	_ =	swait.ge [sflag:s20], $0x1400  }
0x58: {  	[sflag:s20] =	ssyncset.done $0x0  }
0x59: {  	s22 =	simm.s32 $0x4;
	[sflag:s20] =	ssyncadd.s32 $0xFFFFEC00  }
0x5a: {  	_ =	swait.ge [sflag:s22], $0x1400  }
0x5b: {  	[sflag:s22] =	ssyncset.done $0x0  }
0x5c: {  	[sflag:s22] =	ssyncadd.s32 $0xFFFFEC00  }
0x5d: {  	_ =	swait.ge [sflag:s21], $0x280  }
0x5e: {  	[sflag:s21] =	ssyncset.done $0x0  }
0x5f: {  	[sflag:s21] =	ssyncadd.s32 $0xFFFFFD80  }
0x60: {  	_ =	swait.ge [sflag:s25], $0x280  }
0x61: {  	[sflag:s25] =	ssyncset.done $0x0  }
0x62: {  	s23 =	simm.s32 $0x18840;
	[sflag:s25] =	ssyncadd.s32 $0xFFFFFD80  }
0x63: {  	s24 =	simm.s32 $0x1DD40;
	v11 =	vld [tilespmem:s23+$0x0]  }
0x64: {  	v12 =	vld [tilespmem:s24+$0x0];
	_ =	sdelay $0x4  }
0x65: {  	v11 =	vsub.f32 v11, v12;
	_ =	sdelay $0x1  }
0x66: {  	v11 =	vmul.f32 v11, v11;
	_ =	sdelay $0x1  }
0x67: {  	v11 =	vadd.f32 v0, v11;
	_ =	sdelay $0x1  }
0x68: {  	(xrf2) =	vadd.scan.msk.f32 $0xffff, v11;
	_ =	sdelay $0x1  }
0x69: {  	v12 =	vld [tilespmem:s24+$0xFFFFFFF0]  }
0x6a: {  	v11 =	vld [tilespmem:s23+$0xFFFFFFF0];
	_ =	sdelay $0x4  }
0x6b: {  	v11 =	vsub.f32 v11, v12;
	_ =	sdelay $0x1  }
0x6c: {  	v11 =	vmul.f32 v11, v11;
	v12, _, _ =	vpop (xrf2)  }
0x6d: {  	v12 =	vperm.xlane v12, v2  }
0x6e: {  	v11 =	vadd.f32 v0, v11  }
0x6f: {  	v12 =	vmul.f32 v1, v12  }
0x70: {  	(xrf2) =	vadd.scan.msk.f32 $0xffff, v11  }
0x71: {  	(xrf2) =	vadd.scan.msk.f32 $0xffff, v12;
	_ =	sdelay $0x8  }
0x72: {  	v11, _, _ =	vpop (xrf2)  }
0x73: {  	v12, _, _ =	vpop (xrf2)  }
0x74: {  	v11 =	vperm.xlane v11, v2;
	v13 =	vshra.s32 v12, $0x1  }
0x75: {  	v13 =	vadd.s32 $0x1FBD1DF5, v13  }
0x76: {  	v11 =	vmul.f32 v1, v11;
	(erf) = vrcp.f32 v13;
	_ =	sdelay $0x1  }
0x77: {  	(xrf2) =	vadd.scan.msk.f32 $0xffff, v11;
	_ =	sdelay $0x6  }
0x78: {  	v11 =	vpop (erf)  }
0x79: {  	v11 =	vmul.f32 v11, v12;
	_ =	sdelay $0x1  }
0x7a: {  	v14, _, _ =	vpop (xrf2);
	v11 =	vadd.f32 v13, v11  }
0x7b: {  	v13 =	vshra.s32 v14, $0x1  }
0x7c: {  	v13 =	vadd.s32 $0x1FBD1DF5, v13;
	v11 =	vmul.f32 $5.000000000e-01, v11  }
0x7d: {  	(erf) = vrcp.f32 v13  }
0x7e: {  	(erf) = vrcp.f32 v11;
	_ =	sdelay $0x7  }
0x7f: {  	v15 =	vpop (erf)  }
0x80: {  	v15 =	vmul.f32 v15, v14;
	v16 =	vpop (erf)  }
0x81: {  	v16 =	vmul.f32 v16, v12  }
0x82: {  	v13 =	vadd.f32 v13, v15  }
0x83: {  	v11 =	vadd.f32 v16, v11  }
0x84: {  	v13 =	vmul.f32 $5.000000000e-01, v13  }
0x85: {  	v11 =	vmul.f32 $5.000000000e-01, v11  }
0x86: {  	(erf) = vrcp.f32 v13  }
0x87: {  	(erf) = vrcp.f32 v11;
	_ =	sdelay $0x6  }
0x88: {  	s2 =	simm.s32 $0x1DD60  }
0x89: {  	s26 =	simm.s32 $0x18860;
	v17 =	vld [tilespmem:s2+$0x0];
	v16 =	vpop (erf)  }
0x8a: {  	v15 =	vld [tilespmem:s26+$0x0];
	v18 =	vpop (erf)  }
0x8b: {  	v12 =	vmul.f32 v18, v12;
	_ =	sdelay $0x1  }
0x8c: {  	v11 =	vadd.f32 v12, v11;
	_ =	sdelay $0x1  }
0x8d: {  	s20 =	simm.s32 $0x18DB0;
	v15 =	vsub.f32 v15, v17;
	v12 =	vmul.f32 v16, v14;
	v11 =	vmul.f32 $5.000000000e-01, v11  }
0x8e: {  	s14 =	simm.s32 $0x160B0;
	v20 =	vld [tilespmem:s20+$0x60]  }
0x8f: {  	v21 =	vld [tilespmem:s14+$0x20];
	v15 =	vmul.f32 v15, v15;
	v12 =	vadd.f32 v12, v13;
	v11 =	vadd.f32 v3, v11  }
0x90: {  	v22 =	vld [tilespmem:s14+$0x30]  }
0x91: {  	v23 =	vld [tilespmem:s20+$0x20];
	v15 =	vadd.f32 v0, v15;
	v12 =	vmul.f32 $5.000000000e-01, v12;
	v19 =	vmul.f32 $-1.000000000e+01, v11  }
0x92: {  	v24 =	vld [tilespmem:s14+$0x0]  }
0x93: {  	v25 =	vld [tilespmem:s14+$0x10];
	(xrf2) =	vadd.scan.msk.f32 $0xffff, v15;
	(erf) = vrcp.f32 v12;
	v11 =	vmul.f32 v19, v11  }
0x94: {  	v17 =	vld [tilespmem:s14+$0x60]  }
0x95: {  	v15 =	vld [tilespmem:s20+$0x70];
	v11 =	vmul.f32 $1.442695020e+00, v11  }
0x96: {  	v18 =	vld [tilespmem:s14+$0x70]  }
0x97: {  	v16 =	vld [tilespmem:s26+$0xFFFFFFF0];
	(erf) = vpow2.f32 v11  }
0x98: {  	v13 =	vld [tilespmem:s2+$0xFFFFFFF0]  }
0x99: {  	v11 =	vld [tilespmem:s20+$0x30]  }
0x9a: {  	v28 =	vld [tilespmem:s20+$0x10]  }
0x9b: {  	v26 =	vld [tilespmem:s20+$0x0]  }
0x9c: {  	v17 =	vmul.f32 v20, v17;
	v20 =	vld [tilespmem:s14+$0x50];
	v15 =	vmul.f32 v15, v18;
	v27 =	vpop (erf)  }
0x9d: {  	v21 =	vmul.f32 v23, v21;
	v18 =	vld [tilespmem:s20+$0x40];
	v13 =	vsub.f32 v16, v13;
	v14 =	vmul.f32 v27, v14;
	v27, _, _ =	vpop (xrf2)  }
0x9e: {  	v15 =	vadd.f32 v15, v17;
	v19 =	vld [tilespmem:s14+$0x40];
	v16 =	vperm.xlane v27, v2;
	v11 =	vmul.f32 v11, v22  }
0x9f: {  	v23 =	vmul.f32 v28, v25;
	v13 =	vmul.f32 v13, v13;
	v22 =	vld [tilespmem:s20+$0x50]  }
0xa0: {  	v15 =	vmul.f32 $1.767766920e-01, v15;
	v16 =	vmul.f32 v1, v16;
	v11 =	vadd.f32 v11, v21;
	v17 =	vpop (erf)  }
0xa1: {  	v13 =	vadd.f32 v0, v13;
	v21 =	vmul.f32 v26, v24;
	v24 =	vmul.f32 v17, v10  }
0xa2: {  	v12 =	vadd.f32 v14, v12;
	v11 =	vmul.f32 $1.767766920e-01, v11;
	v25 =	vmul.f32 v17, v8  }
0xa3: {  	v18 =	vmul.f32 v18, v19;
	(xrf2) =	vadd.scan.msk.f32 $0xffff, v13;
	v21 =	vadd.f32 v23, v21;
	v13 =	vadd.f32 v24, v15  }
0xa4: {  	v12 =	vmul.f32 $5.000000000e-01, v12;
	(xrf2) =	vadd.scan.msk.f32 $0xffff, v16;
	v19 =	vmul.f32 v22, v20;
	v11 =	vadd.f32 v25, v11  }
0xa5: {  	v20 =	vmul.f32 v17, v7;
	v15 =	vmul.f32 $1.767766920e-01, v21;
	(xrf2) =	vadd.scan.msk.f32 $0xffff, v13  }
0xa6: {  	v14 =	vadd.f32 v19, v18;
	(xrf2) =	vadd.scan.msk.f32 $0xffff, v11  }
0xa7: {  	v12 =	vadd.f32 v3, v12;
	v13 =	vadd.f32 v20, v15  }
0xa8: {  	v11 =	vmul.f32 $1.767766920e-01, v14  }
0xa9: {  	v14 =	vmul.f32 v17, v9;
	(xrf2) =	vadd.scan.msk.f32 $0xffff, v13;
	v13 =	vmul.f32 $-1.000000000e+01, v12;
	_ =	sdelay $0x1  }
0xaa: {  	v11 =	vadd.f32 v14, v11;
	_ =	sdelay $0x1  }
0xab: {  	(xrf2) =	vadd.scan.msk.f32 $0xffff, v11;
	v11 =	vmul.f32 v13, v12;
	v13, _, _ =	vpop (xrf2)  }
0xac: {  	v12, _, _ =	vpop (xrf2)  }
0xad: {  	v16, _, _ =	vpop (xrf2)  }
0xae: {  	v30 =	vld [tilespmem:s20+$0xFFFFFFF0];
	v18, _, _ =	vpop (xrf2)  }
0xaf: {  	v27 =	vld [tilespmem:s14+$0xFFFFFFF0];
	v18 =	vperm.xlane v18, v2  }
0xb0: {  	v26 =	vld [tilespmem:s14+$0xFFFFFFE0];
	v16 =	vperm.xlane v16, v2  }
0xb1: {  	v23 =	vld [tilespmem:s14+$0xFFFFFFC0];
	v18 =	vmul.f32 v1, v18  }
0xb2: {  	v22 =	vld [tilespmem:s20+$0xFFFFFFA0];
	v16 =	vmul.f32 v1, v16  }
0xb3: {  	v21 =	vld [tilespmem:s14+$0xFFFFFFB0];
	v19, _, _ =	vpop (xrf2)  }
0xb4: {  	v24 =	vld [tilespmem:s20+$0xFFFFFFC0];
	v19 =	vperm.xlane v19, v2;
	(xrf2) =	vadd.scan.msk.f32 $0xffff, v16  }
0xb5: {  	v15 =	vld [tilespmem:s20+$0xFFFFFF80];
	v11 =	vmul.f32 $1.442695020e+00, v11;
	(xrf2) =	vadd.scan.msk.f32 $0xffff, v18;
	v18, _, _ =	vpop (xrf2)  }
0xb6: {  	v17 =	vld [tilespmem:s20+$0xFFFFFF90];
	v16 =	vmul.f32 v1, v19;
	v18 =	vperm.xlane v18, v2  }
0xb7: {  	v14 =	vld [tilespmem:s14+$0xFFFFFF90]  }
0xb8: {  	(erf) = vpow2.f32 v11;
	v11 =	vld [tilespmem:s14+$0xFFFFFF80];
	(xrf2) =	vadd.scan.msk.f32 $0xffff, v16;
	v18 =	vmul.f32 v1, v18  }
0xb9: {  	v25 =	vld [tilespmem:s20+$0xFFFFFFD0]  }
0xba: {  	v20 =	vld [tilespmem:s14+$0xFFFFFFA0];
	(xrf2) =	vadd.scan.msk.f32 $0xffff, v18  }
0xbb: {  	v19 =	vld [tilespmem:s20+$0xFFFFFFB0]  }
0xbc: {  	v13 =	vperm.xlane v13, v2;
	v16 =	vld [tilespmem:s14+$0xFFFFFFD0]  }
0xbd: {  	v14 =	vmul.f32 v17, v14;
	v17 =	vld [tilespmem:s20+$0xFFFFFFE0];
	v29 =	vshra.s32 v12, $0x1;
	v11 =	vmul.f32 v15, v11  }
0xbe: {  	v13 =	vmul.f32 v1, v13;
	v29 =	vadd.s32 $0x1FBD1DF5, v29  }
0xbf: {  	s22 =	simm.s32 $0x1E240;
	(erf) = vrcp.f32 v29;
	v11 =	vadd.f32 v14, v11;
	v14 =	vmul.f32 v22, v20  }
0xc0: {  	v19 =	vmul.f32 v19, v21;
	v21 =	vmul.f32 v24, v23;
	(xrf2) =	vadd.scan.msk.f32 $0xffff, v13;
	v13 =	vld [tilespmem:s22+$0x0];
	v32, _, _ =	vpop (xrf2)  }
0xc1: {  	v16 =	vmul.f32 v25, v16;
	v20, _, _ =	vpop (xrf2)  }
0xc2: {  	v17 =	vmul.f32 v17, v26;
	v14 =	vadd.f32 v19, v14;
	v19 =	vmul.f32 v30, v27;
	v22, _, _ =	vpop (xrf2)  }
0xc3: {  	v11 =	vmul.f32 $1.767766920e-01, v11;
	v16 =	vadd.f32 v16, v21;
	v18 =	vpop (erf);
	v22 =	vmul.f32 v1, v22  }
0xc4: {  	v14 =	vmul.f32 $1.767766920e-01, v14;
	v17 =	vadd.f32 v19, v17;
	v28 =	vmul.f32 v18, v7;
	v21, _, _ =	vpop (xrf2)  }
0xc5: {  	v20 =	vmul.f32 v4, v20;
	v13 =	vadd.f32 v22, v13;
	v19 =	vmul.f32 v5, v21  }
0xc6: {  	v15 =	vmul.f32 v18, v8;
	v16 =	vmul.f32 $1.767766920e-01, v16;
	v11 =	vadd.f32 v28, v11  }
0xc7: {  	v31 =	vmul.f32 v18, v9;
	v13 =	vadd.f32 v20, v13  }
0xc8: {  	v18 =	vmul.f32 v18, v10;
	v17 =	vmul.f32 $1.767766920e-01, v17;
	v14 =	vadd.f32 v15, v14;
	(xrf2) =	vadd.scan.msk.f32 $0xffff, v11  }
0xc9: {  	v15 =	vadd.f32 v31, v16;
	v11 =	vadd.f32 v19, v13;
	v13 =	vmul.f32 v6, v32;
	v19 =	vpop (erf)  }
0xca: {  	(xrf2) =	vadd.scan.msk.f32 $0xffff, v14;
	v16, _, _ =	vpop (xrf2);
	v14 =	vmul.f32 v19, v12  }
0xcb: {  	v17 =	vadd.f32 v18, v17;
	(xrf2) =	vadd.scan.msk.f32 $0xffff, v15;
	v15 =	vshra.s32 v16, $0x1;
	v11 =	vadd.f32 v13, v11  }
0xcc: {  	v13 =	vadd.s32 $0x1FBD1DF5, v15;
	v14 =	vadd.f32 v29, v14  }
0xcd: {  	(xrf2) =	vadd.scan.msk.f32 $0xffff, v17;
	(erf) = vrcp.f32 v13;
	v11 =	vmul.f32 $1.442695020e+00, v11  }
0xce: {  	v14 =	vmul.f32 $5.000000000e-01, v14  }
0xcf: {  	(erf) = vpow2.f32 v11  }
0xd0: {  	(erf) = vrcp.f32 v14;
	_ =	sdelay $0x1  }
0xd1: {  	v11, _, _ =	vpop (xrf2)  }
0xd2: {  	v11 =	vperm.xlane v11, v2  }
0xd3: {  	v15, _, _ =	vpop (xrf2)  }
0xd4: {  	v17, _, _ =	vpop (xrf2);
	v19 =	vmul.f32 v1, v11  }
0xd5: {  	v15 =	vperm.xlane v15, v2;
	v18 =	vpop (erf)  }
0xd6: {  	v20, _, _ =	vpop (xrf2);
	v17 =	vperm.xlane v17, v2;
	v18 =	vmul.f32 v18, v16  }
0xd7: {  	v15 =	vmul.f32 v1, v15;
	(xrf2) =	vadd.scan.msk.f32 $0xffff, v19;
	v11 =	vpop (erf)  }
0xd8: {  	v17 =	vmul.f32 v1, v17;
	v13 =	vadd.f32 v13, v18;
	v18 =	vmul.f32 v6, v11;
	v19 =	vpop (erf)  }
0xd9: {  	(xrf2) =	vadd.scan.msk.f32 $0xffff, v15;
	v15 =	vperm.xlane v20, v2;
	v19 =	vmul.f32 v19, v12  }
0xda: {  	v13 =	vmul.f32 $5.000000000e-01, v13;
	(xrf2) =	vadd.scan.msk.f32 $0xffff, v18  }
0xdb: {  	v15 =	vmul.f32 v1, v15;
	(xrf2) =	vadd.scan.msk.f32 $0xffff, v17;
	v14 =	vadd.f32 v19, v14  }
0xdc: {  	(erf) = vrcp.f32 v13  }
0xdd: {  	(xrf2) =	vadd.scan.msk.f32 $0xffff, v15;
	v15 =	vmul.f32 v5, v11;
	v14 =	vmul.f32 $5.000000000e-01, v14;
	_ =	sdelay $0x1  }
0xde: {  	v17 =	vld [tilespmem:s22+$0xFFFFFFF0];
	(erf) = vrcp.f32 v14;
	_ =	sdelay $0x1  }
0xdf: {  	(xrf2) =	vadd.scan.msk.f32 $0xffff, v15;
	v15, _, _ =	vpop (xrf2)  }
0xe0: {  	v15 =	vmul.f32 v1, v15  }
0xe1: {  	v18, _, _ =	vpop (xrf2)  }
0xe2: {  	v15 =	vadd.f32 v15, v17;
	v17 =	vmul.f32 v4, v18;
	v19, _, _ =	vpop (xrf2)  }
0xe3: {  	v20, _, _ =	vpop (xrf2)  }
0xe4: {  	s23 =	simm.s32 $0x18880;
	v18 =	vpop (erf);
	v15 =	vadd.f32 v17, v15;
	v17 =	vmul.f32 v5, v20  }
0xe5: {  	v21 =	vld [tilespmem:s23+$0x0];
	s22 =	simm.s32 $0x1DD80;
	v20, _, _ =	vpop (xrf2)  }
0xe6: {  	v22 =	vld [tilespmem:s22+$0x0];
	v18 =	vmul.f32 v18, v16;
	v15 =	vadd.f32 v17, v15;
	v17 =	vmul.f32 v6, v20;
	v23 =	vpop (erf)  }
0xe7: {  	v19 =	vperm.xlane v19, v2;
	v12 =	vmul.f32 v23, v12  }
0xe8: {  	v13 =	vadd.f32 v18, v13  }
0xe9: {  	v18 =	vmul.f32 v1, v19;
	v12 =	vadd.f32 v12, v14  }
0xea: {  	s1 =	simm.s32 $0x161B0;
	v20 =	vmul.f32 v4, v11;
	v19 =	vmul.f32 $5.000000000e-01, v13;
	v15 =	vadd.f32 v17, v15;
	v17, _, _ =	vpop (xrf2)  }
0xeb: {  	v47 =	vld [tilespmem:s1+$0x10];
	s2 =	simm.s32 $0x18EB0;
	v13 =	vperm.xlane v17, v2;
	v14 =	vsub.f32 v21, v22;
	v12 =	vmul.f32 $5.000000000e-01, v12  }
0xec: {  	v24 =	vld [tilespmem:s2+$0x70];
	(xrf2) =	vadd.scan.msk.f32 $0xffff, v20  }
0xed: {  	v27 =	vld [tilespmem:s1+$0x30];
	v13 =	vmul.f32 v1, v13;
	v14 =	vmul.f32 v14, v14;
	v12 =	vadd.f32 v3, v12  }
0xee: {  	v29 =	vld [tilespmem:s2+$0x30];
	v20 =	vmul.f32 v1, v11;
	(xrf2) =	vadd.scan.msk.f32 $0xffff, v18;
	(erf) = vrcp.f32 v19  }
0xef: {  	v18 =	vld [tilespmem:s22+$0xFFFFFFF0];
	(xrf2) =	vadd.scan.msk.f32 $0xffff, v13;
	v13 =	vadd.f32 v0, v14;
	v14 =	vmul.f32 $-1.000000000e+01, v12  }
0xf0: {  	v23 =	vld [tilespmem:s2+$0x60];
	(xrf2) =	vadd.scan.msk.f32 $0xffff, v20  }
0xf1: {  	v15 =	vmul.f32 $1.442695020e+00, v15;
	v22 =	vld [tilespmem:s1+$0x70];
	(xrf2) =	vadd.scan.msk.f32 $0xffff, v13;
	v12 =	vmul.f32 v14, v12  }
0xf2: {  	v21 =	vld [tilespmem:s1+$0x60]  }
0xf3: {  	v17 =	vld [tilespmem:s23+$0xFFFFFFF0];
	(erf) = vpow2.f32 v15;
	v12 =	vmul.f32 $1.442695020e+00, v12  }
0xf4: {  	v26 =	vld [tilespmem:s1+$0x20]  }
0xf5: {  	v27 =	vmul.f32 v29, v27;
	v29 =	vld [tilespmem:s2+$0x50];
	(erf) = vpow2.f32 v12  }
0xf6: {  	v22 =	vmul.f32 v24, v22;
	v24 =	vld [tilespmem:s1+$0x50];
	v15, _, _ =	vpop (xrf2)  }
0xf7: {  	v28 =	vld [tilespmem:s2+$0x20];
	v21 =	vmul.f32 v23, v21;
	v30 =	vpop (erf)  }
0xf8: {  	v33 =	vld [tilespmem:s2+$0x0];
	v17 =	vsub.f32 v17, v18;
	v13, _, _ =	vpop (xrf2)  }
0xf9: {  	v31 =	vld [tilespmem:s1+$0x0];
	v21 =	vadd.f32 v22, v21;
	v14, _, _ =	vpop (xrf2)  }
0xfa: {  	v35 =	vld [tilespmem:s2+$0x10];
	v17 =	vmul.f32 v17, v17;
	v12, _, _ =	vpop (xrf2)  }
0xfb: {  	v25 =	vld [tilespmem:s1+$0x40];
	v21 =	vmul.f32 $1.767766920e-01, v21;
	v24 =	vmul.f32 v29, v24;
	v23, _, _ =	vpop (xrf2)  }
0xfc: {  	v20 =	vpop (erf);
	v18 =	vperm.xlane v23, v2;
	v23 =	vmul.f32 v28, v26;
	v26 =	vld [tilespmem:s2+$0x40]  }
0xfd: {  	v17 =	vadd.f32 v0, v17;
	v34 =	vmul.f32 v5, v20;
	v28 =	vmul.f32 v6, v20  }
0xfe: {  	v18 =	vmul.f32 v1, v18;
	v23 =	vadd.f32 v27, v23;
	v27 =	vmul.f32 v33, v31;
	v22 =	vpop (erf)  }
0xff: {  	(xrf2) =	vadd.scan.msk.f32 $0xffff, v34;
	v31 =	vmul.f32 v35, v47;
	v48 =	vmul.f32 v22, v10  }
0x100: {  	(xrf2) =	vadd.scan.msk.f32 $0xffff, v17;
	v23 =	vmul.f32 $1.767766920e-01, v23;
	v49 =	vmul.f32 v22, v8  }
0x101: {  	(xrf2) =	vadd.scan.msk.f32 $0xffff, v28;
	v27 =	vadd.f32 v31, v27;
	v17 =	vmul.f32 v26, v25;
	v21 =	vadd.f32 v48, v21  }
0x102: {  	v16 =	vmul.f32 v30, v16;
	(xrf2) =	vadd.scan.msk.f32 $0xffff, v18;
	v18 =	vadd.f32 v49, v23  }
0x103: {  	v26 =	vmul.f32 v22, v7;
	v25 =	vmul.f32 $1.767766920e-01, v27;
	v17 =	vadd.f32 v24, v17;
	(xrf2) =	vadd.scan.msk.f32 $0xffff, v21  }
0x104: {  	(xrf2) =	vadd.scan.msk.f32 $0xffff, v18  }
0x105: {  	v16 =	vadd.f32 v16, v19;
	v21 =	vadd.f32 v26, v25;
	v17 =	vmul.f32 $1.767766920e-01, v17  }
0x106: {  	v18 =	vmul.f32 v22, v9  }
0x107: {  	v16 =	vmul.f32 $5.000000000e-01, v16;
	(xrf2) =	vadd.scan.msk.f32 $0xffff, v21  }
0x108: {  	v18 =	vadd.f32 v18, v17  }
0x109: {  	v17, _, _ =	vpop (xrf2)  }
0x10a: {  	v21, _, _ =	vpop (xrf2)  }
0x10b: {  	v19 =	vadd.f32 v3, v16;
	(xrf2) =	vadd.scan.msk.f32 $0xffff, v18;
	v16, _, _ =	vpop (xrf2)  }
0x10c: {  	v18, _, _ =	vpop (xrf2)  }
0x10d: {  	v22 =	vmul.f32 $-1.000000000e+01, v19;
	v23, _, _ =	vpop (xrf2)  }
0x10e: {  	v25, _, _ =	vpop (xrf2)  }
0x10f: {  	v30 =	vld [tilespmem:s2+$0xFFFFFFB0];
	v19 =	vmul.f32 v22, v19;
	v25 =	vperm.xlane v25, v2  }
0x110: {  	v29 =	vld [tilespmem:s1+$0xFFFFFFA0];
	v23 =	vperm.xlane v23, v2  }
0x111: {  	v28 =	vld [tilespmem:s1+$0xFFFFFF80];
	v19 =	vmul.f32 $1.442695020e+00, v19;
	v27, _, _ =	vpop (xrf2);
	v25 =	vmul.f32 v1, v25  }
0x112: {  	v24 =	vld [tilespmem:s2+$0xFFFFFF80];
	v23 =	vmul.f32 v1, v23;
	v27 =	vperm.xlane v27, v2  }
0x113: {  	v26 =	vld [tilespmem:s2+$0xFFFFFF90]  }
0x114: {  	v22 =	vld [tilespmem:s1+$0xFFFFFF90];
	(erf) = vpow2.f32 v19;
	(xrf2) =	vadd.scan.msk.f32 $0xffff, v23;
	v23 =	vmul.f32 v1, v27  }
0x115: {  	v19 =	vld [tilespmem:s1+$0xFFFFFFB0];
	(xrf2) =	vadd.scan.msk.f32 $0xffff, v25;
	v25, _, _ =	vpop (xrf2)  }
0x116: {  	v27 =	vld [tilespmem:s2+$0xFFFFFFA0];
	(xrf2) =	vadd.scan.msk.f32 $0xffff, v23;
	v25 =	vperm.xlane v25, v2  }
0x117: {  	v50 =	vld [tilespmem:s2+$0xFFFFFFC0]  }
0x118: {  	v51 =	vld [tilespmem:s2+$0xFFFFFFD0];
	v25 =	vmul.f32 v1, v25  }
0x119: {  	v52 =	vld [tilespmem:s2+$0xFFFFFFE0];
	v24 =	vmul.f32 v24, v28  }
0x11a: {  	v31 =	vld [tilespmem:s1+$0xFFFFFFD0];
	v21 =	vperm.xlane v21, v2;
	v22 =	vmul.f32 v26, v22;
	(xrf2) =	vadd.scan.msk.f32 $0xffff, v25  }
0x11b: {  	v26 =	vld [tilespmem:s1+$0xFFFFFFF0];
	v19 =	vmul.f32 v30, v19;
	v27 =	vmul.f32 v27, v29  }
0x11c: {  	v21 =	vmul.f32 v1, v21;
	v22 =	vadd.f32 v22, v24;
	v23 =	vld [tilespmem:s1+$0xFFFFFFC0]  }
0x11d: {  	s14 =	simm.s32 $0x1E260;
	v28 =	vpop (erf);
	v29 =	vld [tilespmem:s2+$0xFFFFFFF0];
	v19 =	vadd.f32 v19, v27  }
0x11e: {  	v22 =	vmul.f32 $1.767766920e-01, v22;
	v53 =	vmul.f32 v28, v7;
	(xrf2) =	vadd.scan.msk.f32 $0xffff, v21;
	v21 =	vld [tilespmem:s14+$0x0];
	v24, _, _ =	vpop (xrf2)  }
0x11f: {  	v27 =	vmul.f32 v28, v8;
	v25 =	vld [tilespmem:s1+$0xFFFFFFE0];
	v19 =	vmul.f32 $1.767766920e-01, v19;
	v30, _, _ =	vpop (xrf2)  }
0x120: {  	v22 =	vadd.f32 v53, v22;
	v54, _, _ =	vpop (xrf2)  }
0x121: {  	v19 =	vadd.f32 v27, v19;
	v32 =	vmul.f32 v1, v54  }
0x122: {  	v31 =	vmul.f32 v51, v31;
	v23 =	vmul.f32 v50, v23;
	(xrf2) =	vadd.scan.msk.f32 $0xffff, v22  }
0x123: {  	v30 =	vmul.f32 v4, v30;
	(xrf2) =	vadd.scan.msk.f32 $0xffff, v19;
	v19 =	vshra.s32 v18, $0x1;
	v21 =	vadd.f32 v32, v21  }
0x124: {  	v26 =	vmul.f32 v29, v26;
	v25 =	vmul.f32 v52, v25;
	v19 =	vadd.s32 $0x1FBD1DF5, v19;
	v29, _, _ =	vpop (xrf2)  }
0x125: {  	(erf) = vrcp.f32 v19;
	v21 =	vadd.f32 v30, v21;
	v27 =	vmul.f32 v5, v29  }
0x126: {  	v55 =	vmul.f32 v28, v9;
	v25 =	vadd.f32 v26, v25  }
0x127: {  	v23 =	vadd.f32 v31, v23;
	v24 =	vmul.f32 v6, v24;
	v21 =	vadd.f32 v27, v21  }
0x128: {  	v28 =	vmul.f32 v28, v10;
	v25 =	vmul.f32 $1.767766920e-01, v25;
	v22, _, _ =	vpop (xrf2)  }
0x129: {  	v23 =	vmul.f32 $1.767766920e-01, v23;
	v26 =	vshra.s32 v22, $0x1;
	v21 =	vadd.f32 v24, v21  }
0x12a: {  	v25 =	vadd.f32 v28, v25;
	v24 =	vadd.s32 $0x1FBD1DF5, v26  }
0x12b: {  	v23 =	vadd.f32 v55, v23;
	(erf) = vrcp.f32 v24;
	v21 =	vmul.f32 $1.442695020e+00, v21;
	_ =	sdelay $0x1  }
0x12c: {  	(xrf2) =	vadd.scan.msk.f32 $0xffff, v23;
	(erf) = vpow2.f32 v21  }
0x12d: {  	(xrf2) =	vadd.scan.msk.f32 $0xffff, v25;
	v25 =	vpop (erf)  }
0x12e: {  	v25 =	vmul.f32 v25, v18  }
0x12f: {  	v21, _, _ =	vpop (xrf2)  }
0x130: {  	v25 =	vadd.f32 v19, v25;
	v21 =	vperm.xlane v21, v2;
	v23, _, _ =	vpop (xrf2)  }
0x131: {  	v23 =	vperm.xlane v23, v2  }
0x132: {  	v25 =	vmul.f32 $5.000000000e-01, v25;
	v21 =	vmul.f32 v1, v21  }
0x133: {  	v30 =	vmul.f32 v4, v20;
	v23 =	vmul.f32 v1, v23;
	v28 =	vpop (erf)  }
0x134: {  	s24 =	simm.s32 $0x1B5B0;
	(erf) = vrcp.f32 v25;
	(xrf2) =	vadd.scan.msk.f32 $0xffff, v21;
	v28 =	vmul.f32 v28, v22  }
0x135: {  	v57 =	vld [tilespmem:s24+$0x60];
	v27 =	vperm.xlane v15, v2;
	(xrf2) =	vadd.scan.msk.f32 $0xffff, v23;
	v19 =	vpop (erf)  }
0x136: {  	v17 =	vperm.xlane v17, v2;
	v29 =	vld [tilespmem:s24+$0x20];
	v21, _, _ =	vpop (xrf2);
	(xrf2) =	vadd.scan.msk.f32 $0xffff, v30;
	v24 =	vadd.f32 v24, v28;
	v28 =	vmul.f32 v6, v19  }
0x137: {  	v26 =	vld [tilespmem:s24+$0x70];
	v27 =	vmul.f32 v1, v27;
	v21 =	vperm.xlane v21, v2;
	v56, _, _ =	vpop (xrf2)  }
0x138: {  	v31 =	vld [tilespmem:s24+$0x30];
	v32 =	vperm.xlane v56, v2;
	v24 =	vmul.f32 $5.000000000e-01, v24;
	(xrf2) =	vadd.scan.msk.f32 $0xffff, v28  }
0x139: {  	v16 =	vperm.xlane v16, v2;
	v15 =	vadd.f32 v15, v27;
	v27 =	vld [tilespmem:s24+$0x0];
	v21 =	vmul.f32 v1, v21  }
0x13a: {  	v23 =	vld [tilespmem:s24+$0x40];
	v28 =	vmul.f32 v1, v32;
	(erf) = vrcp.f32 v24  }
0x13b: {  	v60 =	vmul.f32 v1, v17;
	v61 =	vmul.f32 v1, v16;
	v30 =	vld [tilespmem:s24+$0x50]  }
0x13c: {  	v29 =	vmul.f32 v15, v29;
	v26 =	vmul.f32 v13, v26;
	(xrf2) =	vadd.scan.msk.f32 $0xffff, v21  }
0x13d: {  	s26 =	simm.s32 $0x1E7C0;
	v31 =	vmul.f32 v15, v31;
	v13 =	vmul.f32 v13, v57;
	v17 =	vpop (erf);
	v21 =	vld [tilespmem:s24+$0x10]  }
0x13e: {  	v58 =	vmul.f32 v5, v19;
	[tilespmem:s26+$0x70] =	vst v26;
	v17 =	vmul.f32 v17, v18;
	(xrf2) =	vadd.scan.msk.f32 $0xffff, v28;
	v28, _, _ =	vpop (xrf2)  }
0x13f: {  	v62 =	vmul.f32 v4, v19;
	v23 =	vmul.f32 v14, v23;
	[tilespmem:s26+$0x80] =	vst v11;
	v59, _, _ =	vpop (xrf2)  }
0x140: {  	v14 =	vmul.f32 v14, v30;
	v30 =	vld [tilespmem:s14+$0xFFFFFFF0];
	v26 =	vmul.f32 v12, v27;
	[tilespmem:s26+$0x20] =	vst v29;
	v25 =	vadd.f32 v17, v25;
	v27, _, _ =	vpop (xrf2)  }
0x141: {  	[tilespmem:s26+$0x30] =	vst v31;
	v16 =	vmul.f32 v1, v28;
	(xrf2) =	vadd.scan.msk.f32 $0xffff, v58;
	v29 =	vperm.xlane v27, v2  }
0x142: {  	[tilespmem:s26+$0x0] =	vst v26;
	v28 =	vld [tilespmem:s24+$0xFFFFFFA0];
	v26 =	vmul.f32 $5.000000000e-01, v25;
	v21 =	vmul.f32 v12, v21;
	v31, _, _ =	vpop (xrf2)  }
0x143: {  	[tilespmem:s26+$0x60] =	vst v13;
	v36 =	vpop (erf);
	v29 =	vmul.f32 v1, v29;
	v31 =	vperm.xlane v31, v2  }
0x144: {  	v11 =	vld [tilespmem:s24+$0xFFFFFF80];
	[tilespmem:s26+$0x40] =	vst v23;
	v33 =	vmul.f32 v4, v59;
	(xrf2) =	vadd.scan.msk.f32 $0xffff, v62;
	v36 =	vmul.f32 v36, v22  }
0x145: {  	v13 =	vld [tilespmem:s24+$0xFFFFFFF0];
	v30 =	vadd.f32 v16, v30;
	[tilespmem:s26+$0x10] =	vst v21;
	v29 =	vadd.f32 v27, v29;
	v21 =	vmul.f32 v1, v31  }
0x146: {  	v23 =	vld [tilespmem:s24+$0xFFFFFFB0];
	[tilespmem:s26+$0x50] =	vst v14;
	(erf) = vrcp.f32 v26;
	v14, _, _ =	vpop (xrf2);
	v24 =	vadd.f32 v36, v24  }
0x147: {  	v17 =	vld [tilespmem:s24+$0xFFFFFFD0];
	v30 =	vadd.f32 v33, v30;
	v63 =	vmul.f32 v5, v14;
	v28 =	vmul.f32 v29, v28;
	(xrf2) =	vadd.scan.msk.f32 $0xffff, v21  }
0x148: {  	v12 =	vld [tilespmem:s24+$0xFFFFFF90];
	v25, _, _ =	vpop (xrf2);
	v27 =	vmul.f32 $5.000000000e-01, v24  }
0x149: {  	v16 =	vld [tilespmem:s24+$0xFFFFFFC0];
	v25 =	vmul.f32 v6, v25;
	v30 =	vadd.f32 v63, v30  }
0x14a: {  	v14 =	vld [tilespmem:s24+$0xFFFFFFE0];
	[tilespmem:s26+$0xFFFFFFF0] =	vst v20;
	s24 =	simm.s32 $0x1B6B0;
	(xrf2) =	vadd.scan.msk.f32 $0xffff, v60;
	(erf) = vrcp.f32 v27  }
0x14b: {  	v15 =	vmul.f32 v1, v20;
	v23 =	vmul.f32 v29, v23;
	v20 =	vld [tilespmem:s24+$0x0];
	[tilespmem:s26+$0xFFFFFF90] =	vst v28;
	v24 =	vadd.f32 v25, v30;
	v28, _, _ =	vpop (xrf2)  }
0x14c: {  	v21 =	vld [tilespmem:s24+$0x10];
	v28 =	vperm.xlane v28, v2  }
0x14d: {  	s13 =	simm.s32 $0x1E7C0;
	s20 =	simm.s32 $0x188A0;
	s23 =	simm.s32 $0x4;
	[tilespmem:s26+$0xFFFFFFA0] =	vst v23;
	v23 =	vld [tilespmem:s24+$0x70];
	v25 =	vmul.f32 v1, v19;
	(xrf2) =	vadd.scan.msk.f32 $0xffff, v61;
	v29 =	vmul.f32 $1.442695020e+00, v24  }
.LBB2_3:
0x14e: {  	v24 =	vld [tilespmem:s20+$0x0];
	s22 =	sadd.s32 $0x20, s22;
	v28 =	vmul.f32 v1, v28;
	v30, _, _ =	vpop (xrf2)  }
0x14f: {  	v31 =	vld [tilespmem:s22+$0x0];
	v32 =	vpop (erf);
	v34 =	vperm.xlane v30, v2;
	(erf) = vpow2.f32 v29  }
0x150: {  	v18 =	vmul.f32 v32, v18;
	v29 =	vld [tilespmem:s24+$0x20];
	(xrf2) =	vadd.scan.msk.f32 $0xffff, v28  }
0x151: {  	v28 =	vld [tilespmem:s24+$0x30];
	v32 =	vmul.f32 v1, v34;
	v33, _, _ =	vpop (xrf2)  }
0x152: {  	v18 =	vadd.f32 v18, v26;
	v26 =	vld [tilespmem:s24+$0x40];
	v36 =	vmul.f32 v33, v23  }
0x153: {  	s26 =	sadd.s32 $0x120, s26;
	v34 =	vpop (erf);
	v35 =	vld [tilespmem:s24+$0x50];
	v30 =	vadd.f32 v30, v32;
	(xrf2) =	vadd.scan.msk.f32 $0xffff, v15  }
0x154: {  	v15 =	vsub.f32 v24, v31;
	v22 =	vmul.f32 v34, v22;
	v18 =	vmul.f32 $5.000000000e-01, v18;
	v24 =	vld [tilespmem:s24+$0x60];
	[tilespmem:s26+$0x70] =	vst v36;
	v23, _, _ =	vpop (xrf2)  }
0x155: {  	v31 =	vld [tilespmem:s20+$0xFFFFFFF0];
	[tilespmem:s26+$0x80] =	vst v19;
	v32 =	vmul.f32 v23, v16;
	v17 =	vmul.f32 v23, v17  }
0x156: {  	v23 =	vld [tilespmem:s22+$0xFFFFFFF0];
	v15 =	vmul.f32 v15, v15;
	v19 =	vadd.f32 v22, v27;
	v18 =	vadd.f32 v3, v18;
	(xrf2) =	vadd.scan.msk.f32 $0xffff, v25  }
0x157: {  	v27 =	vmul.f32 v30, v29;
	v28 =	vmul.f32 v30, v28;
	v25 =	vld [tilespmem:s24+$0xFFFFFF80];
	[tilespmem:s13+$0xFFFFFFB0] =	vst v32;
	v16, _, _ =	vpop (xrf2)  }
0x158: {  	s1 =	sadd.s32 $0x100, s1;
	v15 =	vadd.f32 v0, v15;
	v19 =	vmul.f32 $5.000000000e-01, v19;
	v37 =	vmul.f32 $-1.000000000e+01, v18;
	v30 =	vld [tilespmem:s24+$0xFFFFFF90];
	v22 =	vpop (erf);
	[tilespmem:s13+$0xFFFFFFC0] =	vst v17  }
0x159: {  	v17 =	vld [tilespmem:s1+$0x60];
	v32 =	vmul.f32 v5, v22;
	v34 =	vmul.f32 v6, v22;
	[tilespmem:s26+$0x20] =	vst v27  }
0x15a: {  	s2 =	sadd.s32 $0x100, s2;
	(xrf2) =	vadd.scan.msk.f32 $0xffff, v15;
	v27 =	vadd.f32 v3, v19;
	v36 =	vld [tilespmem:s1+$0x70];
	v18 =	vmul.f32 v37, v18;
	v19 =	vmul.f32 v4, v22;
	v29, _, _ =	vpop (xrf2)  }
0x15b: {  	v39 =	vmul.f32 v16, v14;
	v15 =	vmul.f32 v1, v22;
	v23 =	vsub.f32 v31, v23;
	v31 =	vld [tilespmem:s2+$0x60];
	[tilespmem:s26+$0x30] =	vst v28  }
0x15c: {  	v28 =	vmul.f32 $-1.000000000e+01, v27;
	v37 =	vld [tilespmem:s2+$0x70];
	v18 =	vmul.f32 $1.442695020e+00, v18  }
0x15d: {  	v13 =	vmul.f32 v16, v13;
	v23 =	vmul.f32 v23, v23;
	v38 =	vld [tilespmem:s1+$0x40];
	[tilespmem:s13+$0xFFFFFFD0] =	vst v39;
	v14, _, _ =	vpop (xrf2)  }
0x15e: {  	v16 =	vmul.f32 v28, v27;
	v27 =	vld [tilespmem:s1+$0x20];
	(erf) = vpow2.f32 v18;
	(xrf2) =	vadd.scan.msk.f32 $0xffff, v32  }
0x15f: {  	v26 =	vmul.f32 v29, v26;
	v28 =	vmul.f32 v29, v35;
	v18 =	vadd.f32 v0, v23;
	v23 =	vld [tilespmem:s1+$0x30];
	[tilespmem:s13+$0xFFFFFFE0] =	vst v13  }
0x160: {  	v24 =	vmul.f32 v33, v24;
	v13 =	vmul.f32 $1.442695020e+00, v16;
	v16 =	vld [tilespmem:s2+$0x20];
	v29, _, _ =	vpop (xrf2)  }
0x161: {  	(xrf2) =	vadd.scan.msk.f32 $0xffff, v18;
	v18 =	vld [tilespmem:s2+$0x30];
	[tilespmem:s26+$0x40] =	vst v26;
	v26 =	vmul.f32 v14, v11;
	v14 =	vmul.f32 v14, v12;
	v11 =	vmovc v25  }
0x162: {  	v20 =	vmul.f32 v29, v20;
	v21 =	vmul.f32 v29, v21;
	v12 =	vmov v30;
	v25 =	vld [tilespmem:s1+$0x0];
	[tilespmem:s26+$0x50] =	vst v28  }
0x163: {  	v28 =	vld [tilespmem:s1+$0x10];
	(erf) = vpow2.f32 v13;
	[tilespmem:s26+$0x60] =	vst v24  }
0x164: {  	v17 =	vmul.f32 v31, v17;
	v29 =	vmul.f32 v37, v36;
	v13, _, _ =	vpop (xrf2);
	v24 =	vld [tilespmem:s2+$0x0];
	(xrf2) =	vadd.scan.msk.f32 $0xffff, v34;
	[tilespmem:s13+$0xFFFFFF70] =	vst v26  }
0x165: {  	v13 =	vperm.xlane v13, v2;
	v26 =	vld [tilespmem:s2+$0x10];
	[tilespmem:s13+$0xFFFFFF80] =	vst v14;
	s13 =	smov.u32 s26  }
0x166: {  	v17 =	vadd.f32 v29, v17;
	v16 =	vmul.f32 v16, v27;
	v14 =	vld [tilespmem:s1+$0x50];
	[tilespmem:s26+$0x0] =	vst v20  }
0x167: {  	v18 =	vmul.f32 v18, v23;
	v13 =	vmul.f32 v1, v13;
	v27 =	vld [tilespmem:s2+$0x40];
	v23 =	vpop (erf);
	[tilespmem:s26+$0x10] =	vst v21  }
0x168: {  	v17 =	vmul.f32 $1.767766920e-01, v17;
	v21 =	vld [tilespmem:s2+$0x50];
	v30 =	vmul.f32 v23, v10;
	v29, _, _ =	vpop (xrf2)  }
0x169: {  	v16 =	vadd.f32 v18, v16;
	(xrf2) =	vadd.scan.msk.f32 $0xffff, v13;
	v13 =	vld [tilespmem:s1+$0xFFFFFF90];
	v18 =	vperm.xlane v29, v2  }
0x16a: {  	v24 =	vmul.f32 v24, v25;
	v29 =	vld [tilespmem:s2+$0xFFFFFF80];
	v32 =	vmul.f32 v26, v28;
	v17 =	vadd.f32 v30, v17  }
0x16b: {  	v33 =	vmul.f32 v23, v8;
	v16 =	vmul.f32 $1.767766920e-01, v16;
	v20, _, _ =	vpop (xrf2);
	v26 =	vld [tilespmem:s2+$0xFFFFFF90]  }
0x16c: {  	v30 =	vperm.xlane v20, v2;
	v31 =	vld [tilespmem:s1+$0xFFFFFF80];
	v24 =	vadd.f32 v32, v24;
	v25 =	vpop (erf);
	(xrf2) =	vadd.scan.msk.f32 $0xffff, v17;
	v20 =	vmul.f32 v1, v18  }
0x16d: {  	v16 =	vadd.f32 v33, v16;
	v18 =	vmul.f32 v27, v38;
	v17 =	vld [tilespmem:s1+$0xFFFFFFA0];
	v14 =	vmul.f32 v21, v14  }
0x16e: {  	v27 =	vmul.f32 v23, v7;
	v21 =	vld [tilespmem:s1+$0xFFFFFFB0];
	v24 =	vmul.f32 $1.767766920e-01, v24;
	v28, _, _ =	vpop (xrf2)  }
0x16f: {  	v33 =	vmul.f32 v25, v7;
	v30 =	vmul.f32 v1, v30;
	v32 =	vld [tilespmem:s2+$0xFFFFFFA0];
	(xrf2) =	vadd.scan.msk.f32 $0xffff, v16  }
0x170: {  	v14 =	vadd.f32 v14, v18;
	v16 =	vld [tilespmem:s2+$0xFFFFFFB0];
	v13 =	vmul.f32 v26, v13;
	v24 =	vadd.f32 v27, v24  }
0x171: {  	s23 =	sadd.s32 $0x2, s23;
	v26 =	vld [tilespmem:s1+$0xFFFFFFC0];
	v27 =	vmul.f32 v29, v31;
	v29 =	vmul.f32 v25, v8  }
0x172: {  	p0 =	slt.u32 s23, $0x26;
	v23 =	vmul.f32 v23, v9;
	v14 =	vmul.f32 $1.767766920e-01, v14;
	v31 =	vld [tilespmem:s1+$0xFFFFFFD0];
	(xrf2) =	vadd.scan.msk.f32 $0xffff, v24  }
0x173: {  	v18, _, _ =	vpop (xrf2);
	v34 =	vld [tilespmem:s2+$0xFFFFFFC0];
	v13 =	vadd.f32 v13, v27;
	v27 =	vmul.f32 v25, v9;
	v25 =	vmul.f32 v25, v10  }
0x174: {  	v24 =	vadd.f32 v23, v14;
	v23 =	vperm.xlane v28, v2;
	v35 =	vld [tilespmem:s2+$0xFFFFFFD0];
	v17 =	vmul.f32 v32, v17  }
0x175: {  	v28 =	vld [tilespmem:s1+$0xFFFFFFE0];
	v13 =	vmul.f32 $1.767766920e-01, v13;
	v16 =	vmul.f32 v16, v21  }
0x176: {  	v32 =	vld [tilespmem:s1+$0xFFFFFFF0];
	(xrf2) =	vadd.scan.msk.f32 $0xffff, v24;
	v14, _, _ =	vpop (xrf2);
	v24 =	vmul.f32 v1, v23  }
0x177: {  	v36 =	vld [tilespmem:s2+$0xFFFFFFE0];
	v33 =	vadd.f32 v33, v13;
	v13 =	vadd.f32 v16, v17;
	v14 =	vperm.xlane v14, v2  }
0x178: {  	v37 =	vld [tilespmem:s2+$0xFFFFFFF0];
	v16 =	vmul.f32 v34, v26  }
0x179: {  	v17 =	vmul.f32 v35, v31;
	v34 =	vmul.f32 v1, v14;
	v21, _, _ =	vpop (xrf2);
	v23 =	vld [tilespmem:s24+$0xFFFFFFA0]  }
0x17a: {  	v13 =	vmul.f32 $1.767766920e-01, v13;
	v26 =	vperm.xlane v21, v2;
	v21 =	vld [tilespmem:s24+$0xFFFFFFB0]  }
0x17b: {  	v31 =	vadd.f32 v17, v16;
	(xrf2) =	vadd.scan.msk.f32 $0xffff, v34;
	v16 =	vld [tilespmem:s24+$0xFFFFFFC0]  }
0x17c: {  	v29 =	vadd.f32 v29, v13;
	v28 =	vmul.f32 v36, v28;
	v13 =	vmul.f32 v1, v26;
	v14, _, _ =	vpop (xrf2);
	v17 =	vld [tilespmem:s24+$0xFFFFFFD0]  }
0x17d: {  	v26 =	vmul.f32 v37, v32;
	v32 =	vperm.xlane v14, v2;
	v14 =	vld [tilespmem:s24+$0xFFFFFFE0]  }
0x17e: {  	v31 =	vmul.f32 $1.767766920e-01, v31;
	(xrf2) =	vadd.scan.msk.f32 $0xffff, v13;
	v13 =	vld [tilespmem:s24+$0xFFFFFFF0];
	[tilespmem:s26+$0xFFFFFFF0] =	vst v22  }
0x17f: {  	v22 =	vadd.f32 v26, v28;
	v26 =	vmul.f32 v1, v32  }
0x180: {  	v27 =	vadd.f32 v27, v31;
	v28, _, _ =	vpop (xrf2)  }
0x181: {  	v22 =	vmul.f32 $1.767766920e-01, v22;
	v28 =	vperm.xlane v28, v2;
	(xrf2) =	vadd.scan.msk.f32 $0xffff, v26;
	_ =	sdelay $0x1  }
0x182: {  	v25 =	vadd.f32 v25, v22;
	v22 =	vmul.f32 v1, v28;
	_ =	sdelay $0x1  }
0x183: {  	(xrf2) =	vadd.scan.msk.f32 $0xffff, v22;
	v26, _, _ =	vpop (xrf2);
	_ =	sdelay $0x2  }
0x184: {  	s14 =	sadd.s32 $0x20, s14;
	(xrf2) =	vadd.scan.msk.f32 $0xffff, v30;
	v22, _, _ =	vpop (xrf2)  }
0x185: {  	v28 =	vld [tilespmem:s14+$0x0]  }
0x186: {  	v30 =	vld [tilespmem:s14+$0xFFFFFFF0]  }
0x187: {  	(xrf2) =	vadd.scan.msk.f32 $0xffff, v33;
	v31, _, _ =	vpop (xrf2)  }
0x188: {  	v31 =	vmul.f32 v1, v31;
	_ =	sdelay $0x1  }
0x189: {  	v22 =	vmul.f32 v4, v22;
	v28 =	vadd.f32 v31, v28;
	(xrf2) =	vadd.scan.msk.f32 $0xffff, v29  }
0x18a: {  	v29, _, _ =	vpop (xrf2)  }
0x18b: {  	v31 =	vshra.s32 v18, $0x1;
	v28 =	vadd.f32 v22, v28;
	v29 =	vmul.f32 v5, v29  }
0x18c: {  	v31 =	vadd.s32 $0x1FBD1DF5, v31  }
0x18d: {  	v26 =	vmul.f32 v6, v26;
	v22, _, _ =	vpop (xrf2);
	(erf) = vrcp.f32 v31;
	v29 =	vadd.f32 v29, v28;
	(xrf2) =	vadd.scan.msk.f32 $0xffff, v27  }
0x18e: {  	v27 =	vshra.s32 v22, $0x1  }
0x18f: {  	v27 =	vadd.s32 $0x1FBD1DF5, v27;
	v26 =	vadd.f32 v26, v29  }
0x190: {  	(erf) = vrcp.f32 v27;
	v28, _, _ =	vpop (xrf2);
	(xrf2) =	vadd.scan.msk.f32 $0xffff, v25  }
0x191: {  	v25 =	vperm.xlane v28, v2;
	v26 =	vmul.f32 $1.442695020e+00, v26;
	_ =	sdelay $0x1  }
0x192: {  	v29 =	vmul.f32 v1, v25;
	v28, _, _ =	vpop (xrf2);
	(erf) = vpow2.f32 v26  }
0x193: {  	v26 =	vperm.xlane v28, v2  }
0x194: {  	(xrf2) =	vadd.scan.msk.f32 $0xffff, v29  }
0x195: {  	v25 =	vpop (erf);
	v29 =	vmul.f32 v1, v26  }
0x196: {  	v25 =	vmul.f32 v25, v18;
	v28, _, _ =	vpop (xrf2)  }
0x197: {  	v28 =	vperm.xlane v28, v2;
	(xrf2) =	vadd.scan.msk.f32 $0xffff, v29  }
0x198: {  	v25 =	vadd.f32 v31, v25;
	v26 =	vpop (erf)  }
0x199: {  	v26 =	vmul.f32 v26, v22;
	v28 =	vmul.f32 v1, v28;
	v29, _, _ =	vpop (xrf2)  }
0x19a: {  	v31 =	vmul.f32 $5.000000000e-01, v25;
	v25 =	vperm.xlane v29, v2;
	(xrf2) =	vadd.scan.msk.f32 $0xffff, v19  }
0x19b: {  	v26 =	vadd.f32 v27, v26;
	v19 =	vpop (erf)  }
0x19c: {  	(erf) = vrcp.f32 v31;
	v27 =	vmul.f32 v6, v19  }
0x19d: {  	v29 =	vmul.f32 $5.000000000e-01, v26;
	v26 =	vmul.f32 v1, v25  }
0x19e: {  	v32 =	vmul.f32 v4, v19;
	v33 =	vmul.f32 v5, v19;
	v25, _, _ =	vpop (xrf2);
	(xrf2) =	vadd.scan.msk.f32 $0xffff, v27  }
0x19f: {  	v27 =	vmul.f32 v1, v25;
	v25 =	vmul.f32 v1, v19  }
0x1a0: {  	(erf) = vrcp.f32 v29  }
0x1a1: {  	v27 =	vadd.f32 v27, v30;
	v30, _, _ =	vpop (xrf2);
	(xrf2) =	vadd.scan.msk.f32 $0xffff, v28  }
0x1a2: {  	v28 =	vmul.f32 v4, v30;
	_ =	sdelay $0x1  }
0x1a3: {  	v28 =	vadd.f32 v28, v27;
	(xrf2) =	vadd.scan.msk.f32 $0xffff, v26;
	v26, _, _ =	vpop (xrf2)  }
0x1a4: {  	v27 =	vpop (erf);
	v30 =	vperm.xlane v26, v2  }
0x1a5: {  	v27 =	vmul.f32 v27, v18  }
0x1a6: {  	(xrf2) =	vadd.scan.msk.f32 $0xffff, v33;
	v30 =	vmul.f32 v1, v30  }
0x1a7: {  	v27 =	vadd.f32 v27, v31;
	v31, _, _ =	vpop (xrf2)  }
0x1a8: {  	v33 =	vpop (erf);
	v34 =	vperm.xlane v31, v2;
	v30 =	vadd.f32 v26, v30  }
0x1a9: {  	v33 =	vmul.f32 v33, v22;
	v26 =	vmul.f32 $5.000000000e-01, v27;
	(xrf2) =	vadd.scan.msk.f32 $0xffff, v32  }
0x1aa: {  	v27 =	vmul.f32 v1, v34;
	v31, _, _ =	vpop (xrf2);
	v23 =	vmul.f32 v30, v23  }
0x1ab: {  	v29 =	vadd.f32 v33, v29;
	(erf) = vrcp.f32 v26;
	v31 =	vmul.f32 v5, v31  }
0x1ac: {  	v21 =	vmul.f32 v30, v21;
	(xrf2) =	vadd.scan.msk.f32 $0xffff, v27;
	[tilespmem:s26+$0xFFFFFF90] =	vst v23  }
0x1ad: {  	v27 =	vmul.f32 $5.000000000e-01, v29;
	v23 =	vadd.f32 v31, v28;
	v28, _, _ =	vpop (xrf2)  }
.Ltmp0:
0x1ae: {  	v29 =	vmul.f32 v6, v28;
	[tilespmem:s26+$0xFFFFFFA0] =	vst v21;
	(pc) =	sbr.rel @p0 .LBB2_3-.Ltmp0, $4  }
0x1af: {  	s24 =	sadd.s32 $0x100, s24;
	(erf) = vrcp.f32 v27;
	(xrf2) =	vadd.scan.msk.f32 $0xffff, v20  }
0x1b0: {  	v23 =	vadd.f32 v29, v23;
	v20 =	vld [tilespmem:s24+$0x0];
	v28, _, _ =	vpop (xrf2)  }
0x1b1: {  	v21 =	vld [tilespmem:s24+$0x10];
	v28 =	vperm.xlane v28, v2  }
0x1b2: {  	s20 =	sadd.s32 $0x20, s20;
	v29 =	vmul.f32 $1.442695020e+00, v23;
	v23 =	vld [tilespmem:s24+$0x70];
	(xrf2) =	vadd.scan.msk.f32 $0xffff, v24  }
0x1b3: {  	_ = 	snop  }
0x1b4: {  	v24 =	vpop (erf)  }
0x1b5: {  	v18 =	vmul.f32 v24, v18;
	_ =	sdelay $0x1  }
0x1b6: {  	s2 =	sadd.s32 $0x100, s2;
	v18 =	vadd.f32 v18, v26  }
0x1b7: {  	v31 =	vld [tilespmem:s2+$0x60]  }
0x1b8: {  	s20 =	sadd.s32 $0x100, s1;
	v32 =	vld [tilespmem:s2+$0x70];
	v18 =	vmul.f32 $5.000000000e-01, v18  }
0x1b9: {  	v33 =	vld [tilespmem:s20+$0x20]  }
0x1ba: {  	(erf) = vpow2.f32 v29;
	v29 =	vld [tilespmem:s20+$0x30];
	v18 =	vadd.f32 v3, v18  }
0x1bb: {  	v34 =	vld [tilespmem:s2+$0x20]  }
0x1bc: {  	v35 =	vld [tilespmem:s2+$0x30];
	v30 =	vmul.f32 $-1.000000000e+01, v18  }
0x1bd: {  	v36 =	vld [tilespmem:s20+$0x0]  }
0x1be: {  	v37 =	vld [tilespmem:s20+$0x10];
	v18 =	vmul.f32 v30, v18  }
0x1bf: {  	v38 =	vld [tilespmem:s2+$0x0]  }
0x1c0: {  	v24 =	vld [tilespmem:s20+$0x60];
	v18 =	vmul.f32 $1.442695020e+00, v18  }
0x1c1: {  	v26 =	vld [tilespmem:s20+$0x70]  }
0x1c2: {  	v39 =	vld [tilespmem:s2+$0x10];
	(erf) = vpow2.f32 v18  }
0x1c3: {  	v40 =	vld [tilespmem:s20+$0x50]  }
0x1c4: {  	v45 =	vld [tilespmem:s2+$0x50]  }
0x1c5: {  	v44 =	vmul.f32 v34, v33;
	v24 =	vmul.f32 v31, v24;
	v31 =	vld [tilespmem:s2+$0x40]  }
0x1c6: {  	v29 =	vmul.f32 v35, v29;
	v26 =	vmul.f32 v32, v26;
	v30 =	vld [tilespmem:s20+$0x40]  }
0x1c7: {  	v28 =	vmul.f32 v1, v28  }
0x1c8: {  	v29 =	vadd.f32 v29, v44;
	v24 =	vadd.f32 v26, v24  }
0x1c9: {  	(xrf2) =	vadd.scan.msk.f32 $0xffff, v28;
	v41 =	vpop (erf);
	v48 =	vmul.f32 v38, v36;
	v49 =	vmul.f32 v39, v37  }
0x1ca: {  	(xrf2) =	vadd.scan.msk.f32 $0xffff, v15;
	v15 =	vmul.f32 $1.767766920e-01, v29;
	v24 =	vmul.f32 $1.767766920e-01, v24;
	v18 =	vpop (erf)  }
0x1cb: {  	(xrf2) =	vadd.scan.msk.f32 $0xffff, v25;
	v25 =	vmul.f32 v31, v30;
	v30 =	vmul.f32 v45, v40;
	v26 =	vpop (erf)  }
0x1cc: {  	v32 =	vadd.f32 v49, v48;
	v46 =	vmul.f32 v5, v18;
	v28 =	vmul.f32 v26, v10  }
0x1cd: {  	v47 =	vmul.f32 v6, v18;
	v29 =	vmul.f32 v26, v8  }
0x1ce: {  	v31 =	vmul.f32 v26, v7;
	v24 =	vadd.f32 v28, v24;
	v28 =	vmul.f32 $1.767766920e-01, v32  }
0x1cf: {  	v25 =	vadd.f32 v30, v25;
	(xrf2) =	vadd.scan.msk.f32 $0xffff, v46  }
0x1d0: {  	(xrf2) =	vadd.scan.msk.f32 $0xffff, v47;
	v15 =	vadd.f32 v29, v15;
	v29 =	vadd.f32 v31, v28  }
0x1d1: {  	v22 =	vmul.f32 v41, v22;
	(xrf2) =	vadd.scan.msk.f32 $0xffff, v24  }
0x1d2: {  	v28, _, _ =	vpop (xrf2);
	(xrf2) =	vadd.scan.msk.f32 $0xffff, v15;
	v15 =	vmul.f32 $1.767766920e-01, v25;
	v25 =	vmul.f32 v26, v9  }
0x1d3: {  	v27 =	vadd.f32 v22, v27;
	v24, _, _ =	vpop (xrf2);
	(xrf2) =	vadd.scan.msk.f32 $0xffff, v29  }
0x1d4: {  	v29, _, _ =	vpop (xrf2);
	v15 =	vadd.f32 v25, v15  }
0x1d5: {  	v31 =	vmul.f32 $5.000000000e-01, v27;
	v26, _, _ =	vpop (xrf2)  }
0x1d6: {  	v25, _, _ =	vpop (xrf2)  }
0x1d7: {  	v31 =	vadd.f32 v3, v31;
	v22, _, _ =	vpop (xrf2);
	(xrf2) =	vadd.scan.msk.f32 $0xffff, v15  }
0x1d8: {  	v15, _, _ =	vpop (xrf2)  }
0x1d9: {  	v54 =	vmul.f32 $-1.000000000e+01, v31;
	v30, _, _ =	vpop (xrf2)  }
0x1da: {  	v27, _, _ =	vpop (xrf2)  }
0x1db: {  	v31 =	vmul.f32 v54, v31;
	v51, _, _ =	vpop (xrf2)  }
0x1dc: {  	v50 =	vld [tilespmem:s20+$0xFFFFFF90];
	v33 =	vperm.xlane v51, v2;
	v53, _, _ =	vpop (xrf2)  }
0x1dd: {  	v52 =	vld [tilespmem:s2+$0xFFFFFF80];
	v31 =	vmul.f32 $1.442695020e+00, v31;
	v35 =	vperm.xlane v53, v2;
	v56, _, _ =	vpop (xrf2)  }
0x1de: {  	v55 =	vld [tilespmem:s2+$0xFFFFFF90];
	v33 =	vmul.f32 v1, v33;
	v38 =	vperm.xlane v56, v2  }
0x1df: {  	v57 =	vld [tilespmem:s20+$0xFFFFFF80];
	v35 =	vmul.f32 v1, v35  }
0x1e0: {  	v58 =	vld [tilespmem:s20+$0xFFFFFFA0];
	(erf) = vpow2.f32 v31;
	(xrf2) =	vadd.scan.msk.f32 $0xffff, v33;
	v60 =	vmul.f32 v1, v38  }
0x1e1: {  	v59 =	vld [tilespmem:s20+$0xFFFFFFB0];
	(xrf2) =	vadd.scan.msk.f32 $0xffff, v35;
	v62, _, _ =	vpop (xrf2)  }
0x1e2: {  	v61 =	vld [tilespmem:s2+$0xFFFFFFA0];
	v35 =	vperm.xlane v62, v2;
	(xrf2) =	vadd.scan.msk.f32 $0xffff, v60  }
0x1e3: {  	v63 =	vld [tilespmem:s2+$0xFFFFFFB0]  }
0x1e4: {  	v42 =	vld [tilespmem:s2+$0xFFFFFFC0];
	v35 =	vmul.f32 v1, v35  }
0x1e5: {  	v43 =	vld [tilespmem:s2+$0xFFFFFFD0]  }
0x1e6: {  	v34 =	vmul.f32 v52, v57;
	v52 =	vld [tilespmem:s2+$0xFFFFFFF0];
	(xrf2) =	vadd.scan.msk.f32 $0xffff, v35  }
0x1e7: {  	v32 =	vmul.f32 v55, v50;
	v31 =	vld [tilespmem:s20+$0xFFFFFFD0]  }
0x1e8: {  	v48 =	vld [tilespmem:s20+$0xFFFFFFC0]  }
0x1e9: {  	s22 =	sadd.s32 $0x20, s14;
	v45 =	vld [tilespmem:s20+$0xFFFFFFF0];
	v32 =	vadd.f32 v32, v34;
	v55 =	vpop (erf)  }
0x1ea: {  	v51 =	vld [tilespmem:s22+$0x0];
	v50, _, _ =	vpop (xrf2)  }
0x1eb: {  	v36 =	vmul.f32 v63, v59;
	v44 =	vld [tilespmem:s2+$0xFFFFFFE0];
	v32 =	vmul.f32 $1.767766920e-01, v32;
	v53, _, _ =	vpop (xrf2)  }
0x1ec: {  	v49 =	vld [tilespmem:s20+$0xFFFFFFE0];
	v31 =	vmul.f32 v43, v31;
	v38 =	vmul.f32 v61, v58;
	v54, _, _ =	vpop (xrf2)  }
0x1ed: {  	v56 =	vmul.f32 v55, v7;
	v34 =	vmul.f32 v1, v54  }
0x1ee: {  	v33 =	vmul.f32 v42, v48;
	v58 =	vmul.f32 v52, v45;
	v36 =	vadd.f32 v36, v38  }
0x1ef: {  	v32 =	vadd.f32 v56, v32;
	v41 =	vmul.f32 v4, v53;
	v34 =	vadd.f32 v34, v51  }
0x1f0: {  	v31 =	vadd.f32 v31, v33;
	v57 =	vmul.f32 v55, v8;
	v36 =	vmul.f32 $1.767766920e-01, v36;
	v59, _, _ =	vpop (xrf2)  }
0x1f1: {  	v35 =	vmul.f32 v44, v49;
	(xrf2) =	vadd.scan.msk.f32 $0xffff, v32;
	v60 =	vadd.f32 v41, v34;
	v61 =	vmul.f32 v5, v59  }
0x1f2: {  	v62 =	vmul.f32 v55, v9;
	v31 =	vmul.f32 $1.767766920e-01, v31;
	v36 =	vadd.f32 v57, v36  }
0x1f3: {  	v35 =	vadd.f32 v58, v35;
	v37 =	vmul.f32 v6, v50;
	v63 =	vadd.f32 v61, v60  }
0x1f4: {  	v39 =	vmul.f32 v55, v10;
	(xrf2) =	vadd.scan.msk.f32 $0xffff, v36  }
0x1f5: {  	v31 =	vadd.f32 v62, v31;
	v35 =	vmul.f32 $1.767766920e-01, v35;
	v32 =	vadd.f32 v37, v63;
	_ =	sdelay $0x1  }
0x1f6: {  	(xrf2) =	vadd.scan.msk.f32 $0xffff, v31;
	v40 =	vadd.f32 v39, v35;
	v31 =	vmul.f32 $1.442695020e+00, v32;
	_ =	sdelay $0x1  }
0x1f7: {  	(xrf2) =	vadd.scan.msk.f32 $0xffff, v40;
	(erf) = vpow2.f32 v31;
	_ =	sdelay $0x1  }
0x1f8: {  	v31, _, _ =	vpop (xrf2)  }
0x1f9: {  	v31 =	vperm.xlane v31, v2;
	_ =	sdelay $0x1  }
0x1fa: {  	v41, _, _ =	vpop (xrf2);
	v31 =	vmul.f32 v1, v31  }
0x1fb: {  	v32 =	vperm.xlane v41, v2;
	_ =	sdelay $0x1  }
0x1fc: {  	v42, _, _ =	vpop (xrf2);
	v32 =	vmul.f32 v1, v32  }
0x1fd: {  	v43 =	vmul.f32 v4, v18;
	v33 =	vperm.xlane v42, v2;
	(xrf2) =	vadd.scan.msk.f32 $0xffff, v31;
	v31 =	vpop (erf)  }
0x1fe: {  	v44, _, _ =	vpop (xrf2);
	(xrf2) =	vadd.scan.msk.f32 $0xffff, v32;
	v45 =	vmul.f32 v6, v31  }
0x1ff: {  	v33 =	vmul.f32 v1, v33;
	v32 =	vperm.xlane v44, v2;
	(xrf2) =	vadd.scan.msk.f32 $0xffff, v43  }
0x200: {  	(xrf2) =	vadd.scan.msk.f32 $0xffff, v45  }
0x201: {  	v32 =	vmul.f32 v1, v32;
	(xrf2) =	vadd.scan.msk.f32 $0xffff, v33;
	_ =	sdelay $0x1  }
0x202: {  	(xrf2) =	vadd.scan.msk.f32 $0xffff, v32;
	_ =	sdelay $0x1  }
0x203: {  	v46 =	vld [tilespmem:s22+$0xFFFFFFF0];
	_ =	sdelay $0x1  }
0x204: {  	v47, _, _ =	vpop (xrf2)  }
0x205: {  	v33 =	vmul.f32 v1, v47;
	v48, _, _ =	vpop (xrf2)  }
0x206: {  	v49, _, _ =	vpop (xrf2)  }
0x207: {  	v53 =	vmul.f32 v5, v31;
	v50 =	vmul.f32 v4, v48;
	v32 =	vadd.f32 v33, v46;
	v51, _, _ =	vpop (xrf2)  }
0x208: {  	v52, _, _ =	vpop (xrf2)  }
0x209: {  	(xrf2) =	vadd.scan.msk.f32 $0xffff, v53;
	v32 =	vadd.f32 v50, v32;
	v54 =	vmul.f32 v5, v52  }
0x20a: {  	v55, _, _ =	vpop (xrf2)  }
0x20b: {  	v56 =	vmul.f32 v6, v55;
	v32 =	vadd.f32 v54, v32;
	_ =	sdelay $0x1  }
0x20c: {  	v23 =	vmul.f32 v24, v23;
	v16 =	vmul.f32 v29, v16;
	v32 =	vadd.f32 v56, v32  }
0x20d: {  	v17 =	vmul.f32 v29, v17;
	v14 =	vmul.f32 v26, v14;
	v62 =	vld [tilespmem:s24+$0x60]  }
0x20e: {  	v58 =	vld [tilespmem:s24+$0x20];
	v29 =	vperm.xlane v51, v2;
	v32 =	vmul.f32 $1.442695020e+00, v32  }
0x20f: {  	v13 =	vmul.f32 v26, v13;
	v57 =	vperm.xlane v28, v2;
	v59 =	vld [tilespmem:s24+$0x30]  }
0x210: {  	s23 =	sadd.s32 $0x120, s26;
	v30 =	vperm.xlane v30, v2;
	v60 =	vld [tilespmem:s24+$0x40];
	(erf) = vpow2.f32 v32  }
0x211: {  	v61 =	vld [tilespmem:s24+$0x50];
	[tilespmem:s23+$0x70] =	vst v23;
	v63 =	vmul.f32 v4, v31;
	v33 =	vmul.f32 v1, v57  }
0x212: {  	v23 =	vperm.xlane v27, v2;
	[tilespmem:s23+$0x80] =	vst v19;
	v27 =	vmul.f32 v1, v29;
	v29, _, _ =	vpop (xrf2)  }
0x213: {  	v19 =	vmul.f32 v1, v30;
	(xrf2) =	vadd.scan.msk.f32 $0xffff, v63;
	v28 =	vadd.f32 v28, v33;
	v29 =	vperm.xlane v29, v2  }
0x214: {  	[tilespmem:s13+$0xFFFFFFB0] =	vst v16;
	v11 =	vmul.f32 v22, v11;
	v16 =	vmul.f32 v1, v23;
	(xrf2) =	vadd.scan.msk.f32 $0xffff, v27  }
0x215: {  	s26 =	sadd.s32 $0x100, s24;
	v26 =	vld [tilespmem:s24+$0xFFFFFFC0];
	[tilespmem:s13+$0xFFFFFFC0] =	vst v17;
	v23 =	vmul.f32 v28, v59;
	(xrf2) =	vadd.scan.msk.f32 $0xffff, v19;
	v17 =	vmul.f32 v1, v29  }
0x216: {  	v12 =	vmul.f32 v22, v12;
	v22 =	vld [tilespmem:s26+$0x0];
	[tilespmem:s13+$0xFFFFFF70] =	vst v11;
	v19 =	vmul.f32 v1, v18;
	(xrf2) =	vadd.scan.msk.f32 $0xffff, v16  }
0x217: {  	v11 =	vld [tilespmem:s26+$0x70];
	[tilespmem:s23+$0x30] =	vst v23;
	v23 =	vmul.f32 v1, v31;
	(xrf2) =	vadd.scan.msk.f32 $0xffff, v17  }
0x218: {  	v20 =	vmul.f32 v15, v20;
	v38 =	vld [tilespmem:s26+$0x30];
	(xrf2) =	vadd.scan.msk.f32 $0xffff, v19  }
0x219: {  	[tilespmem:s13+$0xFFFFFFE0] =	vst v13;
	v13 =	vmul.f32 v24, v62;
	v24 =	vld [tilespmem:s24+$0xFFFFFFD0];
	(xrf2) =	vadd.scan.msk.f32 $0xffff, v23;
	v23 =	vperm.xlane v49, v2;
	v17 =	vpop (erf)  }
0x21a: {  	[tilespmem:s13+$0xFFFFFFD0] =	vst v14;
	v33 =	vmul.f32 v28, v58;
	v28 =	vld [tilespmem:s24+$0xFFFFFFA0];
	v19 =	vmul.f32 v5, v17  }
0x21b: {  	v30 =	vld [tilespmem:s24+$0xFFFFFF80];
	[tilespmem:s23+$0x60] =	vst v13;
	v14 =	vmul.f32 v25, v60;
	v13 =	vmul.f32 v1, v23  }
0x21c: {  	[tilespmem:s13+$0xFFFFFF80] =	vst v12;
	v25 =	vmul.f32 v25, v61;
	v16 =	vld [tilespmem:s24+$0xFFFFFFB0];
	v29 =	vmul.f32 v6, v17;
	(xrf2) =	vadd.scan.msk.f32 $0xffff, v19  }
0x21d: {  	v15 =	vmul.f32 v15, v21;
	[tilespmem:s23+$0x0] =	vst v20;
	v20 =	vld [tilespmem:s26+$0x20];
	v12 =	vadd.f32 v49, v13  }
0x21e: {  	[tilespmem:s23+$0x40] =	vst v14;
	v14 =	vld [tilespmem:s24+$0xFFFFFFE0];
	(xrf2) =	vadd.scan.msk.f32 $0xffff, v29  }
0x21f: {  	[tilespmem:s23+$0x10] =	vst v15;
	v27 =	vld [tilespmem:s24+$0xFFFFFF90];
	v23, _, _ =	vpop (xrf2);
	v15 =	vmul.f32 v12, v28  }
0x220: {  	[tilespmem:s23+$0x50] =	vst v25;
	v13 =	vld [tilespmem:s26+$0x10];
	v25, _, _ =	vpop (xrf2);
	v28 =	vperm.xlane v23, v2;
	v29 =	vmul.f32 v4, v17  }
0x221: {  	v21, _, _ =	vpop (xrf2);
	v12 =	vmul.f32 v12, v16;
	v19 =	vld [tilespmem:s24+$0xFFFFFFF0];
	[tilespmem:s23+$0xFFFFFFF0] =	vst v18  }
0x222: {  	v16 =	vld [tilespmem:s26+$0x40];
	v11 =	vmul.f32 v25, v11;
	v39, _, _ =	vpop (xrf2);
	[tilespmem:s23+$0xFFFFFF90] =	vst v15;
	v15 =	vmul.f32 v1, v28;
	(xrf2) =	vadd.scan.msk.f32 $0xffff, v29  }
0x223: {  	s14 =	sadd.s32 $0x120, s23;
	v18, _, _ =	vpop (xrf2);
	v28 =	vld [tilespmem:s26+$0x50];
	[tilespmem:s23+$0xFFFFFFA0] =	vst v12  }
0x224: {  	v12 =	vld [tilespmem:s26+$0x60];
	[tilespmem:s14+$0x70] =	vst v11;
	v11 =	vmul.f32 v21, v26;
	v15 =	vadd.f32 v23, v15;
	v29, _, _ =	vpop (xrf2)  }
0x225: {  	v40, _, _ =	vpop (xrf2)  }
0x226: {  	[tilespmem:s23+$0x20] =	vst v33;
	v20 =	vmul.f32 v15, v20;
	v15 =	vmul.f32 v15, v38;
	v23, _, _ =	vpop (xrf2)  }
0x227: {  	v21 =	vmul.f32 v21, v24;
	[tilespmem:s23+$0xFFFFFFB0] =	vst v11;
	v23 =	vperm.xlane v23, v2  }
0x228: {  	v14 =	vmul.f32 v39, v14;
	[tilespmem:s14+$0x30] =	vst v15;
	v15 =	vmul.f32 v39, v19;
	v11, _, _ =	vpop (xrf2)  }
0x229: {  	[tilespmem:s23+$0xFFFFFFC0] =	vst v21;
	v11 =	vperm.xlane v11, v2;
	v21 =	vmul.f32 v1, v23  }
0x22a: {  	[tilespmem:s14+$0x80] =	vst v31  }
0x22b: {  	[tilespmem:s23+$0xFFFFFFD0] =	vst v14;
	v14 =	vmul.f32 v18, v16;
	v11 =	vmul.f32 v1, v11;
	(xrf2) =	vadd.scan.msk.f32 $0xffff, v21  }
0x22c: {  	v18 =	vmul.f32 v18, v28;
	[tilespmem:s23+$0xFFFFFFE0] =	vst v15;
	v15, _, _ =	vpop (xrf2)  }
0x22d: {  	[tilespmem:s14+$0x40] =	vst v14;
	v19 =	vmul.f32 v1, v17;
	v14 =	vperm.xlane v15, v2;
	(xrf2) =	vadd.scan.msk.f32 $0xffff, v11  }
0x22e: {  	v16 =	vld [tilespmem:s26+$0xFFFFFF80];
	v12 =	vmul.f32 v25, v12;
	[tilespmem:s14+$0x20] =	vst v20  }
0x22f: {  	v20 =	vmul.f32 v29, v30;
	[tilespmem:s14+$0x50] =	vst v18;
	v18 =	vld [tilespmem:s26+$0xFFFFFFA0];
	v14 =	vmul.f32 v1, v14;
	(xrf2) =	vadd.scan.msk.f32 $0xffff, v19  }
0x230: {  	[tilespmem:s14+$0x60] =	vst v12;
	v12 =	vld [tilespmem:s26+$0xFFFFFFB0];
	v19 =	vmul.f32 v29, v27  }
0x231: {  	v13 =	vmul.f32 v40, v13;
	[tilespmem:s23+$0xFFFFFF70] =	vst v20;
	v20 =	vld [tilespmem:s26+$0xFFFFFFC0];
	v14 =	vadd.f32 v15, v14  }
0x232: {  	v21 =	vmul.f32 v40, v22;
	[tilespmem:s23+$0xFFFFFF80] =	vst v19;
	v19 =	vld [tilespmem:s26+$0xFFFFFFD0]  }
0x233: {  	[tilespmem:s14+$0x10] =	vst v13;
	v15 =	vld [tilespmem:s26+$0xFFFFFFE0]  }
0x234: {  	v13 =	vld [tilespmem:s26+$0xFFFFFFF0];
	[tilespmem:s14+$0x0] =	vst v21;
	v18 =	vmul.f32 v14, v18  }
0x235: {  	v11 =	vld [tilespmem:s26+$0xFFFFFF90];
	[tilespmem:s14+$0xFFFFFFF0] =	vst v17;
	v12 =	vmul.f32 v14, v12;
	v14, _, _ =	vpop (xrf2)  }
0x236: {  	[tilespmem:s14+$0xFFFFFF90] =	vst v18;
	v17 =	vmul.f32 v14, v20  }
0x237: {  	[tilespmem:s14+$0xFFFFFFA0] =	vst v12;
	v12 =	vmul.f32 v14, v19;
	v14, _, _ =	vpop (xrf2)  }
0x238: {  	v15 =	vmul.f32 v14, v15;
	[tilespmem:s14+$0xFFFFFFB0] =	vst v17  }
0x239: {  	[tilespmem:s14+$0xFFFFFFC0] =	vst v12;
	v12 =	vmul.f32 v14, v13;
	v13, _, _ =	vpop (xrf2)  }
0x23a: {  	[tilespmem:s14+$0xFFFFFFD0] =	vst v15;
	v14 =	vmul.f32 v13, v16  }
0x23b: {  	v11 =	vmul.f32 v13, v11;
	[tilespmem:s14+$0xFFFFFFE0] =	vst v12  }
0x23c: {  	[tilespmem:s14+$0xFFFFFF70] =	vst v14  }
0x23d: {  	s20 =	rddreg [dreg:$0x2];
	s22 =	simm.s32 $0x1E730;
	[tilespmem:s14+$0xFFFFFF80] =	vst v11  }
0x23e: {  	[spmem:s20] =	stream.indirect.scatter.add.f32 [tilespmem:s22], [sflag:$0xD], $0x90, s17, s19, $0xb8;
	[tilespmem:$0x1FDF0] =	vst v63  }
0x23f: {  	_ =	swait.ge [sflag:s15], $0x1680  }
0x240: {  	[sflag:s15] =	ssyncset.done $0x0  }
0x241: {  	[sflag:s15] =	ssyncadd.s32 $0xFFFFE980  }
0x242: {  	_ =	swait.ge [sflag:s28], $0x1400  }
0x243: {  	[sflag:s28] =	ssyncset.done $0x0  }
0x244: {  	[sflag:s28] =	ssyncadd.s32 $0xFFFFEC00  }
0x245: {  	_ =	swait.ge [sflag:s29], $0x280  }
0x246: {  	[sflag:s29] =	ssyncset.done $0x0  }
0x247: {  	[sflag:s29] =	ssyncadd.s32 $0xFFFFFD80  }
0x248: {  	_ =	swait.ge [sflag:s0], $0x1400  }
0x249: {  	[sflag:s0] =	ssyncset.done $0x0  }
0x24a: {  	[sflag:s0] =	ssyncadd.s32 $0xFFFFEC00  }
0x24b: {  	_ =	swait.ge [sflag:s4], $0x1400  }
0x24c: {  	[sflag:s4] =	ssyncset.done $0x0  }
0x24d: {  	[sflag:s4] =	ssyncadd.s32 $0xFFFFEC00  }
0x24e: {  	_ =	swait.ge [sflag:s16], $0x280  }
0x24f: {  	[sflag:s16] =	ssyncset.done $0x0  }
0x250: {  	[sflag:s16] =	ssyncadd.s32 $0xFFFFFD80  }
0x251: {  	_ =	swait.ge [sflag:s11], $0x280  }
0x252: {  	[sflag:s11] =	ssyncset.done $0x0  }
0x253: {  	s23 =	simm.s32 $0x18AC0;
	[sflag:s11] =	ssyncadd.s32 $0xFFFFFD80  }
0x254: {  	s24 =	simm.s32 $0x1DFC0;
	v11 =	vld [tilespmem:s23+$0x0]  }
0x255: {  	v12 =	vld [tilespmem:s24+$0x0];
	_ =	sdelay $0x4  }
0x256: {  	v11 =	vsub.f32 v11, v12;
	_ =	sdelay $0x1  }
0x257: {  	v11 =	vmul.f32 v11, v11;
	_ =	sdelay $0x1  }
0x258: {  	v11 =	vadd.f32 v0, v11;
	_ =	sdelay $0x1  }
0x259: {  	(xrf2) =	vadd.scan.msk.f32 $0xffff, v11;
	_ =	sdelay $0x1  }
0x25a: {  	v12 =	vld [tilespmem:s24+$0xFFFFFFF0]  }
0x25b: {  	v11 =	vld [tilespmem:s23+$0xFFFFFFF0];
	_ =	sdelay $0x4  }
0x25c: {  	v11 =	vsub.f32 v11, v12;
	_ =	sdelay $0x1  }
0x25d: {  	v11 =	vmul.f32 v11, v11;
	v12, _, _ =	vpop (xrf2)  }
0x25e: {  	v12 =	vperm.xlane v12, v2  }
0x25f: {  	v11 =	vadd.f32 v0, v11  }
0x260: {  	v12 =	vmul.f32 v1, v12  }
0x261: {  	(xrf2) =	vadd.scan.msk.f32 $0xffff, v11  }
0x262: {  	(xrf2) =	vadd.scan.msk.f32 $0xffff, v12;
	_ =	sdelay $0x8  }
0x263: {  	v11, _, _ =	vpop (xrf2)  }
0x264: {  	v12, _, _ =	vpop (xrf2)  }
0x265: {  	v11 =	vperm.xlane v11, v2;
	v13 =	vshra.s32 v12, $0x1  }
0x266: {  	v13 =	vadd.s32 $0x1FBD1DF5, v13  }
0x267: {  	v11 =	vmul.f32 v1, v11;
	(erf) = vrcp.f32 v13;
	_ =	sdelay $0x1  }
0x268: {  	(xrf2) =	vadd.scan.msk.f32 $0xffff, v11;
	_ =	sdelay $0x6  }
0x269: {  	v11 =	vpop (erf)  }
0x26a: {  	v11 =	vmul.f32 v11, v12;
	_ =	sdelay $0x1  }
0x26b: {  	v14, _, _ =	vpop (xrf2);
	v11 =	vadd.f32 v13, v11  }
0x26c: {  	v13 =	vshra.s32 v14, $0x1  }
0x26d: {  	v13 =	vadd.s32 $0x1FBD1DF5, v13;
	v11 =	vmul.f32 $5.000000000e-01, v11  }
0x26e: {  	(erf) = vrcp.f32 v13  }
0x26f: {  	(erf) = vrcp.f32 v11;
	_ =	sdelay $0x7  }
0x270: {  	v15 =	vpop (erf)  }
0x271: {  	v15 =	vmul.f32 v15, v14;
	v16 =	vpop (erf)  }
0x272: {  	v16 =	vmul.f32 v16, v12  }
0x273: {  	v13 =	vadd.f32 v13, v15  }
0x274: {  	v11 =	vadd.f32 v16, v11  }
0x275: {  	v13 =	vmul.f32 $5.000000000e-01, v13  }
0x276: {  	v11 =	vmul.f32 $5.000000000e-01, v11  }
0x277: {  	(erf) = vrcp.f32 v13  }
0x278: {  	(erf) = vrcp.f32 v11;
	_ =	sdelay $0x6  }
0x279: {  	s2 =	simm.s32 $0x1DFE0  }
0x27a: {  	s26 =	simm.s32 $0x18AE0;
	v17 =	vld [tilespmem:s2+$0x0];
	v16 =	vpop (erf)  }
0x27b: {  	v15 =	vld [tilespmem:s26+$0x0];
	v18 =	vpop (erf)  }
0x27c: {  	v12 =	vmul.f32 v18, v12;
	_ =	sdelay $0x1  }
0x27d: {  	v11 =	vadd.f32 v12, v11;
	_ =	sdelay $0x1  }
0x27e: {  	s20 =	simm.s32 $0x1A1B0;
	v15 =	vsub.f32 v15, v17;
	v12 =	vmul.f32 v16, v14;
	v11 =	vmul.f32 $5.000000000e-01, v11  }
0x27f: {  	s14 =	simm.s32 $0x174B0;
	v20 =	vld [tilespmem:s20+$0x60]  }
0x280: {  	v21 =	vld [tilespmem:s14+$0x20];
	v15 =	vmul.f32 v15, v15;
	v12 =	vadd.f32 v12, v13;
	v11 =	vadd.f32 v3, v11  }
0x281: {  	v22 =	vld [tilespmem:s14+$0x30]  }
0x282: {  	v23 =	vld [tilespmem:s20+$0x20];
	v15 =	vadd.f32 v0, v15;
	v12 =	vmul.f32 $5.000000000e-01, v12;
	v19 =	vmul.f32 $-1.000000000e+01, v11  }
0x283: {  	v24 =	vld [tilespmem:s14+$0x0]  }
0x284: {  	v25 =	vld [tilespmem:s14+$0x10];
	(xrf2) =	vadd.scan.msk.f32 $0xffff, v15;
	(erf) = vrcp.f32 v12;
	v11 =	vmul.f32 v19, v11  }
0x285: {  	v17 =	vld [tilespmem:s14+$0x60]  }
0x286: {  	v15 =	vld [tilespmem:s20+$0x70];
	v11 =	vmul.f32 $1.442695020e+00, v11  }
0x287: {  	v18 =	vld [tilespmem:s14+$0x70]  }
0x288: {  	v16 =	vld [tilespmem:s26+$0xFFFFFFF0];
	(erf) = vpow2.f32 v11  }
0x289: {  	v13 =	vld [tilespmem:s2+$0xFFFFFFF0]  }
0x28a: {  	v11 =	vld [tilespmem:s20+$0x30]  }
0x28b: {  	v28 =	vld [tilespmem:s20+$0x10]  }
0x28c: {  	v26 =	vld [tilespmem:s20+$0x0]  }
0x28d: {  	v17 =	vmul.f32 v20, v17;
	v20 =	vld [tilespmem:s14+$0x50];
	v15 =	vmul.f32 v15, v18;
	v27 =	vpop (erf)  }
0x28e: {  	v21 =	vmul.f32 v23, v21;
	v18 =	vld [tilespmem:s20+$0x40];
	v13 =	vsub.f32 v16, v13;
	v14 =	vmul.f32 v27, v14;
	v27, _, _ =	vpop (xrf2)  }
0x28f: {  	v15 =	vadd.f32 v15, v17;
	v19 =	vld [tilespmem:s14+$0x40];
	v16 =	vperm.xlane v27, v2;
	v11 =	vmul.f32 v11, v22  }
0x290: {  	v23 =	vmul.f32 v28, v25;
	v13 =	vmul.f32 v13, v13;
	v22 =	vld [tilespmem:s20+$0x50]  }
0x291: {  	v15 =	vmul.f32 $1.767766920e-01, v15;
	v16 =	vmul.f32 v1, v16;
	v11 =	vadd.f32 v11, v21;
	v17 =	vpop (erf)  }
0x292: {  	v13 =	vadd.f32 v0, v13;
	v21 =	vmul.f32 v26, v24;
	v24 =	vmul.f32 v17, v10  }
0x293: {  	v12 =	vadd.f32 v14, v12;
	v11 =	vmul.f32 $1.767766920e-01, v11;
	v25 =	vmul.f32 v17, v8  }
0x294: {  	v18 =	vmul.f32 v18, v19;
	(xrf2) =	vadd.scan.msk.f32 $0xffff, v13;
	v21 =	vadd.f32 v23, v21;
	v13 =	vadd.f32 v24, v15  }
0x295: {  	v12 =	vmul.f32 $5.000000000e-01, v12;
	(xrf2) =	vadd.scan.msk.f32 $0xffff, v16;
	v19 =	vmul.f32 v22, v20;
	v11 =	vadd.f32 v25, v11  }
0x296: {  	v20 =	vmul.f32 v17, v7;
	v15 =	vmul.f32 $1.767766920e-01, v21;
	(xrf2) =	vadd.scan.msk.f32 $0xffff, v13  }
0x297: {  	v14 =	vadd.f32 v19, v18;
	(xrf2) =	vadd.scan.msk.f32 $0xffff, v11  }
0x298: {  	v12 =	vadd.f32 v3, v12;
	v13 =	vadd.f32 v20, v15  }
0x299: {  	v11 =	vmul.f32 $1.767766920e-01, v14  }
0x29a: {  	v14 =	vmul.f32 v17, v9;
	(xrf2) =	vadd.scan.msk.f32 $0xffff, v13;
	v13 =	vmul.f32 $-1.000000000e+01, v12;
	_ =	sdelay $0x1  }
0x29b: {  	v11 =	vadd.f32 v14, v11;
	_ =	sdelay $0x1  }
0x29c: {  	(xrf2) =	vadd.scan.msk.f32 $0xffff, v11;
	v11 =	vmul.f32 v13, v12;
	v13, _, _ =	vpop (xrf2)  }
0x29d: {  	v12, _, _ =	vpop (xrf2)  }
0x29e: {  	v16, _, _ =	vpop (xrf2)  }
0x29f: {  	v30 =	vld [tilespmem:s20+$0xFFFFFFF0];
	v18, _, _ =	vpop (xrf2)  }
0x2a0: {  	v26 =	vld [tilespmem:s14+$0xFFFFFFE0];
	v18 =	vperm.xlane v18, v2  }
0x2a1: {  	v23 =	vld [tilespmem:s14+$0xFFFFFFC0];
	v16 =	vperm.xlane v16, v2  }
0x2a2: {  	v22 =	vld [tilespmem:s20+$0xFFFFFFA0];
	v18 =	vmul.f32 v1, v18  }
0x2a3: {  	v21 =	vld [tilespmem:s14+$0xFFFFFFB0];
	v19, _, _ =	vpop (xrf2);
	v16 =	vmul.f32 v1, v16  }
0x2a4: {  	v24 =	vld [tilespmem:s20+$0xFFFFFFC0];
	v19 =	vperm.xlane v19, v2  }
0x2a5: {  	v25 =	vld [tilespmem:s20+$0xFFFFFFD0];
	(xrf2) =	vadd.scan.msk.f32 $0xffff, v16  }
0x2a6: {  	v15 =	vld [tilespmem:s20+$0xFFFFFF80];
	v16 =	vmul.f32 v1, v19;
	(xrf2) =	vadd.scan.msk.f32 $0xffff, v18;
	v18, _, _ =	vpop (xrf2)  }
0x2a7: {  	v17 =	vld [tilespmem:s20+$0xFFFFFF90];
	v11 =	vmul.f32 $1.442695020e+00, v11;
	v18 =	vperm.xlane v18, v2  }
0x2a8: {  	v14 =	vld [tilespmem:s14+$0xFFFFFF90];
	(xrf2) =	vadd.scan.msk.f32 $0xffff, v16  }
0x2a9: {  	(erf) = vpow2.f32 v11;
	v11 =	vld [tilespmem:s14+$0xFFFFFF80];
	v18 =	vmul.f32 v1, v18  }
0x2aa: {  	v20 =	vld [tilespmem:s14+$0xFFFFFFA0]  }
0x2ab: {  	v13 =	vperm.xlane v13, v2;
	v19 =	vld [tilespmem:s20+$0xFFFFFFB0];
	(xrf2) =	vadd.scan.msk.f32 $0xffff, v18  }
0x2ac: {  	v16 =	vld [tilespmem:s14+$0xFFFFFFD0]  }
0x2ad: {  	v14 =	vmul.f32 v17, v14;
	v17 =	vld [tilespmem:s20+$0xFFFFFFE0];
	v29 =	vshra.s32 v12, $0x1;
	v13 =	vmul.f32 v1, v13  }
0x2ae: {  	v27 =	vld [tilespmem:s14+$0xFFFFFFF0];
	v29 =	vadd.s32 $0x1FBD1DF5, v29;
	v11 =	vmul.f32 v15, v11  }
0x2af: {  	s22 =	simm.s32 $0x1E4C0;
	(erf) = vrcp.f32 v29;
	(xrf2) =	vadd.scan.msk.f32 $0xffff, v13  }
0x2b0: {  	v11 =	vadd.f32 v14, v11;
	v14 =	vmul.f32 v22, v20;
	v19 =	vmul.f32 v19, v21;
	v13 =	vld [tilespmem:s22+$0x0];
	v41, _, _ =	vpop (xrf2)  }
0x2b1: {  	v21 =	vmul.f32 v24, v23;
	v16 =	vmul.f32 v25, v16;
	v20, _, _ =	vpop (xrf2)  }
0x2b2: {  	v17 =	vmul.f32 v17, v26;
	v11 =	vmul.f32 $1.767766920e-01, v11;
	v14 =	vadd.f32 v19, v14;
	v22, _, _ =	vpop (xrf2)  }
0x2b3: {  	v19 =	vmul.f32 v30, v27;
	v16 =	vadd.f32 v16, v21;
	v18 =	vpop (erf);
	v22 =	vmul.f32 v1, v22  }
0x2b4: {  	v14 =	vmul.f32 $1.767766920e-01, v14;
	v28 =	vmul.f32 v18, v7  }
0x2b5: {  	v16 =	vmul.f32 $1.767766920e-01, v16;
	v20 =	vmul.f32 v4, v20;
	v13 =	vadd.f32 v22, v13;
	v21, _, _ =	vpop (xrf2)  }
0x2b6: {  	v17 =	vadd.f32 v19, v17;
	v15 =	vmul.f32 v18, v8;
	v19 =	vmul.f32 v5, v21  }
0x2b7: {  	v31 =	vmul.f32 v18, v9;
	v11 =	vadd.f32 v28, v11;
	v13 =	vadd.f32 v20, v13  }
0x2b8: {  	v14 =	vadd.f32 v15, v14  }
0x2b9: {  	v15 =	vadd.f32 v31, v16;
	(xrf2) =	vadd.scan.msk.f32 $0xffff, v11;
	v16, _, _ =	vpop (xrf2);
	v11 =	vadd.f32 v19, v13;
	v13 =	vmul.f32 v6, v41  }
0x2ba: {  	v18 =	vmul.f32 v18, v10;
	v17 =	vmul.f32 $1.767766920e-01, v17;
	(xrf2) =	vadd.scan.msk.f32 $0xffff, v14;
	v19 =	vpop (erf)  }
0x2bb: {  	(xrf2) =	vadd.scan.msk.f32 $0xffff, v15;
	v15 =	vshra.s32 v16, $0x1;
	v11 =	vadd.f32 v13, v11;
	v14 =	vmul.f32 v19, v12  }
0x2bc: {  	v17 =	vadd.f32 v18, v17;
	v13 =	vadd.s32 $0x1FBD1DF5, v15  }
0x2bd: {  	(erf) = vrcp.f32 v13;
	v11 =	vmul.f32 $1.442695020e+00, v11;
	v14 =	vadd.f32 v29, v14;
	_ =	sdelay $0x1  }
0x2be: {  	(xrf2) =	vadd.scan.msk.f32 $0xffff, v17;
	(erf) = vpow2.f32 v11;
	v14 =	vmul.f32 $5.000000000e-01, v14;
	_ =	sdelay $0x1  }
0x2bf: {  	(erf) = vrcp.f32 v14;
	_ =	sdelay $0x1  }
0x2c0: {  	v11, _, _ =	vpop (xrf2)  }
0x2c1: {  	v11 =	vperm.xlane v11, v2  }
0x2c2: {  	v15, _, _ =	vpop (xrf2)  }
0x2c3: {  	v15 =	vperm.xlane v15, v2;
	v19 =	vmul.f32 v1, v11;
	v18 =	vpop (erf)  }
0x2c4: {  	v17, _, _ =	vpop (xrf2);
	v18 =	vmul.f32 v18, v16  }
0x2c5: {  	v17 =	vperm.xlane v17, v2;
	v15 =	vmul.f32 v1, v15;
	(xrf2) =	vadd.scan.msk.f32 $0xffff, v19;
	v11 =	vpop (erf)  }
0x2c6: {  	v20, _, _ =	vpop (xrf2);
	v13 =	vadd.f32 v13, v18;
	v18 =	vmul.f32 v6, v11  }
0x2c7: {  	v17 =	vmul.f32 v1, v17;
	(xrf2) =	vadd.scan.msk.f32 $0xffff, v15;
	v15 =	vperm.xlane v20, v2;
	v19 =	vpop (erf)  }
0x2c8: {  	(xrf2) =	vadd.scan.msk.f32 $0xffff, v18;
	v19 =	vmul.f32 v19, v12  }
0x2c9: {  	v15 =	vmul.f32 v1, v15;
	(xrf2) =	vadd.scan.msk.f32 $0xffff, v17  }
0x2ca: {  	v14 =	vadd.f32 v19, v14  }
0x2cb: {  	v13 =	vmul.f32 $5.000000000e-01, v13;
	(xrf2) =	vadd.scan.msk.f32 $0xffff, v15;
	v15 =	vmul.f32 v5, v11  }
0x2cc: {  	v14 =	vmul.f32 $5.000000000e-01, v14  }
0x2cd: {  	(erf) = vrcp.f32 v13;
	v17 =	vld [tilespmem:s22+$0xFFFFFFF0]  }
0x2ce: {  	(erf) = vrcp.f32 v14  }
0x2cf: {  	(xrf2) =	vadd.scan.msk.f32 $0xffff, v15;
	v15, _, _ =	vpop (xrf2)  }
0x2d0: {  	v15 =	vmul.f32 v1, v15  }
0x2d1: {  	v18, _, _ =	vpop (xrf2)  }
0x2d2: {  	v15 =	vadd.f32 v15, v17;
	v17 =	vmul.f32 v4, v18;
	v19, _, _ =	vpop (xrf2)  }
0x2d3: {  	v20, _, _ =	vpop (xrf2)  }
0x2d4: {  	s23 =	simm.s32 $0x18B00;
	v15 =	vadd.f32 v17, v15;
	v17 =	vmul.f32 v5, v20  }
0x2d5: {  	v21 =	vld [tilespmem:s23+$0x0];
	s22 =	simm.s32 $0x1E000;
	v20, _, _ =	vpop (xrf2)  }
0x2d6: {  	v22 =	vld [tilespmem:s22+$0x0];
	v18 =	vpop (erf);
	v15 =	vadd.f32 v17, v15;
	v17 =	vmul.f32 v6, v20  }
0x2d7: {  	v19 =	vperm.xlane v19, v2;
	v18 =	vmul.f32 v18, v16;
	v23 =	vpop (erf)  }
0x2d8: {  	v12 =	vmul.f32 v23, v12  }
0x2d9: {  	v13 =	vadd.f32 v18, v13;
	v18 =	vmul.f32 v1, v19  }
0x2da: {  	v20 =	vmul.f32 v4, v11;
	v15 =	vadd.f32 v17, v15;
	v17, _, _ =	vpop (xrf2);
	v12 =	vadd.f32 v12, v14  }
0x2db: {  	v19 =	vmul.f32 $5.000000000e-01, v13;
	v13 =	vperm.xlane v17, v2;
	v14 =	vsub.f32 v21, v22  }
0x2dc: {  	s1 =	simm.s32 $0x175B0;
	v12 =	vmul.f32 $5.000000000e-01, v12  }
0x2dd: {  	v42 =	vld [tilespmem:s1+$0x10];
	s2 =	simm.s32 $0x1A2B0;
	(xrf2) =	vadd.scan.msk.f32 $0xffff, v20;
	v13 =	vmul.f32 v1, v13;
	v14 =	vmul.f32 v14, v14  }
0x2de: {  	v43 =	vld [tilespmem:s2+$0x0];
	v20 =	vmul.f32 v1, v11;
	(xrf2) =	vadd.scan.msk.f32 $0xffff, v18  }
0x2df: {  	v26 =	vld [tilespmem:s1+$0x20];
	v12 =	vadd.f32 v3, v12;
	(xrf2) =	vadd.scan.msk.f32 $0xffff, v13;
	v13 =	vadd.f32 v0, v14  }
0x2e0: {  	v24 =	vld [tilespmem:s2+$0x70];
	(xrf2) =	vadd.scan.msk.f32 $0xffff, v20  }
0x2e1: {  	v27 =	vld [tilespmem:s1+$0x30];
	v14 =	vmul.f32 $-1.000000000e+01, v12;
	(xrf2) =	vadd.scan.msk.f32 $0xffff, v13  }
0x2e2: {  	v28 =	vld [tilespmem:s2+$0x20]  }
0x2e3: {  	v18 =	vld [tilespmem:s22+$0xFFFFFFF0];
	v15 =	vmul.f32 $1.442695020e+00, v15;
	v12 =	vmul.f32 v14, v12  }
0x2e4: {  	(erf) = vrcp.f32 v19;
	v23 =	vld [tilespmem:s2+$0x60]  }
0x2e5: {  	v17 =	vld [tilespmem:s23+$0xFFFFFFF0];
	(erf) = vpow2.f32 v15;
	v12 =	vmul.f32 $1.442695020e+00, v12  }
0x2e6: {  	v21 =	vld [tilespmem:s1+$0x60]  }
0x2e7: {  	v22 =	vld [tilespmem:s1+$0x70];
	v15, _, _ =	vpop (xrf2);
	(erf) = vpow2.f32 v12  }
0x2e8: {  	v29 =	vld [tilespmem:s2+$0x30];
	v13, _, _ =	vpop (xrf2)  }
0x2e9: {  	v45 =	vld [tilespmem:s2+$0x10];
	v14, _, _ =	vpop (xrf2)  }
0x2ea: {  	v31 =	vld [tilespmem:s1+$0x0];
	v12, _, _ =	vpop (xrf2)  }
0x2eb: {  	v25 =	vld [tilespmem:s1+$0x40];
	v26 =	vmul.f32 v28, v26;
	v21 =	vmul.f32 v23, v21;
	v47, _, _ =	vpop (xrf2)  }
0x2ec: {  	v28 =	vld [tilespmem:s2+$0x50];
	v17 =	vsub.f32 v17, v18;
	v18 =	vmul.f32 v24, v22;
	v22 =	vperm.xlane v47, v2  }
0x2ed: {  	v27 =	vmul.f32 v29, v27;
	v23 =	vld [tilespmem:s1+$0x50];
	v30 =	vpop (erf)  }
0x2ee: {  	v29 =	vmul.f32 v45, v42;
	v24 =	vld [tilespmem:s2+$0x40];
	v17 =	vmul.f32 v17, v17;
	v18 =	vadd.f32 v18, v21;
	v20 =	vpop (erf)  }
0x2ef: {  	v26 =	vadd.f32 v27, v26;
	v27 =	vmul.f32 v43, v31;
	v44 =	vmul.f32 v5, v20  }
0x2f0: {  	v17 =	vadd.f32 v0, v17;
	v18 =	vmul.f32 $1.767766920e-01, v18;
	v21 =	vmul.f32 v1, v22;
	v22 =	vpop (erf)  }
0x2f1: {  	v46 =	vmul.f32 v6, v20;
	(xrf2) =	vadd.scan.msk.f32 $0xffff, v44;
	v31 =	vmul.f32 v22, v10  }
0x2f2: {  	v26 =	vmul.f32 $1.767766920e-01, v26;
	v27 =	vadd.f32 v29, v27;
	(xrf2) =	vadd.scan.msk.f32 $0xffff, v17;
	v48 =	vmul.f32 v22, v8  }
0x2f3: {  	v23 =	vmul.f32 v28, v23;
	v17 =	vmul.f32 v24, v25;
	(xrf2) =	vadd.scan.msk.f32 $0xffff, v46;
	v18 =	vadd.f32 v31, v18  }
0x2f4: {  	v16 =	vmul.f32 v30, v16;
	(xrf2) =	vadd.scan.msk.f32 $0xffff, v21;
	v21 =	vadd.f32 v48, v26  }
0x2f5: {  	v24 =	vmul.f32 $1.767766920e-01, v27;
	v17 =	vadd.f32 v23, v17;
	v25 =	vmul.f32 v22, v7;
	(xrf2) =	vadd.scan.msk.f32 $0xffff, v18  }
0x2f6: {  	(xrf2) =	vadd.scan.msk.f32 $0xffff, v21  }
0x2f7: {  	v16 =	vadd.f32 v16, v19;
	v17 =	vmul.f32 $1.767766920e-01, v17;
	v18 =	vadd.f32 v25, v24  }
0x2f8: {  	v19 =	vmul.f32 v22, v9  }
0x2f9: {  	v16 =	vmul.f32 $5.000000000e-01, v16;
	(xrf2) =	vadd.scan.msk.f32 $0xffff, v18  }
0x2fa: {  	v18 =	vadd.f32 v19, v17  }
0x2fb: {  	v17, _, _ =	vpop (xrf2)  }
0x2fc: {  	v21, _, _ =	vpop (xrf2)  }
0x2fd: {  	v19 =	vadd.f32 v3, v16;
	(xrf2) =	vadd.scan.msk.f32 $0xffff, v18;
	v16, _, _ =	vpop (xrf2)  }
0x2fe: {  	v18, _, _ =	vpop (xrf2)  }
0x2ff: {  	v22 =	vmul.f32 $-1.000000000e+01, v19;
	v23, _, _ =	vpop (xrf2)  }
0x300: {  	v25, _, _ =	vpop (xrf2)  }
0x301: {  	v29 =	vld [tilespmem:s1+$0xFFFFFFA0];
	v19 =	vmul.f32 v22, v19;
	v25 =	vperm.xlane v25, v2  }
0x302: {  	v30 =	vld [tilespmem:s2+$0xFFFFFFB0];
	v23 =	vperm.xlane v23, v2  }
0x303: {  	v28 =	vld [tilespmem:s1+$0xFFFFFF80];
	v19 =	vmul.f32 $1.442695020e+00, v19;
	v27, _, _ =	vpop (xrf2);
	v25 =	vmul.f32 v1, v25  }
0x304: {  	v26 =	vld [tilespmem:s2+$0xFFFFFF90];
	v23 =	vmul.f32 v1, v23;
	v27 =	vperm.xlane v27, v2  }
0x305: {  	v24 =	vld [tilespmem:s2+$0xFFFFFF80]  }
0x306: {  	v22 =	vld [tilespmem:s1+$0xFFFFFF90];
	(erf) = vpow2.f32 v19;
	(xrf2) =	vadd.scan.msk.f32 $0xffff, v23;
	v23 =	vmul.f32 v1, v27  }
0x307: {  	v19 =	vld [tilespmem:s1+$0xFFFFFFB0];
	(xrf2) =	vadd.scan.msk.f32 $0xffff, v25;
	v25, _, _ =	vpop (xrf2)  }
0x308: {  	v27 =	vld [tilespmem:s2+$0xFFFFFFA0];
	(xrf2) =	vadd.scan.msk.f32 $0xffff, v23;
	v25 =	vperm.xlane v25, v2  }
0x309: {  	v49 =	vld [tilespmem:s2+$0xFFFFFFC0]  }
0x30a: {  	v50 =	vld [tilespmem:s2+$0xFFFFFFD0];
	v25 =	vmul.f32 v1, v25  }
0x30b: {  	v51 =	vld [tilespmem:s2+$0xFFFFFFE0];
	v21 =	vperm.xlane v21, v2  }
0x30c: {  	v31 =	vld [tilespmem:s1+$0xFFFFFFD0];
	v24 =	vmul.f32 v24, v28;
	v22 =	vmul.f32 v26, v22;
	(xrf2) =	vadd.scan.msk.f32 $0xffff, v25  }
0x30d: {  	v26 =	vld [tilespmem:s1+$0xFFFFFFF0];
	v19 =	vmul.f32 v30, v19;
	v27 =	vmul.f32 v27, v29  }
0x30e: {  	v21 =	vmul.f32 v1, v21;
	v22 =	vadd.f32 v22, v24;
	v23 =	vld [tilespmem:s1+$0xFFFFFFC0]  }
0x30f: {  	s14 =	simm.s32 $0x1E4E0;
	v28 =	vpop (erf);
	v29 =	vld [tilespmem:s2+$0xFFFFFFF0];
	v19 =	vadd.f32 v19, v27  }
0x310: {  	v22 =	vmul.f32 $1.767766920e-01, v22;
	v52 =	vmul.f32 v28, v7;
	(xrf2) =	vadd.scan.msk.f32 $0xffff, v21;
	v21 =	vld [tilespmem:s14+$0x0];
	v24, _, _ =	vpop (xrf2)  }
0x311: {  	v53 =	vmul.f32 v28, v8;
	v25 =	vld [tilespmem:s1+$0xFFFFFFE0];
	v19 =	vmul.f32 $1.767766920e-01, v19;
	v30, _, _ =	vpop (xrf2)  }
0x312: {  	v22 =	vadd.f32 v52, v22;
	v54, _, _ =	vpop (xrf2)  }
0x313: {  	v19 =	vadd.f32 v53, v19;
	v37 =	vmul.f32 v1, v54  }
0x314: {  	v31 =	vmul.f32 v50, v31;
	v23 =	vmul.f32 v49, v23;
	(xrf2) =	vadd.scan.msk.f32 $0xffff, v22  }
0x315: {  	v30 =	vmul.f32 v4, v30;
	(xrf2) =	vadd.scan.msk.f32 $0xffff, v19;
	v19 =	vshra.s32 v18, $0x1;
	v21 =	vadd.f32 v37, v21  }
0x316: {  	v26 =	vmul.f32 v29, v26;
	v25 =	vmul.f32 v51, v25;
	v19 =	vadd.s32 $0x1FBD1DF5, v19;
	v29, _, _ =	vpop (xrf2)  }
0x317: {  	(erf) = vrcp.f32 v19;
	v21 =	vadd.f32 v30, v21;
	v29 =	vmul.f32 v5, v29  }
0x318: {  	v27 =	vmul.f32 v28, v9;
	v25 =	vadd.f32 v26, v25  }
0x319: {  	v23 =	vadd.f32 v31, v23;
	v24 =	vmul.f32 v6, v24;
	v21 =	vadd.f32 v29, v21  }
0x31a: {  	v28 =	vmul.f32 v28, v10;
	v25 =	vmul.f32 $1.767766920e-01, v25;
	v22, _, _ =	vpop (xrf2)  }
0x31b: {  	v23 =	vmul.f32 $1.767766920e-01, v23;
	v26 =	vshra.s32 v22, $0x1;
	v21 =	vadd.f32 v24, v21  }
0x31c: {  	v25 =	vadd.f32 v28, v25;
	v24 =	vadd.s32 $0x1FBD1DF5, v26  }
0x31d: {  	v23 =	vadd.f32 v27, v23;
	(erf) = vrcp.f32 v24;
	v21 =	vmul.f32 $1.442695020e+00, v21;
	_ =	sdelay $0x1  }
0x31e: {  	(xrf2) =	vadd.scan.msk.f32 $0xffff, v23;
	(erf) = vpow2.f32 v21  }
0x31f: {  	(xrf2) =	vadd.scan.msk.f32 $0xffff, v25;
	v25 =	vpop (erf)  }
0x320: {  	v25 =	vmul.f32 v25, v18  }
0x321: {  	v21, _, _ =	vpop (xrf2)  }
0x322: {  	v25 =	vadd.f32 v19, v25;
	v21 =	vperm.xlane v21, v2;
	v23, _, _ =	vpop (xrf2)  }
0x323: {  	v23 =	vperm.xlane v23, v2  }
0x324: {  	v25 =	vmul.f32 $5.000000000e-01, v25;
	v21 =	vmul.f32 v1, v21  }
0x325: {  	v30 =	vmul.f32 v4, v20;
	v23 =	vmul.f32 v1, v23;
	v28 =	vpop (erf)  }
0x326: {  	s24 =	simm.s32 $0x1C9B0;
	(erf) = vrcp.f32 v25;
	(xrf2) =	vadd.scan.msk.f32 $0xffff, v21;
	v28 =	vmul.f32 v28, v22  }
0x327: {  	v56 =	vld [tilespmem:s24+$0x60];
	v27 =	vperm.xlane v15, v2;
	(xrf2) =	vadd.scan.msk.f32 $0xffff, v23;
	v19 =	vpop (erf)  }
0x328: {  	v17 =	vperm.xlane v17, v2;
	v31 =	vld [tilespmem:s24+$0x30];
	v21, _, _ =	vpop (xrf2);
	(xrf2) =	vadd.scan.msk.f32 $0xffff, v30;
	v24 =	vadd.f32 v24, v28;
	v28 =	vmul.f32 v6, v19  }
0x329: {  	v27 =	vmul.f32 v1, v27;
	v26 =	vld [tilespmem:s24+$0x70];
	v21 =	vperm.xlane v21, v2;
	v55, _, _ =	vpop (xrf2)  }
0x32a: {  	v29 =	vld [tilespmem:s24+$0x20];
	v32 =	vperm.xlane v55, v2;
	v24 =	vmul.f32 $5.000000000e-01, v24;
	(xrf2) =	vadd.scan.msk.f32 $0xffff, v28  }
0x32b: {  	v16 =	vperm.xlane v16, v2;
	v15 =	vadd.f32 v15, v27;
	v27 =	vld [tilespmem:s24+$0x0];
	v21 =	vmul.f32 v1, v21  }
0x32c: {  	v23 =	vld [tilespmem:s24+$0x40];
	v28 =	vmul.f32 v1, v32;
	(erf) = vrcp.f32 v24  }
0x32d: {  	v59 =	vmul.f32 v1, v17;
	v60 =	vmul.f32 v1, v16;
	v30 =	vld [tilespmem:s24+$0x50]  }
0x32e: {  	v31 =	vmul.f32 v15, v31;
	v26 =	vmul.f32 v13, v26;
	(xrf2) =	vadd.scan.msk.f32 $0xffff, v21  }
0x32f: {  	s26 =	simm.s32 $0x1E7C0;
	v29 =	vmul.f32 v15, v29;
	v13 =	vmul.f32 v13, v56;
	v17 =	vpop (erf);
	v21 =	vld [tilespmem:s24+$0x10]  }
0x330: {  	v57 =	vmul.f32 v5, v19;
	[tilespmem:s26+$0x70] =	vst v26;
	v17 =	vmul.f32 v17, v18;
	(xrf2) =	vadd.scan.msk.f32 $0xffff, v28;
	v28, _, _ =	vpop (xrf2)  }
0x331: {  	v61 =	vmul.f32 v4, v19;
	v23 =	vmul.f32 v14, v23;
	[tilespmem:s26+$0x80] =	vst v11;
	v58, _, _ =	vpop (xrf2)  }
0x332: {  	v14 =	vmul.f32 v14, v30;
	v30 =	vld [tilespmem:s14+$0xFFFFFFF0];
	v26 =	vmul.f32 v12, v27;
	[tilespmem:s26+$0x20] =	vst v29;
	v25 =	vadd.f32 v17, v25;
	v27, _, _ =	vpop (xrf2)  }
0x333: {  	[tilespmem:s26+$0x30] =	vst v31;
	v16 =	vmul.f32 v1, v28;
	(xrf2) =	vadd.scan.msk.f32 $0xffff, v57;
	v29 =	vperm.xlane v27, v2  }
0x334: {  	[tilespmem:s26+$0x0] =	vst v26;
	v28 =	vld [tilespmem:s24+$0xFFFFFFA0];
	v26 =	vmul.f32 $5.000000000e-01, v25;
	v21 =	vmul.f32 v12, v21;
	v31, _, _ =	vpop (xrf2)  }
0x335: {  	[tilespmem:s26+$0x60] =	vst v13;
	v62 =	vpop (erf);
	v29 =	vmul.f32 v1, v29;
	v31 =	vperm.xlane v31, v2  }
0x336: {  	v11 =	vld [tilespmem:s24+$0xFFFFFF80];
	[tilespmem:s26+$0x40] =	vst v23;
	v33 =	vmul.f32 v4, v58;
	(xrf2) =	vadd.scan.msk.f32 $0xffff, v61;
	v36 =	vmul.f32 v62, v22  }
0x337: {  	v13 =	vld [tilespmem:s24+$0xFFFFFFF0];
	v30 =	vadd.f32 v16, v30;
	[tilespmem:s26+$0x10] =	vst v21;
	v29 =	vadd.f32 v27, v29;
	v21 =	vmul.f32 v1, v31  }
0x338: {  	v23 =	vld [tilespmem:s24+$0xFFFFFFB0];
	[tilespmem:s26+$0x50] =	vst v14;
	(erf) = vrcp.f32 v26;
	v14, _, _ =	vpop (xrf2);
	v24 =	vadd.f32 v36, v24  }
0x339: {  	v17 =	vld [tilespmem:s24+$0xFFFFFFD0];
	v30 =	vadd.f32 v33, v30;
	v63 =	vmul.f32 v5, v14;
	v28 =	vmul.f32 v29, v28;
	(xrf2) =	vadd.scan.msk.f32 $0xffff, v21  }
0x33a: {  	v12 =	vld [tilespmem:s24+$0xFFFFFF90];
	v25, _, _ =	vpop (xrf2);
	v27 =	vmul.f32 $5.000000000e-01, v24  }
0x33b: {  	v16 =	vld [tilespmem:s24+$0xFFFFFFC0];
	v25 =	vmul.f32 v6, v25;
	v30 =	vadd.f32 v63, v30  }
0x33c: {  	v14 =	vld [tilespmem:s24+$0xFFFFFFE0];
	[tilespmem:s26+$0xFFFFFFF0] =	vst v20;
	s24 =	simm.s32 $0x1CAB0;
	(xrf2) =	vadd.scan.msk.f32 $0xffff, v59;
	(erf) = vrcp.f32 v27  }
0x33d: {  	v15 =	vmul.f32 v1, v20;
	v23 =	vmul.f32 v29, v23;
	v20 =	vld [tilespmem:s24+$0x0];
	[tilespmem:s26+$0xFFFFFF90] =	vst v28;
	v24 =	vadd.f32 v25, v30;
	v28, _, _ =	vpop (xrf2)  }
0x33e: {  	v21 =	vld [tilespmem:s24+$0x10];
	v28 =	vperm.xlane v28, v2  }
0x33f: {  	s13 =	simm.s32 $0x1E7C0;
	s20 =	simm.s32 $0x18B20;
	s23 =	simm.s32 $0x4;
	[tilespmem:s26+$0xFFFFFFA0] =	vst v23;
	v23 =	vld [tilespmem:s24+$0x70];
	v25 =	vmul.f32 v1, v19;
	(xrf2) =	vadd.scan.msk.f32 $0xffff, v60;
	v29 =	vmul.f32 $1.442695020e+00, v24  }
.LBB2_5:
0x340: {  	v24 =	vld [tilespmem:s20+$0x0];
	s22 =	sadd.s32 $0x20, s22;
	v28 =	vmul.f32 v1, v28;
	v30, _, _ =	vpop (xrf2)  }
0x341: {  	v31 =	vld [tilespmem:s22+$0x0];
	v32 =	vpop (erf);
	v34 =	vperm.xlane v30, v2;
	(erf) = vpow2.f32 v29  }
0x342: {  	v18 =	vmul.f32 v32, v18;
	v29 =	vld [tilespmem:s24+$0x20];
	(xrf2) =	vadd.scan.msk.f32 $0xffff, v28  }
0x343: {  	v28 =	vld [tilespmem:s24+$0x30];
	v32 =	vmul.f32 v1, v34;
	v33, _, _ =	vpop (xrf2)  }
0x344: {  	v18 =	vadd.f32 v18, v26;
	v26 =	vld [tilespmem:s24+$0x40];
	v36 =	vmul.f32 v33, v23  }
0x345: {  	s26 =	sadd.s32 $0x120, s26;
	v34 =	vpop (erf);
	v35 =	vld [tilespmem:s24+$0x50];
	v30 =	vadd.f32 v30, v32;
	(xrf2) =	vadd.scan.msk.f32 $0xffff, v15  }
0x346: {  	v15 =	vsub.f32 v24, v31;
	v22 =	vmul.f32 v34, v22;
	v18 =	vmul.f32 $5.000000000e-01, v18;
	v24 =	vld [tilespmem:s24+$0x60];
	[tilespmem:s26+$0x70] =	vst v36;
	v23, _, _ =	vpop (xrf2)  }
0x347: {  	v31 =	vld [tilespmem:s20+$0xFFFFFFF0];
	[tilespmem:s26+$0x80] =	vst v19;
	v32 =	vmul.f32 v23, v16;
	v17 =	vmul.f32 v23, v17  }
0x348: {  	v23 =	vld [tilespmem:s22+$0xFFFFFFF0];
	v15 =	vmul.f32 v15, v15;
	v19 =	vadd.f32 v22, v27;
	v18 =	vadd.f32 v3, v18;
	(xrf2) =	vadd.scan.msk.f32 $0xffff, v25  }
0x349: {  	v27 =	vmul.f32 v30, v29;
	v28 =	vmul.f32 v30, v28;
	v25 =	vld [tilespmem:s24+$0xFFFFFF80];
	[tilespmem:s13+$0xFFFFFFB0] =	vst v32;
	v16, _, _ =	vpop (xrf2)  }
0x34a: {  	s1 =	sadd.s32 $0x100, s1;
	v15 =	vadd.f32 v0, v15;
	v19 =	vmul.f32 $5.000000000e-01, v19;
	v37 =	vmul.f32 $-1.000000000e+01, v18;
	v30 =	vld [tilespmem:s24+$0xFFFFFF90];
	v22 =	vpop (erf);
	[tilespmem:s13+$0xFFFFFFC0] =	vst v17  }
0x34b: {  	v17 =	vld [tilespmem:s1+$0x60];
	v32 =	vmul.f32 v5, v22;
	v34 =	vmul.f32 v6, v22;
	[tilespmem:s26+$0x20] =	vst v27  }
0x34c: {  	s2 =	sadd.s32 $0x100, s2;
	(xrf2) =	vadd.scan.msk.f32 $0xffff, v15;
	v27 =	vadd.f32 v3, v19;
	v36 =	vld [tilespmem:s1+$0x70];
	v18 =	vmul.f32 v37, v18;
	v19 =	vmul.f32 v4, v22;
	v29, _, _ =	vpop (xrf2)  }
0x34d: {  	v39 =	vmul.f32 v16, v14;
	v15 =	vmul.f32 v1, v22;
	v23 =	vsub.f32 v31, v23;
	v31 =	vld [tilespmem:s2+$0x60];
	[tilespmem:s26+$0x30] =	vst v28  }
0x34e: {  	v28 =	vmul.f32 $-1.000000000e+01, v27;
	v37 =	vld [tilespmem:s2+$0x70];
	v18 =	vmul.f32 $1.442695020e+00, v18  }
0x34f: {  	v13 =	vmul.f32 v16, v13;
	v23 =	vmul.f32 v23, v23;
	v38 =	vld [tilespmem:s1+$0x40];
	[tilespmem:s13+$0xFFFFFFD0] =	vst v39;
	v14, _, _ =	vpop (xrf2)  }
0x350: {  	v16 =	vmul.f32 v28, v27;
	v27 =	vld [tilespmem:s1+$0x20];
	(erf) = vpow2.f32 v18;
	(xrf2) =	vadd.scan.msk.f32 $0xffff, v32  }
0x351: {  	v26 =	vmul.f32 v29, v26;
	v28 =	vmul.f32 v29, v35;
	v18 =	vadd.f32 v0, v23;
	v23 =	vld [tilespmem:s1+$0x30];
	[tilespmem:s13+$0xFFFFFFE0] =	vst v13  }
0x352: {  	v24 =	vmul.f32 v33, v24;
	v13 =	vmul.f32 $1.442695020e+00, v16;
	v16 =	vld [tilespmem:s2+$0x20];
	v29, _, _ =	vpop (xrf2)  }
0x353: {  	(xrf2) =	vadd.scan.msk.f32 $0xffff, v18;
	v18 =	vld [tilespmem:s2+$0x30];
	[tilespmem:s26+$0x40] =	vst v26;
	v26 =	vmul.f32 v14, v11;
	v14 =	vmul.f32 v14, v12;
	v11 =	vmovc v25  }
0x354: {  	v20 =	vmul.f32 v29, v20;
	v21 =	vmul.f32 v29, v21;
	v12 =	vmov v30;
	v25 =	vld [tilespmem:s1+$0x0];
	[tilespmem:s26+$0x50] =	vst v28  }
0x355: {  	v28 =	vld [tilespmem:s1+$0x10];
	(erf) = vpow2.f32 v13;
	[tilespmem:s26+$0x60] =	vst v24  }
0x356: {  	v17 =	vmul.f32 v31, v17;
	v29 =	vmul.f32 v37, v36;
	v13, _, _ =	vpop (xrf2);
	v24 =	vld [tilespmem:s2+$0x0];
	(xrf2) =	vadd.scan.msk.f32 $0xffff, v34;
	[tilespmem:s13+$0xFFFFFF70] =	vst v26  }
0x357: {  	v13 =	vperm.xlane v13, v2;
	v26 =	vld [tilespmem:s2+$0x10];
	[tilespmem:s13+$0xFFFFFF80] =	vst v14;
	s13 =	smov.u32 s26  }
0x358: {  	v17 =	vadd.f32 v29, v17;
	v16 =	vmul.f32 v16, v27;
	v14 =	vld [tilespmem:s1+$0x50];
	[tilespmem:s26+$0x0] =	vst v20  }
0x359: {  	v18 =	vmul.f32 v18, v23;
	v13 =	vmul.f32 v1, v13;
	v27 =	vld [tilespmem:s2+$0x40];
	v23 =	vpop (erf);
	[tilespmem:s26+$0x10] =	vst v21  }
0x35a: {  	v17 =	vmul.f32 $1.767766920e-01, v17;
	v21 =	vld [tilespmem:s2+$0x50];
	v30 =	vmul.f32 v23, v10;
	v29, _, _ =	vpop (xrf2)  }
0x35b: {  	v16 =	vadd.f32 v18, v16;
	(xrf2) =	vadd.scan.msk.f32 $0xffff, v13;
	v13 =	vld [tilespmem:s1+$0xFFFFFF90];
	v18 =	vperm.xlane v29, v2  }
0x35c: {  	v24 =	vmul.f32 v24, v25;
	v29 =	vld [tilespmem:s2+$0xFFFFFF80];
	v32 =	vmul.f32 v26, v28;
	v17 =	vadd.f32 v30, v17  }
0x35d: {  	v33 =	vmul.f32 v23, v8;
	v16 =	vmul.f32 $1.767766920e-01, v16;
	v20, _, _ =	vpop (xrf2);
	v26 =	vld [tilespmem:s2+$0xFFFFFF90]  }
0x35e: {  	v30 =	vperm.xlane v20, v2;
	v31 =	vld [tilespmem:s1+$0xFFFFFF80];
	v24 =	vadd.f32 v32, v24;
	v25 =	vpop (erf);
	(xrf2) =	vadd.scan.msk.f32 $0xffff, v17;
	v20 =	vmul.f32 v1, v18  }
0x35f: {  	v16 =	vadd.f32 v33, v16;
	v18 =	vmul.f32 v27, v38;
	v17 =	vld [tilespmem:s1+$0xFFFFFFA0];
	v14 =	vmul.f32 v21, v14  }
0x360: {  	v27 =	vmul.f32 v23, v7;
	v21 =	vld [tilespmem:s1+$0xFFFFFFB0];
	v24 =	vmul.f32 $1.767766920e-01, v24;
	v28, _, _ =	vpop (xrf2)  }
0x361: {  	v33 =	vmul.f32 v25, v7;
	v30 =	vmul.f32 v1, v30;
	v32 =	vld [tilespmem:s2+$0xFFFFFFA0];
	(xrf2) =	vadd.scan.msk.f32 $0xffff, v16  }
0x362: {  	v14 =	vadd.f32 v14, v18;
	v16 =	vld [tilespmem:s2+$0xFFFFFFB0];
	v13 =	vmul.f32 v26, v13;
	v24 =	vadd.f32 v27, v24  }
0x363: {  	s23 =	sadd.s32 $0x2, s23;
	v26 =	vld [tilespmem:s1+$0xFFFFFFC0];
	v27 =	vmul.f32 v29, v31;
	v29 =	vmul.f32 v25, v8  }
0x364: {  	p0 =	slt.u32 s23, $0x26;
	v23 =	vmul.f32 v23, v9;
	v14 =	vmul.f32 $1.767766920e-01, v14;
	v31 =	vld [tilespmem:s1+$0xFFFFFFD0];
	(xrf2) =	vadd.scan.msk.f32 $0xffff, v24  }
0x365: {  	v18, _, _ =	vpop (xrf2);
	v34 =	vld [tilespmem:s2+$0xFFFFFFC0];
	v13 =	vadd.f32 v13, v27;
	v27 =	vmul.f32 v25, v9;
	v25 =	vmul.f32 v25, v10  }
0x366: {  	v24 =	vadd.f32 v23, v14;
	v23 =	vperm.xlane v28, v2;
	v35 =	vld [tilespmem:s2+$0xFFFFFFD0];
	v17 =	vmul.f32 v32, v17  }
0x367: {  	v28 =	vld [tilespmem:s1+$0xFFFFFFE0];
	v13 =	vmul.f32 $1.767766920e-01, v13;
	v16 =	vmul.f32 v16, v21  }
0x368: {  	v32 =	vld [tilespmem:s1+$0xFFFFFFF0];
	(xrf2) =	vadd.scan.msk.f32 $0xffff, v24;
	v14, _, _ =	vpop (xrf2);
	v24 =	vmul.f32 v1, v23  }
0x369: {  	v36 =	vld [tilespmem:s2+$0xFFFFFFE0];
	v33 =	vadd.f32 v33, v13;
	v13 =	vadd.f32 v16, v17;
	v14 =	vperm.xlane v14, v2  }
0x36a: {  	v37 =	vld [tilespmem:s2+$0xFFFFFFF0];
	v16 =	vmul.f32 v34, v26  }
0x36b: {  	v17 =	vmul.f32 v35, v31;
	v34 =	vmul.f32 v1, v14;
	v21, _, _ =	vpop (xrf2);
	v23 =	vld [tilespmem:s24+$0xFFFFFFA0]  }
0x36c: {  	v13 =	vmul.f32 $1.767766920e-01, v13;
	v26 =	vperm.xlane v21, v2;
	v21 =	vld [tilespmem:s24+$0xFFFFFFB0]  }
0x36d: {  	v31 =	vadd.f32 v17, v16;
	(xrf2) =	vadd.scan.msk.f32 $0xffff, v34;
	v16 =	vld [tilespmem:s24+$0xFFFFFFC0]  }
0x36e: {  	v29 =	vadd.f32 v29, v13;
	v28 =	vmul.f32 v36, v28;
	v13 =	vmul.f32 v1, v26;
	v14, _, _ =	vpop (xrf2);
	v17 =	vld [tilespmem:s24+$0xFFFFFFD0]  }
0x36f: {  	v26 =	vmul.f32 v37, v32;
	v32 =	vperm.xlane v14, v2;
	v14 =	vld [tilespmem:s24+$0xFFFFFFE0]  }
0x370: {  	v31 =	vmul.f32 $1.767766920e-01, v31;
	(xrf2) =	vadd.scan.msk.f32 $0xffff, v13;
	v13 =	vld [tilespmem:s24+$0xFFFFFFF0];
	[tilespmem:s26+$0xFFFFFFF0] =	vst v22  }
0x371: {  	v22 =	vadd.f32 v26, v28;
	v26 =	vmul.f32 v1, v32  }
0x372: {  	v27 =	vadd.f32 v27, v31;
	v28, _, _ =	vpop (xrf2)  }
0x373: {  	v22 =	vmul.f32 $1.767766920e-01, v22;
	v28 =	vperm.xlane v28, v2;
	(xrf2) =	vadd.scan.msk.f32 $0xffff, v26;
	_ =	sdelay $0x1  }
0x374: {  	v25 =	vadd.f32 v25, v22;
	v22 =	vmul.f32 v1, v28;
	_ =	sdelay $0x1  }
0x375: {  	(xrf2) =	vadd.scan.msk.f32 $0xffff, v22;
	v26, _, _ =	vpop (xrf2);
	_ =	sdelay $0x2  }
0x376: {  	s14 =	sadd.s32 $0x20, s14;
	(xrf2) =	vadd.scan.msk.f32 $0xffff, v30;
	v22, _, _ =	vpop (xrf2)  }
0x377: {  	v28 =	vld [tilespmem:s14+$0x0]  }
0x378: {  	v30 =	vld [tilespmem:s14+$0xFFFFFFF0]  }
0x379: {  	(xrf2) =	vadd.scan.msk.f32 $0xffff, v33;
	v31, _, _ =	vpop (xrf2)  }
0x37a: {  	v31 =	vmul.f32 v1, v31;
	_ =	sdelay $0x1  }
0x37b: {  	v22 =	vmul.f32 v4, v22;
	v28 =	vadd.f32 v31, v28;
	(xrf2) =	vadd.scan.msk.f32 $0xffff, v29  }
0x37c: {  	v29, _, _ =	vpop (xrf2)  }
0x37d: {  	v31 =	vshra.s32 v18, $0x1;
	v28 =	vadd.f32 v22, v28;
	v29 =	vmul.f32 v5, v29  }
0x37e: {  	v31 =	vadd.s32 $0x1FBD1DF5, v31  }
0x37f: {  	v26 =	vmul.f32 v6, v26;
	v22, _, _ =	vpop (xrf2);
	(erf) = vrcp.f32 v31;
	v29 =	vadd.f32 v29, v28;
	(xrf2) =	vadd.scan.msk.f32 $0xffff, v27  }
0x380: {  	v27 =	vshra.s32 v22, $0x1  }
0x381: {  	v27 =	vadd.s32 $0x1FBD1DF5, v27;
	v26 =	vadd.f32 v26, v29  }
0x382: {  	(erf) = vrcp.f32 v27;
	v28, _, _ =	vpop (xrf2);
	(xrf2) =	vadd.scan.msk.f32 $0xffff, v25  }
0x383: {  	v25 =	vperm.xlane v28, v2;
	v26 =	vmul.f32 $1.442695020e+00, v26;
	_ =	sdelay $0x1  }
0x384: {  	v29 =	vmul.f32 v1, v25;
	v28, _, _ =	vpop (xrf2);
	(erf) = vpow2.f32 v26  }
0x385: {  	v26 =	vperm.xlane v28, v2  }
0x386: {  	(xrf2) =	vadd.scan.msk.f32 $0xffff, v29  }
0x387: {  	v25 =	vpop (erf);
	v29 =	vmul.f32 v1, v26  }
0x388: {  	v25 =	vmul.f32 v25, v18;
	v28, _, _ =	vpop (xrf2)  }
0x389: {  	v28 =	vperm.xlane v28, v2;
	(xrf2) =	vadd.scan.msk.f32 $0xffff, v29  }
0x38a: {  	v25 =	vadd.f32 v31, v25;
	v26 =	vpop (erf)  }
0x38b: {  	v26 =	vmul.f32 v26, v22;
	v28 =	vmul.f32 v1, v28;
	v29, _, _ =	vpop (xrf2)  }
0x38c: {  	v31 =	vmul.f32 $5.000000000e-01, v25;
	v25 =	vperm.xlane v29, v2;
	(xrf2) =	vadd.scan.msk.f32 $0xffff, v19  }
0x38d: {  	v26 =	vadd.f32 v27, v26;
	v19 =	vpop (erf)  }
0x38e: {  	(erf) = vrcp.f32 v31;
	v27 =	vmul.f32 v6, v19  }
0x38f: {  	v29 =	vmul.f32 $5.000000000e-01, v26;
	v26 =	vmul.f32 v1, v25  }
0x390: {  	v32 =	vmul.f32 v4, v19;
	v33 =	vmul.f32 v5, v19;
	v25, _, _ =	vpop (xrf2);
	(xrf2) =	vadd.scan.msk.f32 $0xffff, v27  }
0x391: {  	v27 =	vmul.f32 v1, v25;
	v25 =	vmul.f32 v1, v19  }
0x392: {  	(erf) = vrcp.f32 v29  }
0x393: {  	v27 =	vadd.f32 v27, v30;
	v30, _, _ =	vpop (xrf2);
	(xrf2) =	vadd.scan.msk.f32 $0xffff, v28  }
0x394: {  	v28 =	vmul.f32 v4, v30;
	_ =	sdelay $0x1  }
0x395: {  	v28 =	vadd.f32 v28, v27;
	(xrf2) =	vadd.scan.msk.f32 $0xffff, v26;
	v26, _, _ =	vpop (xrf2)  }
0x396: {  	v27 =	vpop (erf);
	v30 =	vperm.xlane v26, v2  }
0x397: {  	v27 =	vmul.f32 v27, v18  }
0x398: {  	(xrf2) =	vadd.scan.msk.f32 $0xffff, v33;
	v30 =	vmul.f32 v1, v30  }
0x399: {  	v27 =	vadd.f32 v27, v31;
	v31, _, _ =	vpop (xrf2)  }
0x39a: {  	v33 =	vpop (erf);
	v34 =	vperm.xlane v31, v2;
	v30 =	vadd.f32 v26, v30  }
0x39b: {  	v33 =	vmul.f32 v33, v22;
	v26 =	vmul.f32 $5.000000000e-01, v27;
	(xrf2) =	vadd.scan.msk.f32 $0xffff, v32  }
0x39c: {  	v27 =	vmul.f32 v1, v34;
	v31, _, _ =	vpop (xrf2);
	v23 =	vmul.f32 v30, v23  }
0x39d: {  	v29 =	vadd.f32 v33, v29;
	(erf) = vrcp.f32 v26;
	v31 =	vmul.f32 v5, v31  }
0x39e: {  	v21 =	vmul.f32 v30, v21;
	(xrf2) =	vadd.scan.msk.f32 $0xffff, v27;
	[tilespmem:s26+$0xFFFFFF90] =	vst v23  }
0x39f: {  	v27 =	vmul.f32 $5.000000000e-01, v29;
	v23 =	vadd.f32 v31, v28;
	v28, _, _ =	vpop (xrf2)  }
.Ltmp1:
0x3a0: {  	v29 =	vmul.f32 v6, v28;
	[tilespmem:s26+$0xFFFFFFA0] =	vst v21;
	(pc) =	sbr.rel @p0 .LBB2_5-.Ltmp1, $4  }
0x3a1: {  	s24 =	sadd.s32 $0x100, s24;
	(erf) = vrcp.f32 v27;
	(xrf2) =	vadd.scan.msk.f32 $0xffff, v20  }
0x3a2: {  	v23 =	vadd.f32 v29, v23;
	v20 =	vld [tilespmem:s24+$0x0];
	v28, _, _ =	vpop (xrf2)  }
0x3a3: {  	v21 =	vld [tilespmem:s24+$0x10];
	v28 =	vperm.xlane v28, v2  }
0x3a4: {  	s20 =	sadd.s32 $0x20, s20;
	v29 =	vmul.f32 $1.442695020e+00, v23;
	v23 =	vld [tilespmem:s24+$0x70];
	(xrf2) =	vadd.scan.msk.f32 $0xffff, v24  }
0x3a5: {  	_ = 	snop  }
0x3a6: {  	v24 =	vpop (erf)  }
0x3a7: {  	v18 =	vmul.f32 v24, v18  }
0x3a8: {  	s20 =	sadd.s32 $0x100, s1  }
0x3a9: {  	v60 =	vld [tilespmem:s20+$0x60];
	v18 =	vadd.f32 v18, v26  }
0x3aa: {  	s2 =	sadd.s32 $0x100, s2;
	v61 =	vld [tilespmem:s20+$0x70]  }
0x3ab: {  	v31 =	vld [tilespmem:s2+$0x60];
	v18 =	vmul.f32 $5.000000000e-01, v18  }
0x3ac: {  	v32 =	vld [tilespmem:s2+$0x70]  }
0x3ad: {  	v62 =	vld [tilespmem:s20+$0x40];
	v18 =	vadd.f32 v3, v18  }
0x3ae: {  	v33 =	vld [tilespmem:s20+$0x20]  }
0x3af: {  	v63 =	vld [tilespmem:s20+$0x30];
	v30 =	vmul.f32 $-1.000000000e+01, v18  }
0x3b0: {  	v34 =	vld [tilespmem:s2+$0x20]  }
0x3b1: {  	v35 =	vld [tilespmem:s2+$0x30];
	v18 =	vmul.f32 v30, v18  }
0x3b2: {  	v36 =	vld [tilespmem:s20+$0x0]  }
0x3b3: {  	v37 =	vld [tilespmem:s20+$0x10];
	v18 =	vmul.f32 $1.442695020e+00, v18  }
0x3b4: {  	(erf) = vpow2.f32 v29;
	v38 =	vld [tilespmem:s2+$0x0]  }
0x3b5: {  	v39 =	vld [tilespmem:s2+$0x10];
	(erf) = vpow2.f32 v18  }
0x3b6: {  	v40 =	vld [tilespmem:s20+$0x50]  }
0x3b7: {  	v42 =	vld [tilespmem:s2+$0x40]  }
0x3b8: {  	v44 =	vld [tilespmem:s2+$0x50]  }
0x3b9: {  	v24 =	vmul.f32 v31, v60;
	v26 =	vmul.f32 v32, v61  }
0x3ba: {  	v43 =	vmul.f32 v34, v33;
	v29 =	vmul.f32 v35, v63  }
0x3bb: {  	v28 =	vmul.f32 v1, v28;
	v48 =	vmul.f32 v38, v36  }
0x3bc: {  	v41 =	vpop (erf);
	v49 =	vmul.f32 v39, v37;
	v24 =	vadd.f32 v26, v24;
	v29 =	vadd.f32 v29, v43  }
0x3bd: {  	v53 =	vmul.f32 v42, v62;
	v54 =	vmul.f32 v44, v40;
	v18 =	vpop (erf)  }
0x3be: {  	(xrf2) =	vadd.scan.msk.f32 $0xffff, v28;
	v24 =	vmul.f32 $1.767766920e-01, v24;
	v51 =	vmul.f32 $1.767766920e-01, v29;
	v47 =	vpop (erf)  }
0x3bf: {  	(xrf2) =	vadd.scan.msk.f32 $0xffff, v15;
	v32 =	vadd.f32 v49, v48;
	v45 =	vmul.f32 v5, v18;
	v50 =	vmul.f32 v47, v10  }
0x3c0: {  	(xrf2) =	vadd.scan.msk.f32 $0xffff, v25;
	v46 =	vmul.f32 v6, v18;
	v52 =	vmul.f32 v47, v8  }
0x3c1: {  	v55 =	vmul.f32 $1.767766920e-01, v32;
	(xrf2) =	vadd.scan.msk.f32 $0xffff, v45;
	v56 =	vmul.f32 v47, v7;
	v24 =	vadd.f32 v50, v24  }
0x3c2: {  	v25 =	vadd.f32 v54, v53;
	(xrf2) =	vadd.scan.msk.f32 $0xffff, v46;
	v15 =	vadd.f32 v52, v51  }
0x3c3: {  	v22 =	vmul.f32 v41, v22;
	v57 =	vadd.f32 v56, v55;
	(xrf2) =	vadd.scan.msk.f32 $0xffff, v24  }
0x3c4: {  	v28, _, _ =	vpop (xrf2);
	v58 =	vmul.f32 $1.767766920e-01, v25;
	v59 =	vmul.f32 v47, v9;
	(xrf2) =	vadd.scan.msk.f32 $0xffff, v15  }
0x3c5: {  	v27 =	vadd.f32 v22, v27;
	v24, _, _ =	vpop (xrf2);
	(xrf2) =	vadd.scan.msk.f32 $0xffff, v57  }
0x3c6: {  	v15 =	vadd.f32 v59, v58;
	v29, _, _ =	vpop (xrf2)  }
0x3c7: {  	v60 =	vmul.f32 $5.000000000e-01, v27;
	v26, _, _ =	vpop (xrf2)  }
0x3c8: {  	v25, _, _ =	vpop (xrf2)  }
0x3c9: {  	v31 =	vadd.f32 v3, v60;
	v22, _, _ =	vpop (xrf2);
	(xrf2) =	vadd.scan.msk.f32 $0xffff, v15  }
0x3ca: {  	v15, _, _ =	vpop (xrf2)  }
0x3cb: {  	v48 =	vmul.f32 $-1.000000000e+01, v31;
	v30, _, _ =	vpop (xrf2)  }
0x3cc: {  	v27, _, _ =	vpop (xrf2)  }
0x3cd: {  	v31 =	vmul.f32 v48, v31;
	v62, _, _ =	vpop (xrf2)  }
0x3ce: {  	v61 =	vld [tilespmem:s20+$0xFFFFFF90];
	v33 =	vperm.xlane v62, v2;
	v47, _, _ =	vpop (xrf2)  }
0x3cf: {  	v63 =	vld [tilespmem:s2+$0xFFFFFF80];
	v31 =	vmul.f32 $1.442695020e+00, v31;
	v35 =	vperm.xlane v47, v2;
	v50, _, _ =	vpop (xrf2)  }
0x3d0: {  	v42 =	vld [tilespmem:s2+$0xFFFFFFC0];
	v33 =	vmul.f32 v1, v33;
	v38 =	vperm.xlane v50, v2  }
0x3d1: {  	v49 =	vld [tilespmem:s2+$0xFFFFFF90];
	v35 =	vmul.f32 v1, v35  }
0x3d2: {  	v53 =	vld [tilespmem:s20+$0xFFFFFFB0];
	(erf) = vpow2.f32 v31;
	(xrf2) =	vadd.scan.msk.f32 $0xffff, v33;
	v54 =	vmul.f32 v1, v38  }
0x3d3: {  	v43 =	vld [tilespmem:s2+$0xFFFFFFD0];
	(xrf2) =	vadd.scan.msk.f32 $0xffff, v35;
	v56, _, _ =	vpop (xrf2)  }
0x3d4: {  	v45 =	vld [tilespmem:s20+$0xFFFFFFF0];
	v35 =	vperm.xlane v56, v2;
	(xrf2) =	vadd.scan.msk.f32 $0xffff, v54  }
0x3d5: {  	v51 =	vld [tilespmem:s20+$0xFFFFFF80]  }
0x3d6: {  	v52 =	vld [tilespmem:s20+$0xFFFFFFA0];
	v35 =	vmul.f32 v1, v35  }
0x3d7: {  	v55 =	vld [tilespmem:s2+$0xFFFFFFA0]  }
0x3d8: {  	v59 =	vld [tilespmem:s20+$0xFFFFFFD0];
	(xrf2) =	vadd.scan.msk.f32 $0xffff, v35  }
0x3d9: {  	v57 =	vld [tilespmem:s2+$0xFFFFFFB0]  }
0x3da: {  	v58 =	vld [tilespmem:s20+$0xFFFFFFC0]  }
0x3db: {  	s14 =	sadd.s32 $0x20, s14;
	v32 =	vmul.f32 v49, v61;
	v48 =	vpop (erf);
	v34 =	vmul.f32 v63, v51;
	v63 =	vld [tilespmem:s2+$0xFFFFFFF0]  }
0x3dc: {  	v62 =	vld [tilespmem:s14+$0x0];
	v61, _, _ =	vpop (xrf2)  }
0x3dd: {  	v44 =	vld [tilespmem:s2+$0xFFFFFFE0];
	v49 =	vmul.f32 v48, v7;
	v32 =	vadd.f32 v32, v34;
	v31 =	vmul.f32 v43, v59;
	v46, _, _ =	vpop (xrf2)  }
0x3de: {  	v60 =	vld [tilespmem:s20+$0xFFFFFFE0];
	v36 =	vmul.f32 v57, v53;
	v38 =	vmul.f32 v55, v52;
	v47, _, _ =	vpop (xrf2)  }
0x3df: {  	v32 =	vmul.f32 $1.767766920e-01, v32;
	v34 =	vmul.f32 v1, v47  }
0x3e0: {  	v51 =	vmul.f32 v63, v45;
	v33 =	vmul.f32 v42, v58;
	v36 =	vadd.f32 v36, v38  }
0x3e1: {  	v32 =	vadd.f32 v49, v32;
	v41 =	vmul.f32 v4, v46;
	v34 =	vadd.f32 v34, v62  }
0x3e2: {  	v50 =	vmul.f32 v48, v8;
	v31 =	vadd.f32 v31, v33;
	v36 =	vmul.f32 $1.767766920e-01, v36;
	v52, _, _ =	vpop (xrf2)  }
0x3e3: {  	v35 =	vmul.f32 v44, v60;
	(xrf2) =	vadd.scan.msk.f32 $0xffff, v32;
	v53 =	vadd.f32 v41, v34;
	v54 =	vmul.f32 v5, v52  }
0x3e4: {  	v55 =	vmul.f32 v48, v9;
	v31 =	vmul.f32 $1.767766920e-01, v31;
	v36 =	vadd.f32 v50, v36  }
0x3e5: {  	v35 =	vadd.f32 v51, v35;
	v57 =	vmul.f32 v6, v61;
	v56 =	vadd.f32 v54, v53  }
0x3e6: {  	v58 =	vmul.f32 v48, v10;
	(xrf2) =	vadd.scan.msk.f32 $0xffff, v36  }
0x3e7: {  	v31 =	vadd.f32 v55, v31;
	v35 =	vmul.f32 $1.767766920e-01, v35;
	v32 =	vadd.f32 v57, v56;
	_ =	sdelay $0x1  }
0x3e8: {  	(xrf2) =	vadd.scan.msk.f32 $0xffff, v31;
	v59 =	vadd.f32 v58, v35;
	v60 =	vmul.f32 $1.442695020e+00, v32;
	_ =	sdelay $0x1  }
0x3e9: {  	(xrf2) =	vadd.scan.msk.f32 $0xffff, v59;
	(erf) = vpow2.f32 v60;
	_ =	sdelay $0x1  }
0x3ea: {  	v61, _, _ =	vpop (xrf2)  }
0x3eb: {  	v31 =	vperm.xlane v61, v2;
	_ =	sdelay $0x1  }
0x3ec: {  	v62, _, _ =	vpop (xrf2);
	v31 =	vmul.f32 v1, v31  }
0x3ed: {  	v32 =	vperm.xlane v62, v2;
	_ =	sdelay $0x1  }
0x3ee: {  	v63, _, _ =	vpop (xrf2);
	v32 =	vmul.f32 v1, v32  }
0x3ef: {  	v36 =	vmul.f32 v4, v18;
	v33 =	vperm.xlane v63, v2;
	(xrf2) =	vadd.scan.msk.f32 $0xffff, v31;
	v31 =	vpop (erf)  }
0x3f0: {  	v37, _, _ =	vpop (xrf2);
	(xrf2) =	vadd.scan.msk.f32 $0xffff, v32;
	v38 =	vmul.f32 v6, v31  }
0x3f1: {  	v33 =	vmul.f32 v1, v33;
	v32 =	vperm.xlane v37, v2;
	(xrf2) =	vadd.scan.msk.f32 $0xffff, v36  }
0x3f2: {  	(xrf2) =	vadd.scan.msk.f32 $0xffff, v38  }
0x3f3: {  	v32 =	vmul.f32 v1, v32;
	(xrf2) =	vadd.scan.msk.f32 $0xffff, v33;
	_ =	sdelay $0x1  }
0x3f4: {  	(xrf2) =	vadd.scan.msk.f32 $0xffff, v32;
	_ =	sdelay $0x1  }
0x3f5: {  	v39 =	vld [tilespmem:s14+$0xFFFFFFF0];
	_ =	sdelay $0x1  }
0x3f6: {  	v40, _, _ =	vpop (xrf2)  }
0x3f7: {  	v41, _, _ =	vpop (xrf2);
	v33 =	vmul.f32 v1, v40  }
0x3f8: {  	v35, _, _ =	vpop (xrf2)  }
0x3f9: {  	v42 =	vmul.f32 v4, v41;
	v32 =	vadd.f32 v33, v39;
	v43, _, _ =	vpop (xrf2)  }
0x3fa: {  	v44, _, _ =	vpop (xrf2)  }
0x3fb: {  	v45 =	vmul.f32 v5, v31;
	v32 =	vadd.f32 v42, v32;
	v46 =	vmul.f32 v5, v44  }
0x3fc: {  	v47, _, _ =	vpop (xrf2)  }
0x3fd: {  	(xrf2) =	vadd.scan.msk.f32 $0xffff, v45;
	v48 =	vmul.f32 v6, v47;
	v32 =	vadd.f32 v46, v32;
	_ =	sdelay $0x1  }
0x3fe: {  	v32 =	vadd.f32 v48, v32;
	_ =	sdelay $0x1  }
0x3ff: {  	v32 =	vmul.f32 $1.442695020e+00, v32  }
0x400: {  	s22 =	sadd.s32 $0x100, s24;
	v13 =	vmul.f32 v26, v13;
	v11 =	vmul.f32 v22, v11  }
0x401: {  	v12 =	vmul.f32 v22, v12;
	v22 =	vld [tilespmem:s22+$0x0];
	(erf) = vpow2.f32 v32  }
0x402: {  	v16 =	vmul.f32 v29, v16;
	v17 =	vmul.f32 v29, v17;
	[tilespmem:s13+$0xFFFFFFE0] =	vst v13;
	v13 =	vld [tilespmem:s22+$0x10]  }
0x403: {  	v14 =	vmul.f32 v26, v14;
	[tilespmem:s13+$0xFFFFFF70] =	vst v11;
	v11 =	vld [tilespmem:s22+$0x70];
	v54 =	vperm.xlane v43, v2  }
0x404: {  	v30 =	vperm.xlane v30, v2;
	v50 =	vld [tilespmem:s24+$0x20];
	v56 =	vmul.f32 v4, v31  }
0x405: {  	v55 =	vld [tilespmem:s24+$0x60];
	v57 =	vperm.xlane v27, v2;
	v58 =	vmul.f32 v1, v54;
	v59, _, _ =	vpop (xrf2)  }
0x406: {  	[tilespmem:s13+$0xFFFFFFB0] =	vst v16;
	v51 =	vld [tilespmem:s24+$0x30];
	v60 =	vmul.f32 v1, v30;
	(xrf2) =	vadd.scan.msk.f32 $0xffff, v56;
	v29 =	vperm.xlane v59, v2  }
0x407: {  	[tilespmem:s13+$0xFFFFFFC0] =	vst v17;
	v52 =	vld [tilespmem:s24+$0x40];
	v61 =	vmul.f32 v1, v57;
	(xrf2) =	vadd.scan.msk.f32 $0xffff, v58  }
0x408: {  	v23 =	vmul.f32 v24, v23;
	[tilespmem:s13+$0xFFFFFFD0] =	vst v14;
	v53 =	vld [tilespmem:s24+$0x50];
	(xrf2) =	vadd.scan.msk.f32 $0xffff, v60;
	v63 =	vmul.f32 v1, v29  }
0x409: {  	s20 =	sadd.s32 $0x120, s26;
	v49 =	vperm.xlane v28, v2;
	[tilespmem:s13+$0xFFFFFF80] =	vst v12;
	v27 =	vld [tilespmem:s24+$0xFFFFFF90];
	v36 =	vmul.f32 v1, v18;
	(xrf2) =	vadd.scan.msk.f32 $0xffff, v61  }
0x40a: {  	v20 =	vmul.f32 v15, v20;
	[tilespmem:s20+$0x70] =	vst v23;
	v30 =	vld [tilespmem:s24+$0xFFFFFF80];
	v40 =	vmul.f32 v1, v31;
	(xrf2) =	vadd.scan.msk.f32 $0xffff, v63;
	v17 =	vpop (erf)  }
0x40b: {  	[tilespmem:s20+$0x80] =	vst v19;
	v37 =	vld [tilespmem:s24+$0xFFFFFFA0];
	v33 =	vmul.f32 v1, v49;
	(xrf2) =	vadd.scan.msk.f32 $0xffff, v36;
	v43 =	vmul.f32 v5, v17  }
0x40c: {  	v15 =	vmul.f32 v15, v21;
	[tilespmem:s20+$0x0] =	vst v20;
	v38 =	vld [tilespmem:s22+$0x60];
	(xrf2) =	vadd.scan.msk.f32 $0xffff, v40  }
0x40d: {  	v41 =	vmul.f32 v25, v52;
	v39 =	vld [tilespmem:s24+$0xFFFFFFB0];
	v28 =	vadd.f32 v28, v33;
	v48 =	vmul.f32 v6, v17;
	(xrf2) =	vadd.scan.msk.f32 $0xffff, v43  }
0x40e: {  	[tilespmem:s20+$0x10] =	vst v15;
	v25 =	vmul.f32 v25, v53;
	v45 =	vld [tilespmem:s24+$0xFFFFFFD0]  }
0x40f: {  	[tilespmem:s20+$0x40] =	vst v41;
	v49 =	vld [tilespmem:s24+$0xFFFFFFF0];
	v33 =	vmul.f32 v28, v50;
	v47 =	vperm.xlane v35, v2;
	(xrf2) =	vadd.scan.msk.f32 $0xffff, v48  }
0x410: {  	[tilespmem:s20+$0x50] =	vst v25;
	v42 =	vld [tilespmem:s24+$0xFFFFFFC0];
	v62 =	vmul.f32 v28, v51;
	v51, _, _ =	vpop (xrf2)  }
0x411: {  	[tilespmem:s20+$0x20] =	vst v33;
	v44 =	vmul.f32 v24, v55;
	v55 =	vld [tilespmem:s22+$0x20];
	v50 =	vmul.f32 v1, v47;
	v52, _, _ =	vpop (xrf2)  }
0x412: {  	[tilespmem:s20+$0x30] =	vst v62;
	v46 =	vld [tilespmem:s24+$0xFFFFFFE0];
	v59 =	vperm.xlane v51, v2;
	v54, _, _ =	vpop (xrf2);
	v56 =	vmul.f32 v4, v17  }
0x413: {  	[tilespmem:s20+$0x60] =	vst v44;
	v60 =	vld [tilespmem:s22+$0x30];
	v53 =	vadd.f32 v35, v50;
	v11 =	vmul.f32 v52, v11;
	v57, _, _ =	vpop (xrf2)  }
0x414: {  	s23 =	sadd.s32 $0x120, s20;
	[tilespmem:s20+$0xFFFFFFF0] =	vst v18;
	v61 =	vld [tilespmem:s22+$0x40];
	v36 =	vmul.f32 v1, v59;
	v62, _, _ =	vpop (xrf2);
	(xrf2) =	vadd.scan.msk.f32 $0xffff, v56  }
0x415: {  	v58 =	vmul.f32 v53, v37;
	v37 =	vld [tilespmem:s22+$0x50];
	[tilespmem:s23+$0x70] =	vst v11;
	v11 =	vmul.f32 v54, v42;
	v63, _, _ =	vpop (xrf2)  }
0x416: {  	v12 =	vmul.f32 v53, v39;
	[tilespmem:s23+$0x80] =	vst v31;
	v15 =	vadd.f32 v51, v36;
	v39, _, _ =	vpop (xrf2)  }
0x417: {  	[tilespmem:s20+$0xFFFFFF90] =	vst v58;
	v40, _, _ =	vpop (xrf2)  }
0x418: {  	[tilespmem:s20+$0xFFFFFFA0] =	vst v12;
	v20 =	vmul.f32 v15, v55;
	v23 =	vperm.xlane v40, v2  }
0x419: {  	v15 =	vmul.f32 v15, v60;
	v12 =	vmul.f32 v52, v38;
	[tilespmem:s20+$0xFFFFFFB0] =	vst v11;
	v11, _, _ =	vpop (xrf2)  }
0x41a: {  	[tilespmem:s23+$0x20] =	vst v20;
	v11 =	vperm.xlane v11, v2;
	v41 =	vmul.f32 v1, v23  }
0x41b: {  	[tilespmem:s23+$0x30] =	vst v15;
	v21 =	vmul.f32 v54, v45  }
0x41c: {  	v14 =	vmul.f32 v57, v46;
	[tilespmem:s23+$0x60] =	vst v12;
	v11 =	vmul.f32 v1, v11;
	(xrf2) =	vadd.scan.msk.f32 $0xffff, v41  }
0x41d: {  	v42 =	vmul.f32 v57, v49;
	[tilespmem:s20+$0xFFFFFFC0] =	vst v21  }
0x41e: {  	v18 =	vmul.f32 v62, v37;
	[tilespmem:s20+$0xFFFFFFD0] =	vst v14;
	v45 =	vmul.f32 v1, v17;
	v46, _, _ =	vpop (xrf2);
	(xrf2) =	vadd.scan.msk.f32 $0xffff, v11  }
0x41f: {  	v44 =	vld [tilespmem:s22+$0xFFFFFF80];
	[tilespmem:s20+$0xFFFFFFE0] =	vst v42;
	v50 =	vmul.f32 v63, v27;
	v47 =	vperm.xlane v46, v2  }
0x420: {  	v49 =	vld [tilespmem:s22+$0xFFFFFFA0];
	[tilespmem:s23+$0x50] =	vst v18;
	v52 =	vmul.f32 v39, v22;
	(xrf2) =	vadd.scan.msk.f32 $0xffff, v45  }
0x421: {  	v51 =	vld [tilespmem:s22+$0xFFFFFFB0];
	v13 =	vmul.f32 v39, v13;
	[tilespmem:s20+$0xFFFFFF80] =	vst v50;
	v14 =	vmul.f32 v1, v47  }
0x422: {  	v53 =	vld [tilespmem:s22+$0xFFFFFFC0];
	v43 =	vmul.f32 v62, v61;
	[tilespmem:s23+$0x0] =	vst v52  }
0x423: {  	v54 =	vld [tilespmem:s22+$0xFFFFFFD0];
	v48 =	vmul.f32 v63, v30;
	[tilespmem:s23+$0x10] =	vst v13;
	v14 =	vadd.f32 v46, v14  }
0x424: {  	v55 =	vld [tilespmem:s22+$0xFFFFFFE0];
	[tilespmem:s23+$0x40] =	vst v43  }
0x425: {  	v56 =	vld [tilespmem:s22+$0xFFFFFFF0];
	[tilespmem:s20+$0xFFFFFF70] =	vst v48;
	v18 =	vmul.f32 v14, v49  }
0x426: {  	v11 =	vld [tilespmem:s22+$0xFFFFFF90];
	[tilespmem:s23+$0xFFFFFFF0] =	vst v17;
	v12 =	vmul.f32 v14, v51;
	v57, _, _ =	vpop (xrf2)  }
0x427: {  	[tilespmem:s23+$0xFFFFFF90] =	vst v18;
	v58 =	vmul.f32 v57, v53  }
0x428: {  	[tilespmem:s23+$0xFFFFFFA0] =	vst v12;
	v59 =	vmul.f32 v57, v54;
	v60, _, _ =	vpop (xrf2)  }
0x429: {  	v15 =	vmul.f32 v60, v55;
	[tilespmem:s23+$0xFFFFFFB0] =	vst v58  }
0x42a: {  	v61 =	vmul.f32 v60, v56;
	v62, _, _ =	vpop (xrf2);
	[tilespmem:s23+$0xFFFFFFC0] =	vst v59  }
0x42b: {  	v63 =	vmul.f32 v62, v44;
	[tilespmem:s23+$0xFFFFFFD0] =	vst v15  }
0x42c: {  	s12 =	sadd.s32 $0x1, s12;
	v11 =	vmul.f32 v62, v11;
	[tilespmem:s23+$0xFFFFFFE0] =	vst v61  }
0x42d: {  	p0 =	sne.s32 s12, $0x7D;
	[tilespmem:s23+$0xFFFFFF70] =	vst v63  }
.Ltmp2:
0x42e: {  	s26 =	simm.s32 $0x1E730;
	s24 =	rddreg [dreg:$0x2];
	[tilespmem:s23+$0xFFFFFF80] =	vst v11;
	(pc) =	sbr.rel @p0 .LBB2_2-.Ltmp2, $4  }
0x42f: {  	[spmem:s24] =	stream.indirect.scatter.add.f32 [tilespmem:s26], [sflag:$0xD], $0x90, s30, s19, $0xb8;
	[tilespmem:$0x1FDF0] =	vst v63  }
0x430: {  	_ =	swait.ge [sflag:s15], $0x1680  }
0x431: {  	[sflag:s15] =	ssyncset.done $0x0  }
0x432: {  	[sflag:s15] =	ssyncadd.s32 $0xFFFFE980  }
0x433: {  	[bflag:$0x0] =	sbarrier.arrive $0xFFFF  }
0x434: {  	s12 =	rddreg [dreg:$0x6]  }
0x435: {  	s2 =	rddreg [dreg:$0x9]  }
0x436: {  	s1 =	rddreg [dreg:$0xa]  }
0x437: {  	[hbm:s1], [sflag:s12] =	dma.local [spmem:s2], $0x2BF2  }
0x438: {  	_ =	swait.ge [sflag:s15], $0x2BF2  }
0x439: {  	s13 =	rddreg [dreg:$0xb]  }
0x43a: {  	s26 =	rddreg [dreg:$0x8];
	s13 =	sadd.s32 $0x1, s13  }
0x43b: {  	p0 =	sne.s32 s13, s26  }
.Ltmp3:
0x43c: {  	_ = 	snop;
	(pc) =	sbr.rel @p0 .LBB2_1-.Ltmp3, $3  }
0x43d: {  	_ =	sdelay $0x1  }
0x43e: {  	[sflag:s15] =	ssyncset.done $0x0  }
0x43f: {  	[sflag:s15] =	ssyncadd.s32 $0xFFFFD40E  }
0x440: {  	_ =	sfence.sel $0x180000  }
0x441: {  	[bflag:$0x0] =	sbarrier.arrive $0xFFFF  }
0x442: {  	_ =	strace $0x90000047  }
0x443: {  	s0 =	stileid.u32;
	[bflag:$0x2] =	sbarrier.arrive $0xFFFF  }
0x444: {  	p0 =	sne.s32 s0, $0x0;
	s0 =	rddreg [dreg:$0x3]  }
0x445: {  	s0 =	sadd.s32 @!p0 $0x100000, s0  }
0x446: {  	[sflag:s0] =	ssyncadd.tile.s32 @!p0 $0x1;
	_ =	shalt  }
.Lfunc_end2:
_tile_overlayer_lowered:
.L_overlay_start_2:
0x447: {  	(tag) =	ssettag $0x2  }
0x448: {  	s0 =	rddreg [dreg:$0x0];
	s2 =	stileid.u32  }
0x449: {  	s1 =	rddreg [dreg:$0x1];
	p0 =	sne.s32 s2, $0x0  }
0x44a: {  	s3 =	rddreg [dreg:$0x2];
	[bflag:$0x3] =	sbarrier.arrive $0xFFFF;
	s2 =	simm.s32 @!p0 $0x1C0D  }
0x44b: {  	[timem:s3], [sflag:s2] =	dma.local @!p0 [hbm:s0], s1  }
0x44c: {  	s0 =	simm.s32 @!p0 $0xD  }
0x44d: {  	_ =	swait.ge @!p0 [sflag:s0], s1  }
0x44e: {  	s1 =	ssub.s32 @!p0 $0x0, s1;
	[sflag:s0] =	ssyncset.done @!p0 $0x0  }
0x44f: {  	[sflag:s0] =	ssyncadd.s32 @!p0 s1  }
0x450: {  	[bflag:$0x3] =	sbarrier.arrive $0xFFFF  }
0x451: {  	_ =	shalt  }

</sc_bundles>
